<compile_context>
chip_gen: v7x
topology: tpu7x:2x2x1
jax: 0.10.2.dev20260603
libtpu: 0.0.44.dev20260713+nightly
codegen_flags: <defaults>
</compile_context>

<pallas_src>
import functools

import numpy as np
import jax
import jax.numpy as jnp
from jax import lax
from jax.experimental import pallas as pl
from jax.experimental.pallas import tpu as pltpu
from jax.experimental.pallas import tpu_sc as plsc

_RANDI = np.array([0, 3, 5, 7, 8, 11, 12, 15, 16, 19, 20, 23, 24, 27, 29, 30,
                   33, 35, 37, 39, 41, 43, 44, 47, 49, 51, 53, 54, 56, 59, 60,
                   63], dtype=np.int32)
_RANDJ = np.array([1, 2, 4, 6, 9, 10, 13, 14, 16, 19, 20, 22, 24, 27, 29, 30,
                   33, 34, 37, 39, 41, 42, 44, 46, 48, 50, 52, 54, 56, 59, 60,
                   62], dtype=np.int32)

_B, _C, _H, _W = 1024, 16, 64, 64
_NIN = _C * _H * _W
_NOUT = _C * 32 * 32
_NW = 32
_RPW = _NOUT // _NW
_K = 16
_NCH = _RPW // _K
_NBUF = 7
_LOOK = 5

_SRC_IDX = ((np.arange(_C)[:, None, None] * _H + _RANDJ[None, :, None]) * _W
            + _RANDI[None, None, :]).reshape(-1).astype(np.int32)

_mesh = plsc.VectorSubcoreMesh(core_axis_name="c", subcore_axis_name="s")


@functools.partial(
    pl.kernel,
    out_type=jax.ShapeDtypeStruct((_NOUT, _B), jnp.float32),
    mesh=_mesh,
    compiler_params=pltpu.CompilerParams(needs_layout_passes=False,
                                         use_tc_tiling_on_sc=True),
    scratch_types=[
        pltpu.VMEM((_RPW,), jnp.int32),
        pltpu.VMEM((_NBUF, _K, _B), jnp.float32),
        [pltpu.SemaphoreType.DMA] * _NBUF,
        [pltpu.SemaphoreType.DMA] * _NBUF,
    ],
)
def _sc_gather(table, idxs, out, idx_all, rows, gsems, osems):
    wid = lax.axis_index("s") * 2 + lax.axis_index("c")
    base = pl.multiple_of(wid * _RPW, _RPW)

    pltpu.sync_copy(idxs.at[pl.ds(base, _RPW)], idx_all)

    def gfire(k):
        pltpu.async_copy(table.at[idx_all.at[pl.ds(k * _K, _K)]],
                         rows.at[k % _NBUF], gsems[k % _NBUF])

    def gwait(k):
        pltpu.make_async_copy(table.at[idx_all.at[pl.ds(k * _K, _K)]],
                              rows.at[k % _NBUF], gsems[k % _NBUF]).wait()

    def odesc(k):
        dst = out.at[pl.ds(pl.multiple_of(base + k * _K, _K), _K)]
        return pltpu.make_async_copy(rows.at[k % _NBUF], dst, osems[k % _NBUF])

    for k in range(_LOOK):
        gfire(k)
    for k in range(_NCH):
        gwait(k)
        odesc(k).start()
        if k + _LOOK < _NCH:
            if k - (_NBUF - _LOOK) >= 0:
                odesc(k - (_NBUF - _LOOK)).wait()
            gfire(k + _LOOK)
    for k in range(_NCH - _NBUF, _NCH):
        odesc(k).wait()


def kernel(x):
    table = x.transpose(1, 2, 3, 0).reshape(_NIN, _B)
    idxs = jnp.asarray(_SRC_IDX)
    out = _sc_gather(table, idxs)
    return out.reshape(_C, 32, 32, _B).transpose(3, 0, 1, 2)

# --- scband reference (transcript-rebuilt; emitter-appended) ---
"""Pipeline reference for scband-sup-res2-31533649887984 (READ-ONLY COPY).

The authoritative reference and input builder live on the scoring server;
editing this copy changes nothing except your own understanding.
"""

import jax, jax.numpy as jnp
import numpy as np

def setup_inputs(seed: int = 0) -> dict:
    key = jax.random.key(seed)
    x = jax.random.normal(key, (1024, 16, 64, 64), dtype=jnp.float32)
    return {"x": x}

def reference(x):
    # Faithful translation: for each pair (h, h+1) with h in range(0,64,2),
    # pick one index at random along the last two axes, then gather.
    key = jax.random.key(42)
    k1, k2 = jax.random.split(key)
    base = jnp.arange(0, 64, 2, dtype=jnp.int32)
    randi = base + jax.random.randint(k1, (32,), 0, 2, dtype=jnp.int32)
    randj = base + jax.random.randint(k2, (32,), 0, 2, dtype=jnp.int32)
    out = jnp.take(x, randi, axis=-1)   # index_select along dim -1
    out = jnp.take(out, randj, axis=-2) # index_select along dim -2
    return jnp.squeeze(out)

if __name__ == "__main__":
    import jax
    _d = setup_inputs()
    print(jax.jit(kernel)(*tuple(_d.values())))

</pallas_src>

<mosaic_0001>
#map = affine_map<(d0, d1) -> (0, 0)>
#map1 = affine_map<(d0, d1) -> (0)>
module attributes {stable_mosaic.version = 14 : i64} {
  func.func @_sc_gather(%arg0: i32, %arg1: i32, %arg2: memref<65536x1024xf32, #tpu.memory_space<hbm>>, %arg3: memref<16384xi32, #tpu.memory_space<hbm>>, %arg4: memref<16384x1024xf32, #tpu.memory_space<hbm>>, %arg5: memref<512xi32, #tpu.memory_space<vmem>>, %arg6: memref<7x16x1024xf32, #tpu.memory_space<vmem>>, %arg7: memref<!tpu.dma_semaphore, #tpu.memory_space<semaphore_mem>>, %arg8: memref<!tpu.dma_semaphore, #tpu.memory_space<semaphore_mem>>, %arg9: memref<!tpu.dma_semaphore, #tpu.memory_space<semaphore_mem>>, %arg10: memref<!tpu.dma_semaphore, #tpu.memory_space<semaphore_mem>>, %arg11: memref<!tpu.dma_semaphore, #tpu.memory_space<semaphore_mem>>, %arg12: memref<!tpu.dma_semaphore, #tpu.memory_space<semaphore_mem>>, %arg13: memref<!tpu.dma_semaphore, #tpu.memory_space<semaphore_mem>>, %arg14: memref<!tpu.dma_semaphore, #tpu.memory_space<semaphore_mem>>, %arg15: memref<!tpu.dma_semaphore, #tpu.memory_space<semaphore_mem>>, %arg16: memref<!tpu.dma_semaphore, #tpu.memory_space<semaphore_mem>>, %arg17: memref<!tpu.dma_semaphore, #tpu.memory_space<semaphore_mem>>, %arg18: memref<!tpu.dma_semaphore, #tpu.memory_space<semaphore_mem>>, %arg19: memref<!tpu.dma_semaphore, #tpu.memory_space<semaphore_mem>>, %arg20: memref<!tpu.dma_semaphore, #tpu.memory_space<semaphore_mem>>) attributes {dimension_semantics = [#tpu.dimension_semantics<core_parallel>, #tpu.dimension_semantics<subcore_parallel>], iteration_bounds = array<i64: 2, 16>, scalar_prefetch = 0 : i64, scratch_operands = 16 : i64, tpu.core_type = #tpu.core_type<sc_vector_subcore>, window_params = [{transform_indices = #map}, {transform_indices = #map1}, {transform_indices = #map}]} {
    %mul3A = arith.constant 2 : i32
    %mul3A_0 = arith.muli %arg1, %mul3A : i32
    %add3A = arith.addi %mul3A_0, %arg0 : i32
    %mul3A_1 = arith.constant 512 : i32
    %mul3A_2 = arith.muli %add3A, %mul3A_1 : i32
    %multiple_of3A = tpu.assume_multiple %mul3A_2, 512 : i32
    "tpu.region"() ({
      %run_scoped3A = tpu.sem_alloc : memref<!tpu.dma_semaphore, #tpu.memory_space<semaphore_mem>>
      %dma_start3A_1665 = tpu.memref_slice %arg3[%multiple_of3A] : memref<16384xi32, #tpu.memory_space<hbm>> -> memref<512xi32, #tpu.memory_space<hbm>>
      %dma_start3A_1666 = tpu.memref_slice %arg3[%multiple_of3A] : memref<16384xi32, #tpu.memory_space<hbm>> -> memref<512xi32, #tpu.memory_space<hbm>>
      tpu.enqueue_dma source(%dma_start3A_1666 : memref<512xi32, #tpu.memory_space<hbm>>) target(%arg5 : memref<512xi32, #tpu.memory_space<vmem>>) target_semaphore(%run_scoped3A : memref<!tpu.dma_semaphore, #tpu.memory_space<semaphore_mem>>)
      %dma_wait3A_1667 = tpu.memref_slice %arg3[%multiple_of3A] : memref<16384xi32, #tpu.memory_space<hbm>> -> memref<512xi32, #tpu.memory_space<hbm>>
      %dma_wait3A_1668 = tpu.memref_slice %arg3[%multiple_of3A] : memref<16384xi32, #tpu.memory_space<hbm>> -> memref<512xi32, #tpu.memory_space<hbm>>
      tpu.wait_dma2 semaphore(%run_scoped3A : memref<!tpu.dma_semaphore, #tpu.memory_space<semaphore_mem>>) src(%dma_wait3A_1668 : memref<512xi32, #tpu.memory_space<hbm>>) dst(%arg5 : memref<512xi32, #tpu.memory_space<vmem>>)
      tpu.yield
    }) : () -> ()
    %dma_start3A = arith.constant 0 : i32
    %dma_start3A_3 = arith.constant 0 : i32
    %dma_start3A_4 = arith.constant 0 : i32
    %dma_start3A_5 = tpu.memref_slice %arg6[%dma_start3A, %dma_start3A_3, %dma_start3A_4] : memref<7x16x1024xf32, #tpu.memory_space<vmem>> -> memref<1x16x1024xf32, #tpu.memory_space<vmem>>
    %dma_start3A_6 = tpu.memref_squeeze %dma_start3A_5 : memref<1x16x1024xf32, #tpu.memory_space<vmem>> -> memref<16x1024xf32, #tpu.memory_space<vmem>>
    %dma_start3A_7 = arith.constant 0 : i32
    %dma_start3A_8 = tpu.memref_slice %arg5[%dma_start3A_7] : memref<512xi32, #tpu.memory_space<vmem>> -> memref<16xi32, #tpu.memory_space<vmem>>
    %dma_start3A_9 = arith.constant 0 : i32
    %dma_start3A_10 = arith.constant 0 : i32
    %dma_start3A_11 = tpu.memref_slice %arg2[%dma_start3A_9, %dma_start3A_10] : memref<65536x1024xf32, #tpu.memory_space<hbm>> -> memref<65536x1024xf32, #tpu.memory_space<hbm>>
    tpu.enqueue_indirect_dma source(%dma_start3A_11 : memref<65536x1024xf32, #tpu.memory_space<hbm>>) target(%dma_start3A_6 : memref<16x1024xf32, #tpu.memory_space<vmem>>) offsets(%dma_start3A_8 : memref<16xi32, #tpu.memory_space<vmem>>) semaphore(%arg7 : memref<!tpu.dma_semaphore, #tpu.memory_space<semaphore_mem>>)
    %dma_start3A_12 = arith.constant 1 : i32
    %dma_start3A_13 = arith.constant 0 : i32
    %dma_start3A_14 = arith.constant 0 : i32
    %dma_start3A_15 = tpu.memref_slice %arg6[%dma_start3A_12, %dma_start3A_13, %dma_start3A_14] : memref<7x16x1024xf32, #tpu.memory_space<vmem>> -> memref<1x16x1024xf32, #tpu.memory_space<vmem>>
    %dma_start3A_16 = tpu.memref_squeeze %dma_start3A_15 : memref<1x16x1024xf32, #tpu.memory_space<vmem>> -> memref<16x1024xf32, #tpu.memory_space<vmem>>
    %dma_start3A_17 = arith.constant 16 : i32
    %dma_start3A_18 = tpu.memref_slice %arg5[%dma_start3A_17] : memref<512xi32, #tpu.memory_space<vmem>> -> memref<16xi32, #tpu.memory_space<vmem>>
    %dma_start3A_19 = arith.constant 0 : i32
    %dma_start3A_20 = arith.constant 0 : i32
    %dma_start3A_21 = tpu.memref_slice %arg2[%dma_start3A_19, %dma_start3A_20] : memref<65536x1024xf32, #tpu.memory_space<hbm>> -> memref<65536x1024xf32, #tpu.memory_space<hbm>>
    tpu.enqueue_indirect_dma source(%dma_start3A_21 : memref<65536x1024xf32, #tpu.memory_space<hbm>>) target(%dma_start3A_16 : memref<16x1024xf32, #tpu.memory_space<vmem>>) offsets(%dma_start3A_18 : memref<16xi32, #tpu.memory_space<vmem>>) semaphore(%arg8 : memref<!tpu.dma_semaphore, #tpu.memory_space<semaphore_mem>>)
    %dma_start3A_22 = arith.constant 2 : i32
    %dma_start3A_23 = arith.constant 0 : i32
    %dma_start3A_24 = arith.constant 0 : i32
    %dma_start3A_25 = tpu.memref_slice %arg6[%dma_start3A_22, %dma_start3A_23, %dma_start3A_24] : memref<7x16x1024xf32, #tpu.memory_space<vmem>> -> memref<1x16x1024xf32, #tpu.memory_space<vmem>>
    %dma_start3A_26 = tpu.memref_squeeze %dma_start3A_25 : memref<1x16x1024xf32, #tpu.memory_space<vmem>> -> memref<16x1024xf32, #tpu.memory_space<vmem>>
    %dma_start3A_27 = arith.constant 32 : i32
    %dma_start3A_28 = tpu.memref_slice %arg5[%dma_start3A_27] : memref<512xi32, #tpu.memory_space<vmem>> -> memref<16xi32, #tpu.memory_space<vmem>>
    %dma_start3A_29 = arith.constant 0 : i32
    %dma_start3A_30 = arith.constant 0 : i32
    %dma_start3A_31 = tpu.memref_slice %arg2[%dma_start3A_29, %dma_start3A_30] : memref<65536x1024xf32, #tpu.memory_space<hbm>> -> memref<65536x1024xf32, #tpu.memory_space<hbm>>
    tpu.enqueue_indirect_dma source(%dma_start3A_31 : memref<65536x1024xf32, #tpu.memory_space<hbm>>) target(%dma_start3A_26 : memref<16x1024xf32, #tpu.memory_space<vmem>>) offsets(%dma_start3A_28 : memref<16xi32, #tpu.memory_space<vmem>>) semaphore(%arg9 : memref<!tpu.dma_semaphore, #tpu.memory_space<semaphore_mem>>)
    %dma_start3A_32 = arith.constant 3 : i32
    %dma_start3A_33 = arith.constant 0 : i32
    %dma_start3A_34 = arith.constant 0 : i32
    %dma_start3A_35 = tpu.memref_slice %arg6[%dma_start3A_32, %dma_start3A_33, %dma_start3A_34] : memref<7x16x1024xf32, #tpu.memory_space<vmem>> -> memref<1x16x1024xf32, #tpu.memory_space<vmem>>
    %dma_start3A_36 = tpu.memref_squeeze %dma_start3A_35 : memref<1x16x1024xf32, #tpu.memory_space<vmem>> -> memref<16x1024xf32, #tpu.memory_space<vmem>>
    %dma_start3A_37 = arith.constant 48 : i32
    %dma_start3A_38 = tpu.memref_slice %arg5[%dma_start3A_37] : memref<512xi32, #tpu.memory_space<vmem>> -> memref<16xi32, #tpu.memory_space<vmem>>
    %dma_start3A_39 = arith.constant 0 : i32
    %dma_start3A_40 = arith.constant 0 : i32
    %dma_start3A_41 = tpu.memref_slice %arg2[%dma_start3A_39, %dma_start3A_40] : memref<65536x1024xf32, #tpu.memory_space<hbm>> -> memref<65536x1024xf32, #tpu.memory_space<hbm>>
    tpu.enqueue_indirect_dma source(%dma_start3A_41 : memref<65536x1024xf32, #tpu.memory_space<hbm>>) target(%dma_start3A_36 : memref<16x1024xf32, #tpu.memory_space<vmem>>) offsets(%dma_start3A_38 : memref<16xi32, #tpu.memory_space<vmem>>) semaphore(%arg10 : memref<!tpu.dma_semaphore, #tpu.memory_space<semaphore_mem>>)
    %dma_start3A_42 = arith.constant 4 : i32
    %dma_start3A_43 = arith.constant 0 : i32
    %dma_start3A_44 = arith.constant 0 : i32
    %dma_start3A_45 = tpu.memref_slice %arg6[%dma_start3A_42, %dma_start3A_43, %dma_start3A_44] : memref<7x16x1024xf32, #tpu.memory_space<vmem>> -> memref<1x16x1024xf32, #tpu.memory_space<vmem>>
    %dma_start3A_46 = tpu.memref_squeeze %dma_start3A_45 : memref<1x16x1024xf32, #tpu.memory_space<vmem>> -> memref<16x1024xf32, #tpu.memory_space<vmem>>
    %dma_start3A_47 = arith.constant 64 : i32
    %dma_start3A_48 = tpu.memref_slice %arg5[%dma_start3A_47] : memref<512xi32, #tpu.memory_space<vmem>> -> memref<16xi32, #tpu.memory_space<vmem>>
    %dma_start3A_49 = arith.constant 0 : i32
    %dma_start3A_50 = arith.constant 0 : i32
    %dma_start3A_51 = tpu.memref_slice %arg2[%dma_start3A_49, %dma_start3A_50] : memref<65536x1024xf32, #tpu.memory_space<hbm>> -> memref<65536x1024xf32, #tpu.memory_space<hbm>>
    tpu.enqueue_indirect_dma source(%dma_start3A_51 : memref<65536x1024xf32, #tpu.memory_space<hbm>>) target(%dma_start3A_46 : memref<16x1024xf32, #tpu.memory_space<vmem>>) offsets(%dma_start3A_48 : memref<16xi32, #tpu.memory_space<vmem>>) semaphore(%arg11 : memref<!tpu.dma_semaphore, #tpu.memory_space<semaphore_mem>>)
    %dma_wait3A = arith.constant 0 : i32
    %dma_wait3A_52 = arith.constant 0 : i32
    %dma_wait3A_53 = arith.constant 0 : i32
    %dma_wait3A_54 = tpu.memref_slice %arg6[%dma_wait3A, %dma_wait3A_52, %dma_wait3A_53] : memref<7x16x1024xf32, #tpu.memory_space<vmem>> -> memref<1x16x1024xf32, #tpu.memory_space<vmem>>
    %dma_wait3A_55 = tpu.memref_squeeze %dma_wait3A_54 : memref<1x16x1024xf32, #tpu.memory_space<vmem>> -> memref<16x1024xf32, #tpu.memory_space<vmem>>
    %dma_wait3A_56 = arith.constant 0 : i32
    %dma_wait3A_57 = tpu.memref_slice %arg5[%dma_wait3A_56] : memref<512xi32, #tpu.memory_space<vmem>> -> memref<16xi32, #tpu.memory_space<vmem>>
    %dma_wait3A_58 = arith.constant 0 : i32
    %dma_wait3A_59 = arith.constant 0 : i32
    %dma_wait3A_60 = tpu.memref_slice %arg2[%dma_wait3A_58, %dma_wait3A_59] : memref<65536x1024xf32, #tpu.memory_space<hbm>> -> memref<65536x1024xf32, #tpu.memory_space<hbm>>
    tpu.wait_indirect_dma semaphore(%arg7 : memref<!tpu.dma_semaphore, #tpu.memory_space<semaphore_mem>>) src(%dma_wait3A_60 : memref<65536x1024xf32, #tpu.memory_space<hbm>>) dst(%dma_wait3A_55 : memref<16x1024xf32, #tpu.memory_space<vmem>>)
    %add3A_61 = arith.constant 0 : i32
    %add3A_62 = arith.addi %multiple_of3A, %add3A_61 : i32
    %multiple_of3A_63 = tpu.assume_multiple %add3A_62, 16 : i32
    %dma_start3A_64 = arith.constant 0 : i32
    %dma_start3A_65 = arith.constant 0 : i32
    %dma_start3A_66 = arith.constant 0 : i32
    %dma_start3A_67 = tpu.memref_slice %arg6[%dma_start3A_64, %dma_start3A_65, %dma_start3A_66] : memref<7x16x1024xf32, #tpu.memory_space<vmem>> -> memref<1x16x1024xf32, #tpu.memory_space<vmem>>
    %dma_start3A_68 = tpu.memref_squeeze %dma_start3A_67 : memref<1x16x1024xf32, #tpu.memory_space<vmem>> -> memref<16x1024xf32, #tpu.memory_space<vmem>>
    %dma_start3A_69 = arith.constant 0 : i32
    %dma_start3A_70 = tpu.memref_slice %arg4[%multiple_of3A_63, %dma_start3A_69] : memref<16384x1024xf32, #tpu.memory_space<hbm>> -> memref<16x1024xf32, #tpu.memory_space<hbm>>
    %dma_start3A_71 = arith.constant 0 : i32
    %dma_start3A_72 = tpu.memref_slice %arg4[%multiple_of3A_63, %dma_start3A_71] : memref<16384x1024xf32, #tpu.memory_space<hbm>> -> memref<16x1024xf32, #tpu.memory_space<hbm>>
    %dma_start3A_73 = arith.constant 0 : i32
    %dma_start3A_74 = arith.constant 0 : i32
    %dma_start3A_75 = tpu.memref_slice %arg6[%dma_start3A_64, %dma_start3A_73, %dma_start3A_74] : memref<7x16x1024xf32, #tpu.memory_space<vmem>> -> memref<1x16x1024xf32, #tpu.memory_space<vmem>>
    %dma_start3A_76 = tpu.memref_squeeze %dma_start3A_75 : memref<1x16x1024xf32, #tpu.memory_space<vmem>> -> memref<16x1024xf32, #tpu.memory_space<vmem>>
    tpu.enqueue_dma source(%dma_start3A_76 : memref<16x1024xf32, #tpu.memory_space<vmem>>) target(%dma_start3A_72 : memref<16x1024xf32, #tpu.memory_space<hbm>>) target_semaphore(%arg14 : memref<!tpu.dma_semaphore, #tpu.memory_space<semaphore_mem>>)
    %dma_start3A_77 = arith.constant 5 : i32
    %dma_start3A_78 = arith.constant 0 : i32
    %dma_start3A_79 = arith.constant 0 : i32
    %dma_start3A_80 = tpu.memref_slice %arg6[%dma_start3A_77, %dma_start3A_78, %dma_start3A_79] : memref<7x16x1024xf32, #tpu.memory_space<vmem>> -> memref<1x16x1024xf32, #tpu.memory_space<vmem>>
    %dma_start3A_81 = tpu.memref_squeeze %dma_start3A_80 : memref<1x16x1024xf32, #tpu.memory_space<vmem>> -> memref<16x1024xf32, #tpu.memory_space<vmem>>
    %dma_start3A_82 = arith.constant 80 : i32
    %dma_start3A_83 = tpu.memref_slice %arg5[%dma_start3A_82] : memref<512xi32, #tpu.memory_space<vmem>> -> memref<16xi32, #tpu.memory_space<vmem>>
    %dma_start3A_84 = arith.constant 0 : i32
    %dma_start3A_85 = arith.constant 0 : i32
    %dma_start3A_86 = tpu.memref_slice %arg2[%dma_start3A_84, %dma_start3A_85] : memref<65536x1024xf32, #tpu.memory_space<hbm>> -> memref<65536x1024xf32, #tpu.memory_space<hbm>>
    tpu.enqueue_indirect_dma source(%dma_start3A_86 : memref<65536x1024xf32, #tpu.memory_space<hbm>>) target(%dma_start3A_81 : memref<16x1024xf32, #tpu.memory_space<vmem>>) offsets(%dma_start3A_83 : memref<16xi32, #tpu.memory_space<vmem>>) semaphore(%arg12 : memref<!tpu.dma_semaphore, #tpu.memory_space<semaphore_mem>>)
    %dma_wait3A_87 = arith.constant 1 : i32
    %dma_wait3A_88 = arith.constant 0 : i32
    %dma_wait3A_89 = arith.constant 0 : i32
    %dma_wait3A_90 = tpu.memref_slice %arg6[%dma_wait3A_87, %dma_wait3A_88, %dma_wait3A_89] : memref<7x16x1024xf32, #tpu.memory_space<vmem>> -> memref<1x16x1024xf32, #tpu.memory_space<vmem>>
    %dma_wait3A_91 = tpu.memref_squeeze %dma_wait3A_90 : memref<1x16x1024xf32, #tpu.memory_space<vmem>> -> memref<16x1024xf32, #tpu.memory_space<vmem>>
    %dma_wait3A_92 = arith.constant 16 : i32
    %dma_wait3A_93 = tpu.memref_slice %arg5[%dma_wait3A_92] : memref<512xi32, #tpu.memory_space<vmem>> -> memref<16xi32, #tpu.memory_space<vmem>>
    %dma_wait3A_94 = arith.constant 0 : i32
    %dma_wait3A_95 = arith.constant 0 : i32
    %dma_wait3A_96 = tpu.memref_slice %arg2[%dma_wait3A_94, %dma_wait3A_95] : memref<65536x1024xf32, #tpu.memory_space<hbm>> -> memref<65536x1024xf32, #tpu.memory_space<hbm>>
    tpu.wait_indirect_dma semaphore(%arg8 : memref<!tpu.dma_semaphore, #tpu.memory_space<semaphore_mem>>) src(%dma_wait3A_96 : memref<65536x1024xf32, #tpu.memory_space<hbm>>) dst(%dma_wait3A_91 : memref<16x1024xf32, #tpu.memory_space<vmem>>)
    %add3A_97 = arith.constant 16 : i32
    %add3A_98 = arith.addi %multiple_of3A, %add3A_97 : i32
    %multiple_of3A_99 = tpu.assume_multiple %add3A_98, 16 : i32
    %dma_start3A_100 = arith.constant 1 : i32
    %dma_start3A_101 = arith.constant 0 : i32
    %dma_start3A_102 = arith.constant 0 : i32
    %dma_start3A_103 = tpu.memref_slice %arg6[%dma_start3A_100, %dma_start3A_101, %dma_start3A_102] : memref<7x16x1024xf32, #tpu.memory_space<vmem>> -> memref<1x16x1024xf32, #tpu.memory_space<vmem>>
    %dma_start3A_104 = tpu.memref_squeeze %dma_start3A_103 : memref<1x16x1024xf32, #tpu.memory_space<vmem>> -> memref<16x1024xf32, #tpu.memory_space<vmem>>
    %dma_start3A_105 = arith.constant 0 : i32
    %dma_start3A_106 = tpu.memref_slice %arg4[%multiple_of3A_99, %dma_start3A_105] : memref<16384x1024xf32, #tpu.memory_space<hbm>> -> memref<16x1024xf32, #tpu.memory_space<hbm>>
    %dma_start3A_107 = arith.constant 0 : i32
    %dma_start3A_108 = tpu.memref_slice %arg4[%multiple_of3A_99, %dma_start3A_107] : memref<16384x1024xf32, #tpu.memory_space<hbm>> -> memref<16x1024xf32, #tpu.memory_space<hbm>>
    %dma_start3A_109 = arith.constant 0 : i32
    %dma_start3A_110 = arith.constant 0 : i32
    %dma_start3A_111 = tpu.memref_slice %arg6[%dma_start3A_100, %dma_start3A_109, %dma_start3A_110] : memref<7x16x1024xf32, #tpu.memory_space<vmem>> -> memref<1x16x1024xf32, #tpu.memory_space<vmem>>
    %dma_start3A_112 = tpu.memref_squeeze %dma_start3A_111 : memref<1x16x1024xf32, #tpu.memory_space<vmem>> -> memref<16x1024xf32, #tpu.memory_space<vmem>>
    tpu.enqueue_dma source(%dma_start3A_112 : memref<16x1024xf32, #tpu.memory_space<vmem>>) target(%dma_start3A_108 : memref<16x1024xf32, #tpu.memory_space<hbm>>) target_semaphore(%arg15 : memref<!tpu.dma_semaphore, #tpu.memory_space<semaphore_mem>>)
    %dma_start3A_113 = arith.constant 6 : i32
    %dma_start3A_114 = arith.constant 0 : i32
    %dma_start3A_115 = arith.constant 0 : i32
    %dma_start3A_116 = tpu.memref_slice %arg6[%dma_start3A_113, %dma_start3A_114, %dma_start3A_115] : memref<7x16x1024xf32, #tpu.memory_space<vmem>> -> memref<1x16x1024xf32, #tpu.memory_space<vmem>>
    %dma_start3A_117 = tpu.memref_squeeze %dma_start3A_116 : memref<1x16x1024xf32, #tpu.memory_space<vmem>> -> memref<16x1024xf32, #tpu.memory_space<vmem>>
    %dma_start3A_118 = arith.constant 96 : i32
    %dma_start3A_119 = tpu.memref_slice %arg5[%dma_start3A_118] : memref<512xi32, #tpu.memory_space<vmem>> -> memref<16xi32, #tpu.memory_space<vmem>>
    %dma_start3A_120 = arith.constant 0 : i32
    %dma_start3A_121 = arith.constant 0 : i32
    %dma_start3A_122 = tpu.memref_slice %arg2[%dma_start3A_120, %dma_start3A_121] : memref<65536x1024xf32, #tpu.memory_space<hbm>> -> memref<65536x1024xf32, #tpu.memory_space<hbm>>
    tpu.enqueue_indirect_dma source(%dma_start3A_122 : memref<65536x1024xf32, #tpu.memory_space<hbm>>) target(%dma_start3A_117 : memref<16x1024xf32, #tpu.memory_space<vmem>>) offsets(%dma_start3A_119 : memref<16xi32, #tpu.memory_space<vmem>>) semaphore(%arg13 : memref<!tpu.dma_semaphore, #tpu.memory_space<semaphore_mem>>)
    %dma_wait3A_123 = arith.constant 2 : i32
    %dma_wait3A_124 = arith.constant 0 : i32
    %dma_wait3A_125 = arith.constant 0 : i32
    %dma_wait3A_126 = tpu.memref_slice %arg6[%dma_wait3A_123, %dma_wait3A_124, %dma_wait3A_125] : memref<7x16x1024xf32, #tpu.memory_space<vmem>> -> memref<1x16x1024xf32, #tpu.memory_space<vmem>>
    %dma_wait3A_127 = tpu.memref_squeeze %dma_wait3A_126 : memref<1x16x1024xf32, #tpu.memory_space<vmem>> -> memref<16x1024xf32, #tpu.memory_space<vmem>>
    %dma_wait3A_128 = arith.constant 32 : i32
    %dma_wait3A_129 = tpu.memref_slice %arg5[%dma_wait3A_128] : memref<512xi32, #tpu.memory_space<vmem>> -> memref<16xi32, #tpu.memory_space<vmem>>
    %dma_wait3A_130 = arith.constant 0 : i32
    %dma_wait3A_131 = arith.constant 0 : i32
    %dma_wait3A_132 = tpu.memref_slice %arg2[%dma_wait3A_130, %dma_wait3A_131] : memref<65536x1024xf32, #tpu.memory_space<hbm>> -> memref<65536x1024xf32, #tpu.memory_space<hbm>>
    tpu.wait_indirect_dma semaphore(%arg9 : memref<!tpu.dma_semaphore, #tpu.memory_space<semaphore_mem>>) src(%dma_wait3A_132 : memref<65536x1024xf32, #tpu.memory_space<hbm>>) dst(%dma_wait3A_127 : memref<16x1024xf32, #tpu.memory_space<vmem>>)
    %add3A_133 = arith.constant 32 : i32
    %add3A_134 = arith.addi %multiple_of3A, %add3A_133 : i32
    %multiple_of3A_135 = tpu.assume_multiple %add3A_134, 16 : i32
    %dma_start3A_136 = arith.constant 2 : i32
    %dma_start3A_137 = arith.constant 0 : i32
    %dma_start3A_138 = arith.constant 0 : i32
    %dma_start3A_139 = tpu.memref_slice %arg6[%dma_start3A_136, %dma_start3A_137, %dma_start3A_138] : memref<7x16x1024xf32, #tpu.memory_space<vmem>> -> memref<1x16x1024xf32, #tpu.memory_space<vmem>>
    %dma_start3A_140 = tpu.memref_squeeze %dma_start3A_139 : memref<1x16x1024xf32, #tpu.memory_space<vmem>> -> memref<16x1024xf32, #tpu.memory_space<vmem>>
    %dma_start3A_141 = arith.constant 0 : i32
    %dma_start3A_142 = tpu.memref_slice %arg4[%multiple_of3A_135, %dma_start3A_141] : memref<16384x1024xf32, #tpu.memory_space<hbm>> -> memref<16x1024xf32, #tpu.memory_space<hbm>>
    %dma_start3A_143 = arith.constant 0 : i32
    %dma_start3A_144 = tpu.memref_slice %arg4[%multiple_of3A_135, %dma_start3A_143] : memref<16384x1024xf32, #tpu.memory_space<hbm>> -> memref<16x1024xf32, #tpu.memory_space<hbm>>
    %dma_start3A_145 = arith.constant 0 : i32
    %dma_start3A_146 = arith.constant 0 : i32
    %dma_start3A_147 = tpu.memref_slice %arg6[%dma_start3A_136, %dma_start3A_145, %dma_start3A_146] : memref<7x16x1024xf32, #tpu.memory_space<vmem>> -> memref<1x16x1024xf32, #tpu.memory_space<vmem>>
    %dma_start3A_148 = tpu.memref_squeeze %dma_start3A_147 : memref<1x16x1024xf32, #tpu.memory_space<vmem>> -> memref<16x1024xf32, #tpu.memory_space<vmem>>
    tpu.enqueue_dma source(%dma_start3A_148 : memref<16x1024xf32, #tpu.memory_space<vmem>>) target(%dma_start3A_144 : memref<16x1024xf32, #tpu.memory_space<hbm>>) target_semaphore(%arg16 : memref<!tpu.dma_semaphore, #tpu.memory_space<semaphore_mem>>)
    %add3A_149 = arith.constant 0 : i32
    %add3A_150 = arith.addi %multiple_of3A, %add3A_149 : i32
    %multiple_of3A_151 = tpu.assume_multiple %add3A_150, 16 : i32
    %dma_wait3A_152 = arith.constant 0 : i32
    %dma_wait3A_153 = arith.constant 0 : i32
    %dma_wait3A_154 = arith.constant 0 : i32
    %dma_wait3A_155 = tpu.memref_slice %arg6[%dma_wait3A_152, %dma_wait3A_153, %dma_wait3A_154] : memref<7x16x1024xf32, #tpu.memory_space<vmem>> -> memref<1x16x1024xf32, #tpu.memory_space<vmem>>
    %dma_wait3A_156 = tpu.memref_squeeze %dma_wait3A_155 : memref<1x16x1024xf32, #tpu.memory_space<vmem>> -> memref<16x1024xf32, #tpu.memory_space<vmem>>
    %dma_wait3A_157 = arith.constant 0 : i32
    %dma_wait3A_158 = tpu.memref_slice %arg4[%multiple_of3A_151, %dma_wait3A_157] : memref<16384x1024xf32, #tpu.memory_space<hbm>> -> memref<16x1024xf32, #tpu.memory_space<hbm>>
    %dma_wait3A_159 = arith.constant 0 : i32
    %dma_wait3A_160 = tpu.memref_slice %arg4[%multiple_of3A_151, %dma_wait3A_159] : memref<16384x1024xf32, #tpu.memory_space<hbm>> -> memref<16x1024xf32, #tpu.memory_space<hbm>>
    %dma_wait3A_161 = arith.constant 0 : i32
    %dma_wait3A_162 = arith.constant 0 : i32
    %dma_wait3A_163 = tpu.memref_slice %arg6[%dma_wait3A_152, %dma_wait3A_161, %dma_wait3A_162] : memref<7x16x1024xf32, #tpu.memory_space<vmem>> -> memref<1x16x1024xf32, #tpu.memory_space<vmem>>
    %dma_wait3A_164 = tpu.memref_squeeze %dma_wait3A_163 : memref<1x16x1024xf32, #tpu.memory_space<vmem>> -> memref<16x1024xf32, #tpu.memory_space<vmem>>
    tpu.wait_dma2 semaphore(%arg14 : memref<!tpu.dma_semaphore, #tpu.memory_space<semaphore_mem>>) src(%dma_wait3A_164 : memref<16x1024xf32, #tpu.memory_space<vmem>>) dst(%dma_wait3A_160 : memref<16x1024xf32, #tpu.memory_space<hbm>>)
    %dma_start3A_165 = arith.constant 0 : i32
    %dma_start3A_166 = arith.constant 0 : i32
    %dma_start3A_167 = arith.constant 0 : i32
    %dma_start3A_168 = tpu.memref_slice %arg6[%dma_start3A_165, %dma_start3A_166, %dma_start3A_167] : memref<7x16x1024xf32, #tpu.memory_space<vmem>> -> memref<1x16x1024xf32, #tpu.memory_space<vmem>>
    %dma_start3A_169 = tpu.memref_squeeze %dma_start3A_168 : memref<1x16x1024xf32, #tpu.memory_space<vmem>> -> memref<16x1024xf32, #tpu.memory_space<vmem>>
    %dma_start3A_170 = arith.constant 112 : i32
    %dma_start3A_171 = tpu.memref_slice %arg5[%dma_start3A_170] : memref<512xi32, #tpu.memory_space<vmem>> -> memref<16xi32, #tpu.memory_space<vmem>>
    %dma_start3A_172 = arith.constant 0 : i32
    %dma_start3A_173 = arith.constant 0 : i32
    %dma_start3A_174 = tpu.memref_slice %arg2[%dma_start3A_172, %dma_start3A_173] : memref<65536x1024xf32, #tpu.memory_space<hbm>> -> memref<65536x1024xf32, #tpu.memory_space<hbm>>
    tpu.enqueue_indirect_dma source(%dma_start3A_174 : memref<65536x1024xf32, #tpu.memory_space<hbm>>) target(%dma_start3A_169 : memref<16x1024xf32, #tpu.memory_space<vmem>>) offsets(%dma_start3A_171 : memref<16xi32, #tpu.memory_space<vmem>>) semaphore(%arg7 : memref<!tpu.dma_semaphore, #tpu.memory_space<semaphore_mem>>)
    %dma_wait3A_175 = arith.constant 3 : i32
    %dma_wait3A_176 = arith.constant 0 : i32
    %dma_wait3A_177 = arith.constant 0 : i32
    %dma_wait3A_178 = tpu.memref_slice %arg6[%dma_wait3A_175, %dma_wait3A_176, %dma_wait3A_177] : memref<7x16x1024xf32, #tpu.memory_space<vmem>> -> memref<1x16x1024xf32, #tpu.memory_space<vmem>>
    %dma_wait3A_179 = tpu.memref_squeeze %dma_wait3A_178 : memref<1x16x1024xf32, #tpu.memory_space<vmem>> -> memref<16x1024xf32, #tpu.memory_space<vmem>>
    %dma_wait3A_180 = arith.constant 48 : i32
    %dma_wait3A_181 = tpu.memref_slice %arg5[%dma_wait3A_180] : memref<512xi32, #tpu.memory_space<vmem>> -> memref<16xi32, #tpu.memory_space<vmem>>
    %dma_wait3A_182 = arith.constant 0 : i32
    %dma_wait3A_183 = arith.constant 0 : i32
    %dma_wait3A_184 = tpu.memref_slice %arg2[%dma_wait3A_182, %dma_wait3A_183] : memref<65536x1024xf32, #tpu.memory_space<hbm>> -> memref<65536x1024xf32, #tpu.memory_space<hbm>>
    tpu.wait_indirect_dma semaphore(%arg10 : memref<!tpu.dma_semaphore, #tpu.memory_space<semaphore_mem>>) src(%dma_wait3A_184 : memref<65536x1024xf32, #tpu.memory_space<hbm>>) dst(%dma_wait3A_179 : memref<16x1024xf32, #tpu.memory_space<vmem>>)
    %add3A_185 = arith.constant 48 : i32
    %add3A_186 = arith.addi %multiple_of3A, %add3A_185 : i32
    %multiple_of3A_187 = tpu.assume_multiple %add3A_186, 16 : i32
    %dma_start3A_188 = arith.constant 3 : i32
    %dma_start3A_189 = arith.constant 0 : i32
    %dma_start3A_190 = arith.constant 0 : i32
    %dma_start3A_191 = tpu.memref_slice %arg6[%dma_start3A_188, %dma_start3A_189, %dma_start3A_190] : memref<7x16x1024xf32, #tpu.memory_space<vmem>> -> memref<1x16x1024xf32, #tpu.memory_space<vmem>>
    %dma_start3A_192 = tpu.memref_squeeze %dma_start3A_191 : memref<1x16x1024xf32, #tpu.memory_space<vmem>> -> memref<16x1024xf32, #tpu.memory_space<vmem>>
    %dma_start3A_193 = arith.constant 0 : i32
    %dma_start3A_194 = tpu.memref_slice %arg4[%multiple_of3A_187, %dma_start3A_193] : memref<16384x1024xf32, #tpu.memory_space<hbm>> -> memref<16x1024xf32, #tpu.memory_space<hbm>>
    %dma_start3A_195 = arith.constant 0 : i32
    %dma_start3A_196 = tpu.memref_slice %arg4[%multiple_of3A_187, %dma_start3A_195] : memref<16384x1024xf32, #tpu.memory_space<hbm>> -> memref<16x1024xf32, #tpu.memory_space<hbm>>
    %dma_start3A_197 = arith.constant 0 : i32
    %dma_start3A_198 = arith.constant 0 : i32
    %dma_start3A_199 = tpu.memref_slice %arg6[%dma_start3A_188, %dma_start3A_197, %dma_start3A_198] : memref<7x16x1024xf32, #tpu.memory_space<vmem>> -> memref<1x16x1024xf32, #tpu.memory_space<vmem>>
    %dma_start3A_200 = tpu.memref_squeeze %dma_start3A_199 : memref<1x16x1024xf32, #tpu.memory_space<vmem>> -> memref<16x1024xf32, #tpu.memory_space<vmem>>
    tpu.enqueue_dma source(%dma_start3A_200 : memref<16x1024xf32, #tpu.memory_space<vmem>>) target(%dma_start3A_196 : memref<16x1024xf32, #tpu.memory_space<hbm>>) target_semaphore(%arg17 : memref<!tpu.dma_semaphore, #tpu.memory_space<semaphore_mem>>)
    %add3A_201 = arith.constant 16 : i32
    %add3A_202 = arith.addi %multiple_of3A, %add3A_201 : i32
    %multiple_of3A_203 = tpu.assume_multiple %add3A_202, 16 : i32
    %dma_wait3A_204 = arith.constant 1 : i32
    %dma_wait3A_205 = arith.constant 0 : i32
    %dma_wait3A_206 = arith.constant 0 : i32
    %dma_wait3A_207 = tpu.memref_slice %arg6[%dma_wait3A_204, %dma_wait3A_205, %dma_wait3A_206] : memref<7x16x1024xf32, #tpu.memory_space<vmem>> -> memref<1x16x1024xf32, #tpu.memory_space<vmem>>
    %dma_wait3A_208 = tpu.memref_squeeze %dma_wait3A_207 : memref<1x16x1024xf32, #tpu.memory_space<vmem>> -> memref<16x1024xf32, #tpu.memory_space<vmem>>
    %dma_wait3A_209 = arith.constant 0 : i32
    %dma_wait3A_210 = tpu.memref_slice %arg4[%multiple_of3A_203, %dma_wait3A_209] : memref<16384x1024xf32, #tpu.memory_space<hbm>> -> memref<16x1024xf32, #tpu.memory_space<hbm>>
    %dma_wait3A_211 = arith.constant 0 : i32
    %dma_wait3A_212 = tpu.memref_slice %arg4[%multiple_of3A_203, %dma_wait3A_211] : memref<16384x1024xf32, #tpu.memory_space<hbm>> -> memref<16x1024xf32, #tpu.memory_space<hbm>>
    %dma_wait3A_213 = arith.constant 0 : i32
    %dma_wait3A_214 = arith.constant 0 : i32
    %dma_wait3A_215 = tpu.memref_slice %arg6[%dma_wait3A_204, %dma_wait3A_213, %dma_wait3A_214] : memref<7x16x1024xf32, #tpu.memory_space<vmem>> -> memref<1x16x1024xf32, #tpu.memory_space<vmem>>
    %dma_wait3A_216 = tpu.memref_squeeze %dma_wait3A_215 : memref<1x16x1024xf32, #tpu.memory_space<vmem>> -> memref<16x1024xf32, #tpu.memory_space<vmem>>
    tpu.wait_dma2 semaphore(%arg15 : memref<!tpu.dma_semaphore, #tpu.memory_space<semaphore_mem>>) src(%dma_wait3A_216 : memref<16x1024xf32, #tpu.memory_space<vmem>>) dst(%dma_wait3A_212 : memref<16x1024xf32, #tpu.memory_space<hbm>>)
    %dma_start3A_217 = arith.constant 1 : i32
    %dma_start3A_218 = arith.constant 0 : i32
    %dma_start3A_219 = arith.constant 0 : i32
    %dma_start3A_220 = tpu.memref_slice %arg6[%dma_start3A_217, %dma_start3A_218, %dma_start3A_219] : memref<7x16x1024xf32, #tpu.memory_space<vmem>> -> memref<1x16x1024xf32, #tpu.memory_space<vmem>>
    %dma_start3A_221 = tpu.memref_squeeze %dma_start3A_220 : memref<1x16x1024xf32, #tpu.memory_space<vmem>> -> memref<16x1024xf32, #tpu.memory_space<vmem>>
    %dma_start3A_222 = arith.constant 128 : i32
    %dma_start3A_223 = tpu.memref_slice %arg5[%dma_start3A_222] : memref<512xi32, #tpu.memory_space<vmem>> -> memref<16xi32, #tpu.memory_space<vmem>>
    %dma_start3A_224 = arith.constant 0 : i32
    %dma_start3A_225 = arith.constant 0 : i32
    %dma_start3A_226 = tpu.memref_slice %arg2[%dma_start3A_224, %dma_start3A_225] : memref<65536x1024xf32, #tpu.memory_space<hbm>> -> memref<65536x1024xf32, #tpu.memory_space<hbm>>
    tpu.enqueue_indirect_dma source(%dma_start3A_226 : memref<65536x1024xf32, #tpu.memory_space<hbm>>) target(%dma_start3A_221 : memref<16x1024xf32, #tpu.memory_space<vmem>>) offsets(%dma_start3A_223 : memref<16xi32, #tpu.memory_space<vmem>>) semaphore(%arg8 : memref<!tpu.dma_semaphore, #tpu.memory_space<semaphore_mem>>)
    %dma_wait3A_227 = arith.constant 4 : i32
    %dma_wait3A_228 = arith.constant 0 : i32
    %dma_wait3A_229 = arith.constant 0 : i32
    %dma_wait3A_230 = tpu.memref_slice %arg6[%dma_wait3A_227, %dma_wait3A_228, %dma_wait3A_229] : memref<7x16x1024xf32, #tpu.memory_space<vmem>> -> memref<1x16x1024xf32, #tpu.memory_space<vmem>>
    %dma_wait3A_231 = tpu.memref_squeeze %dma_wait3A_230 : memref<1x16x1024xf32, #tpu.memory_space<vmem>> -> memref<16x1024xf32, #tpu.memory_space<vmem>>
    %dma_wait3A_232 = arith.constant 64 : i32
    %dma_wait3A_233 = tpu.memref_slice %arg5[%dma_wait3A_232] : memref<512xi32, #tpu.memory_space<vmem>> -> memref<16xi32, #tpu.memory_space<vmem>>
    %dma_wait3A_234 = arith.constant 0 : i32
    %dma_wait3A_235 = arith.constant 0 : i32
    %dma_wait3A_236 = tpu.memref_slice %arg2[%dma_wait3A_234, %dma_wait3A_235] : memref<65536x1024xf32, #tpu.memory_space<hbm>> -> memref<65536x1024xf32, #tpu.memory_space<hbm>>
    tpu.wait_indirect_dma semaphore(%arg11 : memref<!tpu.dma_semaphore, #tpu.memory_space<semaphore_mem>>) src(%dma_wait3A_236 : memref<65536x1024xf32, #tpu.memory_space<hbm>>) dst(%dma_wait3A_231 : memref<16x1024xf32, #tpu.memory_space<vmem>>)
    %add3A_237 = arith.constant 64 : i32
    %add3A_238 = arith.addi %multiple_of3A, %add3A_237 : i32
    %multiple_of3A_239 = tpu.assume_multiple %add3A_238, 16 : i32
    %dma_start3A_240 = arith.constant 4 : i32
    %dma_start3A_241 = arith.constant 0 : i32
    %dma_start3A_242 = arith.constant 0 : i32
    %dma_start3A_243 = tpu.memref_slice %arg6[%dma_start3A_240, %dma_start3A_241, %dma_start3A_242] : memref<7x16x1024xf32, #tpu.memory_space<vmem>> -> memref<1x16x1024xf32, #tpu.memory_space<vmem>>
    %dma_start3A_244 = tpu.memref_squeeze %dma_start3A_243 : memref<1x16x1024xf32, #tpu.memory_space<vmem>> -> memref<16x1024xf32, #tpu.memory_space<vmem>>
    %dma_start3A_245 = arith.constant 0 : i32
    %dma_start3A_246 = tpu.memref_slice %arg4[%multiple_of3A_239, %dma_start3A_245] : memref<16384x1024xf32, #tpu.memory_space<hbm>> -> memref<16x1024xf32, #tpu.memory_space<hbm>>
    %dma_start3A_247 = arith.constant 0 : i32
    %dma_start3A_248 = tpu.memref_slice %arg4[%multiple_of3A_239, %dma_start3A_247] : memref<16384x1024xf32, #tpu.memory_space<hbm>> -> memref<16x1024xf32, #tpu.memory_space<hbm>>
    %dma_start3A_249 = arith.constant 0 : i32
    %dma_start3A_250 = arith.constant 0 : i32
    %dma_start3A_251 = tpu.memref_slice %arg6[%dma_start3A_240, %dma_start3A_249, %dma_start3A_250] : memref<7x16x1024xf32, #tpu.memory_space<vmem>> -> memref<1x16x1024xf32, #tpu.memory_space<vmem>>
    %dma_start3A_252 = tpu.memref_squeeze %dma_start3A_251 : memref<1x16x1024xf32, #tpu.memory_space<vmem>> -> memref<16x1024xf32, #tpu.memory_space<vmem>>
    tpu.enqueue_dma source(%dma_start3A_252 : memref<16x1024xf32, #tpu.memory_space<vmem>>) target(%dma_start3A_248 : memref<16x1024xf32, #tpu.memory_space<hbm>>) target_semaphore(%arg18 : memref<!tpu.dma_semaphore, #tpu.memory_space<semaphore_mem>>)
    %add3A_253 = arith.constant 32 : i32
    %add3A_254 = arith.addi %multiple_of3A, %add3A_253 : i32
    %multiple_of3A_255 = tpu.assume_multiple %add3A_254, 16 : i32
    %dma_wait3A_256 = arith.constant 2 : i32
    %dma_wait3A_257 = arith.constant 0 : i32
    %dma_wait3A_258 = arith.constant 0 : i32
    %dma_wait3A_259 = tpu.memref_slice %arg6[%dma_wait3A_256, %dma_wait3A_257, %dma_wait3A_258] : memref<7x16x1024xf32, #tpu.memory_space<vmem>> -> memref<1x16x1024xf32, #tpu.memory_space<vmem>>
    %dma_wait3A_260 = tpu.memref_squeeze %dma_wait3A_259 : memref<1x16x1024xf32, #tpu.memory_space<vmem>> -> memref<16x1024xf32, #tpu.memory_space<vmem>>
    %dma_wait3A_261 = arith.constant 0 : i32
    %dma_wait3A_262 = tpu.memref_slice %arg4[%multiple_of3A_255, %dma_wait3A_261] : memref<16384x1024xf32, #tpu.memory_space<hbm>> -> memref<16x1024xf32, #tpu.memory_space<hbm>>
    %dma_wait3A_263 = arith.constant 0 : i32
    %dma_wait3A_264 = tpu.memref_slice %arg4[%multiple_of3A_255, %dma_wait3A_263] : memref<16384x1024xf32, #tpu.memory_space<hbm>> -> memref<16x1024xf32, #tpu.memory_space<hbm>>
    %dma_wait3A_265 = arith.constant 0 : i32
    %dma_wait3A_266 = arith.constant 0 : i32
    %dma_wait3A_267 = tpu.memref_slice %arg6[%dma_wait3A_256, %dma_wait3A_265, %dma_wait3A_266] : memref<7x16x1024xf32, #tpu.memory_space<vmem>> -> memref<1x16x1024xf32, #tpu.memory_space<vmem>>
    %dma_wait3A_268 = tpu.memref_squeeze %dma_wait3A_267 : memref<1x16x1024xf32, #tpu.memory_space<vmem>> -> memref<16x1024xf32, #tpu.memory_space<vmem>>
    tpu.wait_dma2 semaphore(%arg16 : memref<!tpu.dma_semaphore, #tpu.memory_space<semaphore_mem>>) src(%dma_wait3A_268 : memref<16x1024xf32, #tpu.memory_space<vmem>>) dst(%dma_wait3A_264 : memref<16x1024xf32, #tpu.memory_space<hbm>>)
    %dma_start3A_269 = arith.constant 2 : i32
    %dma_start3A_270 = arith.constant 0 : i32
    %dma_start3A_271 = arith.constant 0 : i32
    %dma_start3A_272 = tpu.memref_slice %arg6[%dma_start3A_269, %dma_start3A_270, %dma_start3A_271] : memref<7x16x1024xf32, #tpu.memory_space<vmem>> -> memref<1x16x1024xf32, #tpu.memory_space<vmem>>
    %dma_start3A_273 = tpu.memref_squeeze %dma_start3A_272 : memref<1x16x1024xf32, #tpu.memory_space<vmem>> -> memref<16x1024xf32, #tpu.memory_space<vmem>>
    %dma_start3A_274 = arith.constant 144 : i32
    %dma_start3A_275 = tpu.memref_slice %arg5[%dma_start3A_274] : memref<512xi32, #tpu.memory_space<vmem>> -> memref<16xi32, #tpu.memory_space<vmem>>
    %dma_start3A_276 = arith.constant 0 : i32
    %dma_start3A_277 = arith.constant 0 : i32
    %dma_start3A_278 = tpu.memref_slice %arg2[%dma_start3A_276, %dma_start3A_277] : memref<65536x1024xf32, #tpu.memory_space<hbm>> -> memref<65536x1024xf32, #tpu.memory_space<hbm>>
    tpu.enqueue_indirect_dma source(%dma_start3A_278 : memref<65536x1024xf32, #tpu.memory_space<hbm>>) target(%dma_start3A_273 : memref<16x1024xf32, #tpu.memory_space<vmem>>) offsets(%dma_start3A_275 : memref<16xi32, #tpu.memory_space<vmem>>) semaphore(%arg9 : memref<!tpu.dma_semaphore, #tpu.memory_space<semaphore_mem>>)
    %dma_wait3A_279 = arith.constant 5 : i32
    %dma_wait3A_280 = arith.constant 0 : i32
    %dma_wait3A_281 = arith.constant 0 : i32
    %dma_wait3A_282 = tpu.memref_slice %arg6[%dma_wait3A_279, %dma_wait3A_280, %dma_wait3A_281] : memref<7x16x1024xf32, #tpu.memory_space<vmem>> -> memref<1x16x1024xf32, #tpu.memory_space<vmem>>
    %dma_wait3A_283 = tpu.memref_squeeze %dma_wait3A_282 : memref<1x16x1024xf32, #tpu.memory_space<vmem>> -> memref<16x1024xf32, #tpu.memory_space<vmem>>
    %dma_wait3A_284 = arith.constant 80 : i32
    %dma_wait3A_285 = tpu.memref_slice %arg5[%dma_wait3A_284] : memref<512xi32, #tpu.memory_space<vmem>> -> memref<16xi32, #tpu.memory_space<vmem>>
    %dma_wait3A_286 = arith.constant 0 : i32
    %dma_wait3A_287 = arith.constant 0 : i32
    %dma_wait3A_288 = tpu.memref_slice %arg2[%dma_wait3A_286, %dma_wait3A_287] : memref<65536x1024xf32, #tpu.memory_space<hbm>> -> memref<65536x1024xf32, #tpu.memory_space<hbm>>
    tpu.wait_indirect_dma semaphore(%arg12 : memref<!tpu.dma_semaphore, #tpu.memory_space<semaphore_mem>>) src(%dma_wait3A_288 : memref<65536x1024xf32, #tpu.memory_space<hbm>>) dst(%dma_wait3A_283 : memref<16x1024xf32, #tpu.memory_space<vmem>>)
    %add3A_289 = arith.constant 80 : i32
    %add3A_290 = arith.addi %multiple_of3A, %add3A_289 : i32
    %multiple_of3A_291 = tpu.assume_multiple %add3A_290, 16 : i32
    %dma_start3A_292 = arith.constant 5 : i32
    %dma_start3A_293 = arith.constant 0 : i32
    %dma_start3A_294 = arith.constant 0 : i32
    %dma_start3A_295 = tpu.memref_slice %arg6[%dma_start3A_292, %dma_start3A_293, %dma_start3A_294] : memref<7x16x1024xf32, #tpu.memory_space<vmem>> -> memref<1x16x1024xf32, #tpu.memory_space<vmem>>
    %dma_start3A_296 = tpu.memref_squeeze %dma_start3A_295 : memref<1x16x1024xf32, #tpu.memory_space<vmem>> -> memref<16x1024xf32, #tpu.memory_space<vmem>>
    %dma_start3A_297 = arith.constant 0 : i32
    %dma_start3A_298 = tpu.memref_slice %arg4[%multiple_of3A_291, %dma_start3A_297] : memref<16384x1024xf32, #tpu.memory_space<hbm>> -> memref<16x1024xf32, #tpu.memory_space<hbm>>
    %dma_start3A_299 = arith.constant 0 : i32
    %dma_start3A_300 = tpu.memref_slice %arg4[%multiple_of3A_291, %dma_start3A_299] : memref<16384x1024xf32, #tpu.memory_space<hbm>> -> memref<16x1024xf32, #tpu.memory_space<hbm>>
    %dma_start3A_301 = arith.constant 0 : i32
    %dma_start3A_302 = arith.constant 0 : i32
    %dma_start3A_303 = tpu.memref_slice %arg6[%dma_start3A_292, %dma_start3A_301, %dma_start3A_302] : memref<7x16x1024xf32, #tpu.memory_space<vmem>> -> memref<1x16x1024xf32, #tpu.memory_space<vmem>>
    %dma_start3A_304 = tpu.memref_squeeze %dma_start3A_303 : memref<1x16x1024xf32, #tpu.memory_space<vmem>> -> memref<16x1024xf32, #tpu.memory_space<vmem>>
    tpu.enqueue_dma source(%dma_start3A_304 : memref<16x1024xf32, #tpu.memory_space<vmem>>) target(%dma_start3A_300 : memref<16x1024xf32, #tpu.memory_space<hbm>>) target_semaphore(%arg19 : memref<!tpu.dma_semaphore, #tpu.memory_space<semaphore_mem>>)
    %add3A_305 = arith.constant 48 : i32
    %add3A_306 = arith.addi %multiple_of3A, %add3A_305 : i32
    %multiple_of3A_307 = tpu.assume_multiple %add3A_306, 16 : i32
    %dma_wait3A_308 = arith.constant 3 : i32
    %dma_wait3A_309 = arith.constant 0 : i32
    %dma_wait3A_310 = arith.constant 0 : i32
    %dma_wait3A_311 = tpu.memref_slice %arg6[%dma_wait3A_308, %dma_wait3A_309, %dma_wait3A_310] : memref<7x16x1024xf32, #tpu.memory_space<vmem>> -> memref<1x16x1024xf32, #tpu.memory_space<vmem>>
    %dma_wait3A_312 = tpu.memref_squeeze %dma_wait3A_311 : memref<1x16x1024xf32, #tpu.memory_space<vmem>> -> memref<16x1024xf32, #tpu.memory_space<vmem>>
    %dma_wait3A_313 = arith.constant 0 : i32
    %dma_wait3A_314 = tpu.memref_slice %arg4[%multiple_of3A_307, %dma_wait3A_313] : memref<16384x1024xf32, #tpu.memory_space<hbm>> -> memref<16x1024xf32, #tpu.memory_space<hbm>>
    %dma_wait3A_315 = arith.constant 0 : i32
    %dma_wait3A_316 = tpu.memref_slice %arg4[%multiple_of3A_307, %dma_wait3A_315] : memref<16384x1024xf32, #tpu.memory_space<hbm>> -> memref<16x1024xf32, #tpu.memory_space<hbm>>
    %dma_wait3A_317 = arith.constant 0 : i32
    %dma_wait3A_318 = arith.constant 0 : i32
    %dma_wait3A_319 = tpu.memref_slice %arg6[%dma_wait3A_308, %dma_wait3A_317, %dma_wait3A_318] : memref<7x16x1024xf32, #tpu.memory_space<vmem>> -> memref<1x16x1024xf32, #tpu.memory_space<vmem>>
    %dma_wait3A_320 = tpu.memref_squeeze %dma_wait3A_319 : memref<1x16x1024xf32, #tpu.memory_space<vmem>> -> memref<16x1024xf32, #tpu.memory_space<vmem>>
    tpu.wait_dma2 semaphore(%arg17 : memref<!tpu.dma_semaphore, #tpu.memory_space<semaphore_mem>>) src(%dma_wait3A_320 : memref<16x1024xf32, #tpu.memory_space<vmem>>) dst(%dma_wait3A_316 : memref<16x1024xf32, #tpu.memory_space<hbm>>)
    %dma_start3A_321 = arith.constant 3 : i32
    %dma_start3A_322 = arith.constant 0 : i32
    %dma_start3A_323 = arith.constant 0 : i32
    %dma_start3A_324 = tpu.memref_slice %arg6[%dma_start3A_321, %dma_start3A_322, %dma_start3A_323] : memref<7x16x1024xf32, #tpu.memory_space<vmem>> -> memref<1x16x1024xf32, #tpu.memory_space<vmem>>
    %dma_start3A_325 = tpu.memref_squeeze %dma_start3A_324 : memref<1x16x1024xf32, #tpu.memory_space<vmem>> -> memref<16x1024xf32, #tpu.memory_space<vmem>>
    %dma_start3A_326 = arith.constant 160 : i32
    %dma_start3A_327 = tpu.memref_slice %arg5[%dma_start3A_326] : memref<512xi32, #tpu.memory_space<vmem>> -> memref<16xi32, #tpu.memory_space<vmem>>
    %dma_start3A_328 = arith.constant 0 : i32
    %dma_start3A_329 = arith.constant 0 : i32
    %dma_start3A_330 = tpu.memref_slice %arg2[%dma_start3A_328, %dma_start3A_329] : memref<65536x1024xf32, #tpu.memory_space<hbm>> -> memref<65536x1024xf32, #tpu.memory_space<hbm>>
    tpu.enqueue_indirect_dma source(%dma_start3A_330 : memref<65536x1024xf32, #tpu.memory_space<hbm>>) target(%dma_start3A_325 : memref<16x1024xf32, #tpu.memory_space<vmem>>) offsets(%dma_start3A_327 : memref<16xi32, #tpu.memory_space<vmem>>) semaphore(%arg10 : memref<!tpu.dma_semaphore, #tpu.memory_space<semaphore_mem>>)
    %dma_wait3A_331 = arith.constant 6 : i32
    %dma_wait3A_332 = arith.constant 0 : i32
    %dma_wait3A_333 = arith.constant 0 : i32
    %dma_wait3A_334 = tpu.memref_slice %arg6[%dma_wait3A_331, %dma_wait3A_332, %dma_wait3A_333] : memref<7x16x1024xf32, #tpu.memory_space<vmem>> -> memref<1x16x1024xf32, #tpu.memory_space<vmem>>
    %dma_wait3A_335 = tpu.memref_squeeze %dma_wait3A_334 : memref<1x16x1024xf32, #tpu.memory_space<vmem>> -> memref<16x1024xf32, #tpu.memory_space<vmem>>
    %dma_wait3A_336 = arith.constant 96 : i32
    %dma_wait3A_337 = tpu.memref_slice %arg5[%dma_wait3A_336] : memref<512xi32, #tpu.memory_space<vmem>> -> memref<16xi32, #tpu.memory_space<vmem>>
    %dma_wait3A_338 = arith.constant 0 : i32
    %dma_wait3A_339 = arith.constant 0 : i32
    %dma_wait3A_340 = tpu.memref_slice %arg2[%dma_wait3A_338, %dma_wait3A_339] : memref<65536x1024xf32, #tpu.memory_space<hbm>> -> memref<65536x1024xf32, #tpu.memory_space<hbm>>
    tpu.wait_indirect_dma semaphore(%arg13 : memref<!tpu.dma_semaphore, #tpu.memory_space<semaphore_mem>>) src(%dma_wait3A_340 : memref<65536x1024xf32, #tpu.memory_space<hbm>>) dst(%dma_wait3A_335 : memref<16x1024xf32, #tpu.memory_space<vmem>>)
    %add3A_341 = arith.constant 96 : i32
    %add3A_342 = arith.addi %multiple_of3A, %add3A_341 : i32
    %multiple_of3A_343 = tpu.assume_multiple %add3A_342, 16 : i32
    %dma_start3A_344 = arith.constant 6 : i32
    %dma_start3A_345 = arith.constant 0 : i32
    %dma_start3A_346 = arith.constant 0 : i32
    %dma_start3A_347 = tpu.memref_slice %arg6[%dma_start3A_344, %dma_start3A_345, %dma_start3A_346] : memref<7x16x1024xf32, #tpu.memory_space<vmem>> -> memref<1x16x1024xf32, #tpu.memory_space<vmem>>
    %dma_start3A_348 = tpu.memref_squeeze %dma_start3A_347 : memref<1x16x1024xf32, #tpu.memory_space<vmem>> -> memref<16x1024xf32, #tpu.memory_space<vmem>>
    %dma_start3A_349 = arith.constant 0 : i32
    %dma_start3A_350 = tpu.memref_slice %arg4[%multiple_of3A_343, %dma_start3A_349] : memref<16384x1024xf32, #tpu.memory_space<hbm>> -> memref<16x1024xf32, #tpu.memory_space<hbm>>
    %dma_start3A_351 = arith.constant 0 : i32
    %dma_start3A_352 = tpu.memref_slice %arg4[%multiple_of3A_343, %dma_start3A_351] : memref<16384x1024xf32, #tpu.memory_space<hbm>> -> memref<16x1024xf32, #tpu.memory_space<hbm>>
    %dma_start3A_353 = arith.constant 0 : i32
    %dma_start3A_354 = arith.constant 0 : i32
    %dma_start3A_355 = tpu.memref_slice %arg6[%dma_start3A_344, %dma_start3A_353, %dma_start3A_354] : memref<7x16x1024xf32, #tpu.memory_space<vmem>> -> memref<1x16x1024xf32, #tpu.memory_space<vmem>>
    %dma_start3A_356 = tpu.memref_squeeze %dma_start3A_355 : memref<1x16x1024xf32, #tpu.memory_space<vmem>> -> memref<16x1024xf32, #tpu.memory_space<vmem>>
    tpu.enqueue_dma source(%dma_start3A_356 : memref<16x1024xf32, #tpu.memory_space<vmem>>) target(%dma_start3A_352 : memref<16x1024xf32, #tpu.memory_space<hbm>>) target_semaphore(%arg20 : memref<!tpu.dma_semaphore, #tpu.memory_space<semaphore_mem>>)
    %add3A_357 = arith.constant 64 : i32
    %add3A_358 = arith.addi %multiple_of3A, %add3A_357 : i32
    %multiple_of3A_359 = tpu.assume_multiple %add3A_358, 16 : i32
    %dma_wait3A_360 = arith.constant 4 : i32
    %dma_wait3A_361 = arith.constant 0 : i32
    %dma_wait3A_362 = arith.constant 0 : i32
    %dma_wait3A_363 = tpu.memref_slice %arg6[%dma_wait3A_360, %dma_wait3A_361, %dma_wait3A_362] : memref<7x16x1024xf32, #tpu.memory_space<vmem>> -> memref<1x16x1024xf32, #tpu.memory_space<vmem>>
    %dma_wait3A_364 = tpu.memref_squeeze %dma_wait3A_363 : memref<1x16x1024xf32, #tpu.memory_space<vmem>> -> memref<16x1024xf32, #tpu.memory_space<vmem>>
    %dma_wait3A_365 = arith.constant 0 : i32
    %dma_wait3A_366 = tpu.memref_slice %arg4[%multiple_of3A_359, %dma_wait3A_365] : memref<16384x1024xf32, #tpu.memory_space<hbm>> -> memref<16x1024xf32, #tpu.memory_space<hbm>>
    %dma_wait3A_367 = arith.constant 0 : i32
    %dma_wait3A_368 = tpu.memref_slice %arg4[%multiple_of3A_359, %dma_wait3A_367] : memref<16384x1024xf32, #tpu.memory_space<hbm>> -> memref<16x1024xf32, #tpu.memory_space<hbm>>
    %dma_wait3A_369 = arith.constant 0 : i32
    %dma_wait3A_370 = arith.constant 0 : i32
    %dma_wait3A_371 = tpu.memref_slice %arg6[%dma_wait3A_360, %dma_wait3A_369, %dma_wait3A_370] : memref<7x16x1024xf32, #tpu.memory_space<vmem>> -> memref<1x16x1024xf32, #tpu.memory_space<vmem>>
    %dma_wait3A_372 = tpu.memref_squeeze %dma_wait3A_371 : memref<1x16x1024xf32, #tpu.memory_space<vmem>> -> memref<16x1024xf32, #tpu.memory_space<vmem>>
    tpu.wait_dma2 semaphore(%arg18 : memref<!tpu.dma_semaphore, #tpu.memory_space<semaphore_mem>>) src(%dma_wait3A_372 : memref<16x1024xf32, #tpu.memory_space<vmem>>) dst(%dma_wait3A_368 : memref<16x1024xf32, #tpu.memory_space<hbm>>)
    %dma_start3A_373 = arith.constant 4 : i32
    %dma_start3A_374 = arith.constant 0 : i32
    %dma_start3A_375 = arith.constant 0 : i32
    %dma_start3A_376 = tpu.memref_slice %arg6[%dma_start3A_373, %dma_start3A_374, %dma_start3A_375] : memref<7x16x1024xf32, #tpu.memory_space<vmem>> -> memref<1x16x1024xf32, #tpu.memory_space<vmem>>
    %dma_start3A_377 = tpu.memref_squeeze %dma_start3A_376 : memref<1x16x1024xf32, #tpu.memory_space<vmem>> -> memref<16x1024xf32, #tpu.memory_space<vmem>>
    %dma_start3A_378 = arith.constant 176 : i32
    %dma_start3A_379 = tpu.memref_slice %arg5[%dma_start3A_378] : memref<512xi32, #tpu.memory_space<vmem>> -> memref<16xi32, #tpu.memory_space<vmem>>
    %dma_start3A_380 = arith.constant 0 : i32
    %dma_start3A_381 = arith.constant 0 : i32
    %dma_start3A_382 = tpu.memref_slice %arg2[%dma_start3A_380, %dma_start3A_381] : memref<65536x1024xf32, #tpu.memory_space<hbm>> -> memref<65536x1024xf32, #tpu.memory_space<hbm>>
    tpu.enqueue_indirect_dma source(%dma_start3A_382 : memref<65536x1024xf32, #tpu.memory_space<hbm>>) target(%dma_start3A_377 : memref<16x1024xf32, #tpu.memory_space<vmem>>) offsets(%dma_start3A_379 : memref<16xi32, #tpu.memory_space<vmem>>) semaphore(%arg11 : memref<!tpu.dma_semaphore, #tpu.memory_space<semaphore_mem>>)
    %dma_wait3A_383 = arith.constant 0 : i32
    %dma_wait3A_384 = arith.constant 0 : i32
    %dma_wait3A_385 = arith.constant 0 : i32
    %dma_wait3A_386 = tpu.memref_slice %arg6[%dma_wait3A_383, %dma_wait3A_384, %dma_wait3A_385] : memref<7x16x1024xf32, #tpu.memory_space<vmem>> -> memref<1x16x1024xf32, #tpu.memory_space<vmem>>
    %dma_wait3A_387 = tpu.memref_squeeze %dma_wait3A_386 : memref<1x16x1024xf32, #tpu.memory_space<vmem>> -> memref<16x1024xf32, #tpu.memory_space<vmem>>
    %dma_wait3A_388 = arith.constant 112 : i32
    %dma_wait3A_389 = tpu.memref_slice %arg5[%dma_wait3A_388] : memref<512xi32, #tpu.memory_space<vmem>> -> memref<16xi32, #tpu.memory_space<vmem>>
    %dma_wait3A_390 = arith.constant 0 : i32
    %dma_wait3A_391 = arith.constant 0 : i32
    %dma_wait3A_392 = tpu.memref_slice %arg2[%dma_wait3A_390, %dma_wait3A_391] : memref<65536x1024xf32, #tpu.memory_space<hbm>> -> memref<65536x1024xf32, #tpu.memory_space<hbm>>
    tpu.wait_indirect_dma semaphore(%arg7 : memref<!tpu.dma_semaphore, #tpu.memory_space<semaphore_mem>>) src(%dma_wait3A_392 : memref<65536x1024xf32, #tpu.memory_space<hbm>>) dst(%dma_wait3A_387 : memref<16x1024xf32, #tpu.memory_space<vmem>>)
    %add3A_393 = arith.constant 112 : i32
    %add3A_394 = arith.addi %multiple_of3A, %add3A_393 : i32
    %multiple_of3A_395 = tpu.assume_multiple %add3A_394, 16 : i32
    %dma_start3A_396 = arith.constant 0 : i32
    %dma_start3A_397 = arith.constant 0 : i32
    %dma_start3A_398 = arith.constant 0 : i32
    %dma_start3A_399 = tpu.memref_slice %arg6[%dma_start3A_396, %dma_start3A_397, %dma_start3A_398] : memref<7x16x1024xf32, #tpu.memory_space<vmem>> -> memref<1x16x1024xf32, #tpu.memory_space<vmem>>
    %dma_start3A_400 = tpu.memref_squeeze %dma_start3A_399 : memref<1x16x1024xf32, #tpu.memory_space<vmem>> -> memref<16x1024xf32, #tpu.memory_space<vmem>>
    %dma_start3A_401 = arith.constant 0 : i32
    %dma_start3A_402 = tpu.memref_slice %arg4[%multiple_of3A_395, %dma_start3A_401] : memref<16384x1024xf32, #tpu.memory_space<hbm>> -> memref<16x1024xf32, #tpu.memory_space<hbm>>
    %dma_start3A_403 = arith.constant 0 : i32
    %dma_start3A_404 = tpu.memref_slice %arg4[%multiple_of3A_395, %dma_start3A_403] : memref<16384x1024xf32, #tpu.memory_space<hbm>> -> memref<16x1024xf32, #tpu.memory_space<hbm>>
    %dma_start3A_405 = arith.constant 0 : i32
    %dma_start3A_406 = arith.constant 0 : i32
    %dma_start3A_407 = tpu.memref_slice %arg6[%dma_start3A_396, %dma_start3A_405, %dma_start3A_406] : memref<7x16x1024xf32, #tpu.memory_space<vmem>> -> memref<1x16x1024xf32, #tpu.memory_space<vmem>>
    %dma_start3A_408 = tpu.memref_squeeze %dma_start3A_407 : memref<1x16x1024xf32, #tpu.memory_space<vmem>> -> memref<16x1024xf32, #tpu.memory_space<vmem>>
    tpu.enqueue_dma source(%dma_start3A_408 : memref<16x1024xf32, #tpu.memory_space<vmem>>) target(%dma_start3A_404 : memref<16x1024xf32, #tpu.memory_space<hbm>>) target_semaphore(%arg14 : memref<!tpu.dma_semaphore, #tpu.memory_space<semaphore_mem>>)
    %add3A_409 = arith.constant 80 : i32
    %add3A_410 = arith.addi %multiple_of3A, %add3A_409 : i32
    %multiple_of3A_411 = tpu.assume_multiple %add3A_410, 16 : i32
    %dma_wait3A_412 = arith.constant 5 : i32
    %dma_wait3A_413 = arith.constant 0 : i32
    %dma_wait3A_414 = arith.constant 0 : i32
    %dma_wait3A_415 = tpu.memref_slice %arg6[%dma_wait3A_412, %dma_wait3A_413, %dma_wait3A_414] : memref<7x16x1024xf32, #tpu.memory_space<vmem>> -> memref<1x16x1024xf32, #tpu.memory_space<vmem>>
    %dma_wait3A_416 = tpu.memref_squeeze %dma_wait3A_415 : memref<1x16x1024xf32, #tpu.memory_space<vmem>> -> memref<16x1024xf32, #tpu.memory_space<vmem>>
    %dma_wait3A_417 = arith.constant 0 : i32
    %dma_wait3A_418 = tpu.memref_slice %arg4[%multiple_of3A_411, %dma_wait3A_417] : memref<16384x1024xf32, #tpu.memory_space<hbm>> -> memref<16x1024xf32, #tpu.memory_space<hbm>>
    %dma_wait3A_419 = arith.constant 0 : i32
    %dma_wait3A_420 = tpu.memref_slice %arg4[%multiple_of3A_411, %dma_wait3A_419] : memref<16384x1024xf32, #tpu.memory_space<hbm>> -> memref<16x1024xf32, #tpu.memory_space<hbm>>
    %dma_wait3A_421 = arith.constant 0 : i32
    %dma_wait3A_422 = arith.constant 0 : i32
    %dma_wait3A_423 = tpu.memref_slice %arg6[%dma_wait3A_412, %dma_wait3A_421, %dma_wait3A_422] : memref<7x16x1024xf32, #tpu.memory_space<vmem>> -> memref<1x16x1024xf32, #tpu.memory_space<vmem>>
    %dma_wait3A_424 = tpu.memref_squeeze %dma_wait3A_423 : memref<1x16x1024xf32, #tpu.memory_space<vmem>> -> memref<16x1024xf32, #tpu.memory_space<vmem>>
    tpu.wait_dma2 semaphore(%arg19 : memref<!tpu.dma_semaphore, #tpu.memory_space<semaphore_mem>>) src(%dma_wait3A_424 : memref<16x1024xf32, #tpu.memory_space<vmem>>) dst(%dma_wait3A_420 : memref<16x1024xf32, #tpu.memory_space<hbm>>)
    %dma_start3A_425 = arith.constant 5 : i32
    %dma_start3A_426 = arith.constant 0 : i32
    %dma_start3A_427 = arith.constant 0 : i32
    %dma_start3A_428 = tpu.memref_slice %arg6[%dma_start3A_425, %dma_start3A_426, %dma_start3A_427] : memref<7x16x1024xf32, #tpu.memory_space<vmem>> -> memref<1x16x1024xf32, #tpu.memory_space<vmem>>
    %dma_start3A_429 = tpu.memref_squeeze %dma_start3A_428 : memref<1x16x1024xf32, #tpu.memory_space<vmem>> -> memref<16x1024xf32, #tpu.memory_space<vmem>>
    %dma_start3A_430 = arith.constant 192 : i32
    %dma_start3A_431 = tpu.memref_slice %arg5[%dma_start3A_430] : memref<512xi32, #tpu.memory_space<vmem>> -> memref<16xi32, #tpu.memory_space<vmem>>
    %dma_start3A_432 = arith.constant 0 : i32
    %dma_start3A_433 = arith.constant 0 : i32
    %dma_start3A_434 = tpu.memref_slice %arg2[%dma_start3A_432, %dma_start3A_433] : memref<65536x1024xf32, #tpu.memory_space<hbm>> -> memref<65536x1024xf32, #tpu.memory_space<hbm>>
    tpu.enqueue_indirect_dma source(%dma_start3A_434 : memref<65536x1024xf32, #tpu.memory_space<hbm>>) target(%dma_start3A_429 : memref<16x1024xf32, #tpu.memory_space<vmem>>) offsets(%dma_start3A_431 : memref<16xi32, #tpu.memory_space<vmem>>) semaphore(%arg12 : memref<!tpu.dma_semaphore, #tpu.memory_space<semaphore_mem>>)
    %dma_wait3A_435 = arith.constant 1 : i32
    %dma_wait3A_436 = arith.constant 0 : i32
    %dma_wait3A_437 = arith.constant 0 : i32
    %dma_wait3A_438 = tpu.memref_slice %arg6[%dma_wait3A_435, %dma_wait3A_436, %dma_wait3A_437] : memref<7x16x1024xf32, #tpu.memory_space<vmem>> -> memref<1x16x1024xf32, #tpu.memory_space<vmem>>
    %dma_wait3A_439 = tpu.memref_squeeze %dma_wait3A_438 : memref<1x16x1024xf32, #tpu.memory_space<vmem>> -> memref<16x1024xf32, #tpu.memory_space<vmem>>
    %dma_wait3A_440 = arith.constant 128 : i32
    %dma_wait3A_441 = tpu.memref_slice %arg5[%dma_wait3A_440] : memref<512xi32, #tpu.memory_space<vmem>> -> memref<16xi32, #tpu.memory_space<vmem>>
    %dma_wait3A_442 = arith.constant 0 : i32
    %dma_wait3A_443 = arith.constant 0 : i32
    %dma_wait3A_444 = tpu.memref_slice %arg2[%dma_wait3A_442, %dma_wait3A_443] : memref<65536x1024xf32, #tpu.memory_space<hbm>> -> memref<65536x1024xf32, #tpu.memory_space<hbm>>
    tpu.wait_indirect_dma semaphore(%arg8 : memref<!tpu.dma_semaphore, #tpu.memory_space<semaphore_mem>>) src(%dma_wait3A_444 : memref<65536x1024xf32, #tpu.memory_space<hbm>>) dst(%dma_wait3A_439 : memref<16x1024xf32, #tpu.memory_space<vmem>>)
    %add3A_445 = arith.constant 128 : i32
    %add3A_446 = arith.addi %multiple_of3A, %add3A_445 : i32
    %multiple_of3A_447 = tpu.assume_multiple %add3A_446, 16 : i32
    %dma_start3A_448 = arith.constant 1 : i32
    %dma_start3A_449 = arith.constant 0 : i32
    %dma_start3A_450 = arith.constant 0 : i32
    %dma_start3A_451 = tpu.memref_slice %arg6[%dma_start3A_448, %dma_start3A_449, %dma_start3A_450] : memref<7x16x1024xf32, #tpu.memory_space<vmem>> -> memref<1x16x1024xf32, #tpu.memory_space<vmem>>
    %dma_start3A_452 = tpu.memref_squeeze %dma_start3A_451 : memref<1x16x1024xf32, #tpu.memory_space<vmem>> -> memref<16x1024xf32, #tpu.memory_space<vmem>>
    %dma_start3A_453 = arith.constant 0 : i32
    %dma_start3A_454 = tpu.memref_slice %arg4[%multiple_of3A_447, %dma_start3A_453] : memref<16384x1024xf32, #tpu.memory_space<hbm>> -> memref<16x1024xf32, #tpu.memory_space<hbm>>
    %dma_start3A_455 = arith.constant 0 : i32
    %dma_start3A_456 = tpu.memref_slice %arg4[%multiple_of3A_447, %dma_start3A_455] : memref<16384x1024xf32, #tpu.memory_space<hbm>> -> memref<16x1024xf32, #tpu.memory_space<hbm>>
    %dma_start3A_457 = arith.constant 0 : i32
    %dma_start3A_458 = arith.constant 0 : i32
    %dma_start3A_459 = tpu.memref_slice %arg6[%dma_start3A_448, %dma_start3A_457, %dma_start3A_458] : memref<7x16x1024xf32, #tpu.memory_space<vmem>> -> memref<1x16x1024xf32, #tpu.memory_space<vmem>>
    %dma_start3A_460 = tpu.memref_squeeze %dma_start3A_459 : memref<1x16x1024xf32, #tpu.memory_space<vmem>> -> memref<16x1024xf32, #tpu.memory_space<vmem>>
    tpu.enqueue_dma source(%dma_start3A_460 : memref<16x1024xf32, #tpu.memory_space<vmem>>) target(%dma_start3A_456 : memref<16x1024xf32, #tpu.memory_space<hbm>>) target_semaphore(%arg15 : memref<!tpu.dma_semaphore, #tpu.memory_space<semaphore_mem>>)
    %add3A_461 = arith.constant 96 : i32
    %add3A_462 = arith.addi %multiple_of3A, %add3A_461 : i32
    %multiple_of3A_463 = tpu.assume_multiple %add3A_462, 16 : i32
    %dma_wait3A_464 = arith.constant 6 : i32
    %dma_wait3A_465 = arith.constant 0 : i32
    %dma_wait3A_466 = arith.constant 0 : i32
    %dma_wait3A_467 = tpu.memref_slice %arg6[%dma_wait3A_464, %dma_wait3A_465, %dma_wait3A_466] : memref<7x16x1024xf32, #tpu.memory_space<vmem>> -> memref<1x16x1024xf32, #tpu.memory_space<vmem>>
    %dma_wait3A_468 = tpu.memref_squeeze %dma_wait3A_467 : memref<1x16x1024xf32, #tpu.memory_space<vmem>> -> memref<16x1024xf32, #tpu.memory_space<vmem>>
    %dma_wait3A_469 = arith.constant 0 : i32
    %dma_wait3A_470 = tpu.memref_slice %arg4[%multiple_of3A_463, %dma_wait3A_469] : memref<16384x1024xf32, #tpu.memory_space<hbm>> -> memref<16x1024xf32, #tpu.memory_space<hbm>>
    %dma_wait3A_471 = arith.constant 0 : i32
    %dma_wait3A_472 = tpu.memref_slice %arg4[%multiple_of3A_463, %dma_wait3A_471] : memref<16384x1024xf32, #tpu.memory_space<hbm>> -> memref<16x1024xf32, #tpu.memory_space<hbm>>
    %dma_wait3A_473 = arith.constant 0 : i32
    %dma_wait3A_474 = arith.constant 0 : i32
    %dma_wait3A_475 = tpu.memref_slice %arg6[%dma_wait3A_464, %dma_wait3A_473, %dma_wait3A_474] : memref<7x16x1024xf32, #tpu.memory_space<vmem>> -> memref<1x16x1024xf32, #tpu.memory_space<vmem>>
    %dma_wait3A_476 = tpu.memref_squeeze %dma_wait3A_475 : memref<1x16x1024xf32, #tpu.memory_space<vmem>> -> memref<16x1024xf32, #tpu.memory_space<vmem>>
    tpu.wait_dma2 semaphore(%arg20 : memref<!tpu.dma_semaphore, #tpu.memory_space<semaphore_mem>>) src(%dma_wait3A_476 : memref<16x1024xf32, #tpu.memory_space<vmem>>) dst(%dma_wait3A_472 : memref<16x1024xf32, #tpu.memory_space<hbm>>)
    %dma_start3A_477 = arith.constant 6 : i32
    %dma_start3A_478 = arith.constant 0 : i32
    %dma_start3A_479 = arith.constant 0 : i32
    %dma_start3A_480 = tpu.memref_slice %arg6[%dma_start3A_477, %dma_start3A_478, %dma_start3A_479] : memref<7x16x1024xf32, #tpu.memory_space<vmem>> -> memref<1x16x1024xf32, #tpu.memory_space<vmem>>
    %dma_start3A_481 = tpu.memref_squeeze %dma_start3A_480 : memref<1x16x1024xf32, #tpu.memory_space<vmem>> -> memref<16x1024xf32, #tpu.memory_space<vmem>>
    %dma_start3A_482 = arith.constant 208 : i32
    %dma_start3A_483 = tpu.memref_slice %arg5[%dma_start3A_482] : memref<512xi32, #tpu.memory_space<vmem>> -> memref<16xi32, #tpu.memory_space<vmem>>
    %dma_start3A_484 = arith.constant 0 : i32
    %dma_start3A_485 = arith.constant 0 : i32
    %dma_start3A_486 = tpu.memref_slice %arg2[%dma_start3A_484, %dma_start3A_485] : memref<65536x1024xf32, #tpu.memory_space<hbm>> -> memref<65536x1024xf32, #tpu.memory_space<hbm>>
    tpu.enqueue_indirect_dma source(%dma_start3A_486 : memref<65536x1024xf32, #tpu.memory_space<hbm>>) target(%dma_start3A_481 : memref<16x1024xf32, #tpu.memory_space<vmem>>) offsets(%dma_start3A_483 : memref<16xi32, #tpu.memory_space<vmem>>) semaphore(%arg13 : memref<!tpu.dma_semaphore, #tpu.memory_space<semaphore_mem>>)
    %dma_wait3A_487 = arith.constant 2 : i32
    %dma_wait3A_488 = arith.constant 0 : i32
    %dma_wait3A_489 = arith.constant 0 : i32
    %dma_wait3A_490 = tpu.memref_slice %arg6[%dma_wait3A_487, %dma_wait3A_488, %dma_wait3A_489] : memref<7x16x1024xf32, #tpu.memory_space<vmem>> -> memref<1x16x1024xf32, #tpu.memory_space<vmem>>
    %dma_wait3A_491 = tpu.memref_squeeze %dma_wait3A_490 : memref<1x16x1024xf32, #tpu.memory_space<vmem>> -> memref<16x1024xf32, #tpu.memory_space<vmem>>
    %dma_wait3A_492 = arith.constant 144 : i32
    %dma_wait3A_493 = tpu.memref_slice %arg5[%dma_wait3A_492] : memref<512xi32, #tpu.memory_space<vmem>> -> memref<16xi32, #tpu.memory_space<vmem>>
    %dma_wait3A_494 = arith.constant 0 : i32
    %dma_wait3A_495 = arith.constant 0 : i32
    %dma_wait3A_496 = tpu.memref_slice %arg2[%dma_wait3A_494, %dma_wait3A_495] : memref<65536x1024xf32, #tpu.memory_space<hbm>> -> memref<65536x1024xf32, #tpu.memory_space<hbm>>
    tpu.wait_indirect_dma semaphore(%arg9 : memref<!tpu.dma_semaphore, #tpu.memory_space<semaphore_mem>>) src(%dma_wait3A_496 : memref<65536x1024xf32, #tpu.memory_space<hbm>>) dst(%dma_wait3A_491 : memref<16x1024xf32, #tpu.memory_space<vmem>>)
    %add3A_497 = arith.constant 144 : i32
    %add3A_498 = arith.addi %multiple_of3A, %add3A_497 : i32
    %multiple_of3A_499 = tpu.assume_multiple %add3A_498, 16 : i32
    %dma_start3A_500 = arith.constant 2 : i32
    %dma_start3A_501 = arith.constant 0 : i32
    %dma_start3A_502 = arith.constant 0 : i32
    %dma_start3A_503 = tpu.memref_slice %arg6[%dma_start3A_500, %dma_start3A_501, %dma_start3A_502] : memref<7x16x1024xf32, #tpu.memory_space<vmem>> -> memref<1x16x1024xf32, #tpu.memory_space<vmem>>
    %dma_start3A_504 = tpu.memref_squeeze %dma_start3A_503 : memref<1x16x1024xf32, #tpu.memory_space<vmem>> -> memref<16x1024xf32, #tpu.memory_space<vmem>>
    %dma_start3A_505 = arith.constant 0 : i32
    %dma_start3A_506 = tpu.memref_slice %arg4[%multiple_of3A_499, %dma_start3A_505] : memref<16384x1024xf32, #tpu.memory_space<hbm>> -> memref<16x1024xf32, #tpu.memory_space<hbm>>
    %dma_start3A_507 = arith.constant 0 : i32
    %dma_start3A_508 = tpu.memref_slice %arg4[%multiple_of3A_499, %dma_start3A_507] : memref<16384x1024xf32, #tpu.memory_space<hbm>> -> memref<16x1024xf32, #tpu.memory_space<hbm>>
    %dma_start3A_509 = arith.constant 0 : i32
    %dma_start3A_510 = arith.constant 0 : i32
    %dma_start3A_511 = tpu.memref_slice %arg6[%dma_start3A_500, %dma_start3A_509, %dma_start3A_510] : memref<7x16x1024xf32, #tpu.memory_space<vmem>> -> memref<1x16x1024xf32, #tpu.memory_space<vmem>>
    %dma_start3A_512 = tpu.memref_squeeze %dma_start3A_511 : memref<1x16x1024xf32, #tpu.memory_space<vmem>> -> memref<16x1024xf32, #tpu.memory_space<vmem>>
    tpu.enqueue_dma source(%dma_start3A_512 : memref<16x1024xf32, #tpu.memory_space<vmem>>) target(%dma_start3A_508 : memref<16x1024xf32, #tpu.memory_space<hbm>>) target_semaphore(%arg16 : memref<!tpu.dma_semaphore, #tpu.memory_space<semaphore_mem>>)
    %add3A_513 = arith.constant 112 : i32
    %add3A_514 = arith.addi %multiple_of3A, %add3A_513 : i32
    %multiple_of3A_515 = tpu.assume_multiple %add3A_514, 16 : i32
    %dma_wait3A_516 = arith.constant 0 : i32
    %dma_wait3A_517 = arith.constant 0 : i32
    %dma_wait3A_518 = arith.constant 0 : i32
    %dma_wait3A_519 = tpu.memref_slice %arg6[%dma_wait3A_516, %dma_wait3A_517, %dma_wait3A_518] : memref<7x16x1024xf32, #tpu.memory_space<vmem>> -> memref<1x16x1024xf32, #tpu.memory_space<vmem>>
    %dma_wait3A_520 = tpu.memref_squeeze %dma_wait3A_519 : memref<1x16x1024xf32, #tpu.memory_space<vmem>> -> memref<16x1024xf32, #tpu.memory_space<vmem>>
    %dma_wait3A_521 = arith.constant 0 : i32
    %dma_wait3A_522 = tpu.memref_slice %arg4[%multiple_of3A_515, %dma_wait3A_521] : memref<16384x1024xf32, #tpu.memory_space<hbm>> -> memref<16x1024xf32, #tpu.memory_space<hbm>>
    %dma_wait3A_523 = arith.constant 0 : i32
    %dma_wait3A_524 = tpu.memref_slice %arg4[%multiple_of3A_515, %dma_wait3A_523] : memref<16384x1024xf32, #tpu.memory_space<hbm>> -> memref<16x1024xf32, #tpu.memory_space<hbm>>
    %dma_wait3A_525 = arith.constant 0 : i32
    %dma_wait3A_526 = arith.constant 0 : i32
    %dma_wait3A_527 = tpu.memref_slice %arg6[%dma_wait3A_516, %dma_wait3A_525, %dma_wait3A_526] : memref<7x16x1024xf32, #tpu.memory_space<vmem>> -> memref<1x16x1024xf32, #tpu.memory_space<vmem>>
    %dma_wait3A_528 = tpu.memref_squeeze %dma_wait3A_527 : memref<1x16x1024xf32, #tpu.memory_space<vmem>> -> memref<16x1024xf32, #tpu.memory_space<vmem>>
    tpu.wait_dma2 semaphore(%arg14 : memref<!tpu.dma_semaphore, #tpu.memory_space<semaphore_mem>>) src(%dma_wait3A_528 : memref<16x1024xf32, #tpu.memory_space<vmem>>) dst(%dma_wait3A_524 : memref<16x1024xf32, #tpu.memory_space<hbm>>)
    %dma_start3A_529 = arith.constant 0 : i32
    %dma_start3A_530 = arith.constant 0 : i32
    %dma_start3A_531 = arith.constant 0 : i32
    %dma_start3A_532 = tpu.memref_slice %arg6[%dma_start3A_529, %dma_start3A_530, %dma_start3A_531] : memref<7x16x1024xf32, #tpu.memory_space<vmem>> -> memref<1x16x1024xf32, #tpu.memory_space<vmem>>
    %dma_start3A_533 = tpu.memref_squeeze %dma_start3A_532 : memref<1x16x1024xf32, #tpu.memory_space<vmem>> -> memref<16x1024xf32, #tpu.memory_space<vmem>>
    %dma_start3A_534 = arith.constant 224 : i32
    %dma_start3A_535 = tpu.memref_slice %arg5[%dma_start3A_534] : memref<512xi32, #tpu.memory_space<vmem>> -> memref<16xi32, #tpu.memory_space<vmem>>
    %dma_start3A_536 = arith.constant 0 : i32
    %dma_start3A_537 = arith.constant 0 : i32
    %dma_start3A_538 = tpu.memref_slice %arg2[%dma_start3A_536, %dma_start3A_537] : memref<65536x1024xf32, #tpu.memory_space<hbm>> -> memref<65536x1024xf32, #tpu.memory_space<hbm>>
    tpu.enqueue_indirect_dma source(%dma_start3A_538 : memref<65536x1024xf32, #tpu.memory_space<hbm>>) target(%dma_start3A_533 : memref<16x1024xf32, #tpu.memory_space<vmem>>) offsets(%dma_start3A_535 : memref<16xi32, #tpu.memory_space<vmem>>) semaphore(%arg7 : memref<!tpu.dma_semaphore, #tpu.memory_space<semaphore_mem>>)
    %dma_wait3A_539 = arith.constant 3 : i32
    %dma_wait3A_540 = arith.constant 0 : i32
    %dma_wait3A_541 = arith.constant 0 : i32
    %dma_wait3A_542 = tpu.memref_slice %arg6[%dma_wait3A_539, %dma_wait3A_540, %dma_wait3A_541] : memref<7x16x1024xf32, #tpu.memory_space<vmem>> -> memref<1x16x1024xf32, #tpu.memory_space<vmem>>
    %dma_wait3A_543 = tpu.memref_squeeze %dma_wait3A_542 : memref<1x16x1024xf32, #tpu.memory_space<vmem>> -> memref<16x1024xf32, #tpu.memory_space<vmem>>
    %dma_wait3A_544 = arith.constant 160 : i32
    %dma_wait3A_545 = tpu.memref_slice %arg5[%dma_wait3A_544] : memref<512xi32, #tpu.memory_space<vmem>> -> memref<16xi32, #tpu.memory_space<vmem>>
    %dma_wait3A_546 = arith.constant 0 : i32
    %dma_wait3A_547 = arith.constant 0 : i32
    %dma_wait3A_548 = tpu.memref_slice %arg2[%dma_wait3A_546, %dma_wait3A_547] : memref<65536x1024xf32, #tpu.memory_space<hbm>> -> memref<65536x1024xf32, #tpu.memory_space<hbm>>
    tpu.wait_indirect_dma semaphore(%arg10 : memref<!tpu.dma_semaphore, #tpu.memory_space<semaphore_mem>>) src(%dma_wait3A_548 : memref<65536x1024xf32, #tpu.memory_space<hbm>>) dst(%dma_wait3A_543 : memref<16x1024xf32, #tpu.memory_space<vmem>>)
    %add3A_549 = arith.constant 160 : i32
    %add3A_550 = arith.addi %multiple_of3A, %add3A_549 : i32
    %multiple_of3A_551 = tpu.assume_multiple %add3A_550, 16 : i32
    %dma_start3A_552 = arith.constant 3 : i32
    %dma_start3A_553 = arith.constant 0 : i32
    %dma_start3A_554 = arith.constant 0 : i32
    %dma_start3A_555 = tpu.memref_slice %arg6[%dma_start3A_552, %dma_start3A_553, %dma_start3A_554] : memref<7x16x1024xf32, #tpu.memory_space<vmem>> -> memref<1x16x1024xf32, #tpu.memory_space<vmem>>
    %dma_start3A_556 = tpu.memref_squeeze %dma_start3A_555 : memref<1x16x1024xf32, #tpu.memory_space<vmem>> -> memref<16x1024xf32, #tpu.memory_space<vmem>>
    %dma_start3A_557 = arith.constant 0 : i32
    %dma_start3A_558 = tpu.memref_slice %arg4[%multiple_of3A_551, %dma_start3A_557] : memref<16384x1024xf32, #tpu.memory_space<hbm>> -> memref<16x1024xf32, #tpu.memory_space<hbm>>
    %dma_start3A_559 = arith.constant 0 : i32
    %dma_start3A_560 = tpu.memref_slice %arg4[%multiple_of3A_551, %dma_start3A_559] : memref<16384x1024xf32, #tpu.memory_space<hbm>> -> memref<16x1024xf32, #tpu.memory_space<hbm>>
    %dma_start3A_561 = arith.constant 0 : i32
    %dma_start3A_562 = arith.constant 0 : i32
    %dma_start3A_563 = tpu.memref_slice %arg6[%dma_start3A_552, %dma_start3A_561, %dma_start3A_562] : memref<7x16x1024xf32, #tpu.memory_space<vmem>> -> memref<1x16x1024xf32, #tpu.memory_space<vmem>>
    %dma_start3A_564 = tpu.memref_squeeze %dma_start3A_563 : memref<1x16x1024xf32, #tpu.memory_space<vmem>> -> memref<16x1024xf32, #tpu.memory_space<vmem>>
    tpu.enqueue_dma source(%dma_start3A_564 : memref<16x1024xf32, #tpu.memory_space<vmem>>) target(%dma_start3A_560 : memref<16x1024xf32, #tpu.memory_space<hbm>>) target_semaphore(%arg17 : memref<!tpu.dma_semaphore, #tpu.memory_space<semaphore_mem>>)
    %add3A_565 = arith.constant 128 : i32
    %add3A_566 = arith.addi %multiple_of3A, %add3A_565 : i32
    %multiple_of3A_567 = tpu.assume_multiple %add3A_566, 16 : i32
    %dma_wait3A_568 = arith.constant 1 : i32
    %dma_wait3A_569 = arith.constant 0 : i32
    %dma_wait3A_570 = arith.constant 0 : i32
    %dma_wait3A_571 = tpu.memref_slice %arg6[%dma_wait3A_568, %dma_wait3A_569, %dma_wait3A_570] : memref<7x16x1024xf32, #tpu.memory_space<vmem>> -> memref<1x16x1024xf32, #tpu.memory_space<vmem>>
    %dma_wait3A_572 = tpu.memref_squeeze %dma_wait3A_571 : memref<1x16x1024xf32, #tpu.memory_space<vmem>> -> memref<16x1024xf32, #tpu.memory_space<vmem>>
    %dma_wait3A_573 = arith.constant 0 : i32
    %dma_wait3A_574 = tpu.memref_slice %arg4[%multiple_of3A_567, %dma_wait3A_573] : memref<16384x1024xf32, #tpu.memory_space<hbm>> -> memref<16x1024xf32, #tpu.memory_space<hbm>>
    %dma_wait3A_575 = arith.constant 0 : i32
    %dma_wait3A_576 = tpu.memref_slice %arg4[%multiple_of3A_567, %dma_wait3A_575] : memref<16384x1024xf32, #tpu.memory_space<hbm>> -> memref<16x1024xf32, #tpu.memory_space<hbm>>
    %dma_wait3A_577 = arith.constant 0 : i32
    %dma_wait3A_578 = arith.constant 0 : i32
    %dma_wait3A_579 = tpu.memref_slice %arg6[%dma_wait3A_568, %dma_wait3A_577, %dma_wait3A_578] : memref<7x16x1024xf32, #tpu.memory_space<vmem>> -> memref<1x16x1024xf32, #tpu.memory_space<vmem>>
    %dma_wait3A_580 = tpu.memref_squeeze %dma_wait3A_579 : memref<1x16x1024xf32, #tpu.memory_space<vmem>> -> memref<16x1024xf32, #tpu.memory_space<vmem>>
    tpu.wait_dma2 semaphore(%arg15 : memref<!tpu.dma_semaphore, #tpu.memory_space<semaphore_mem>>) src(%dma_wait3A_580 : memref<16x1024xf32, #tpu.memory_space<vmem>>) dst(%dma_wait3A_576 : memref<16x1024xf32, #tpu.memory_space<hbm>>)
    %dma_start3A_581 = arith.constant 1 : i32
    %dma_start3A_582 = arith.constant 0 : i32
    %dma_start3A_583 = arith.constant 0 : i32
    %dma_start3A_584 = tpu.memref_slice %arg6[%dma_start3A_581, %dma_start3A_582, %dma_start3A_583] : memref<7x16x1024xf32, #tpu.memory_space<vmem>> -> memref<1x16x1024xf32, #tpu.memory_space<vmem>>
    %dma_start3A_585 = tpu.memref_squeeze %dma_start3A_584 : memref<1x16x1024xf32, #tpu.memory_space<vmem>> -> memref<16x1024xf32, #tpu.memory_space<vmem>>
    %dma_start3A_586 = arith.constant 240 : i32
    %dma_start3A_587 = tpu.memref_slice %arg5[%dma_start3A_586] : memref<512xi32, #tpu.memory_space<vmem>> -> memref<16xi32, #tpu.memory_space<vmem>>
    %dma_start3A_588 = arith.constant 0 : i32
    %dma_start3A_589 = arith.constant 0 : i32
    %dma_start3A_590 = tpu.memref_slice %arg2[%dma_start3A_588, %dma_start3A_589] : memref<65536x1024xf32, #tpu.memory_space<hbm>> -> memref<65536x1024xf32, #tpu.memory_space<hbm>>
    tpu.enqueue_indirect_dma source(%dma_start3A_590 : memref<65536x1024xf32, #tpu.memory_space<hbm>>) target(%dma_start3A_585 : memref<16x1024xf32, #tpu.memory_space<vmem>>) offsets(%dma_start3A_587 : memref<16xi32, #tpu.memory_space<vmem>>) semaphore(%arg8 : memref<!tpu.dma_semaphore, #tpu.memory_space<semaphore_mem>>)
    %dma_wait3A_591 = arith.constant 4 : i32
    %dma_wait3A_592 = arith.constant 0 : i32
    %dma_wait3A_593 = arith.constant 0 : i32
    %dma_wait3A_594 = tpu.memref_slice %arg6[%dma_wait3A_591, %dma_wait3A_592, %dma_wait3A_593] : memref<7x16x1024xf32, #tpu.memory_space<vmem>> -> memref<1x16x1024xf32, #tpu.memory_space<vmem>>
    %dma_wait3A_595 = tpu.memref_squeeze %dma_wait3A_594 : memref<1x16x1024xf32, #tpu.memory_space<vmem>> -> memref<16x1024xf32, #tpu.memory_space<vmem>>
    %dma_wait3A_596 = arith.constant 176 : i32
    %dma_wait3A_597 = tpu.memref_slice %arg5[%dma_wait3A_596] : memref<512xi32, #tpu.memory_space<vmem>> -> memref<16xi32, #tpu.memory_space<vmem>>
    %dma_wait3A_598 = arith.constant 0 : i32
    %dma_wait3A_599 = arith.constant 0 : i32
    %dma_wait3A_600 = tpu.memref_slice %arg2[%dma_wait3A_598, %dma_wait3A_599] : memref<65536x1024xf32, #tpu.memory_space<hbm>> -> memref<65536x1024xf32, #tpu.memory_space<hbm>>
    tpu.wait_indirect_dma semaphore(%arg11 : memref<!tpu.dma_semaphore, #tpu.memory_space<semaphore_mem>>) src(%dma_wait3A_600 : memref<65536x1024xf32, #tpu.memory_space<hbm>>) dst(%dma_wait3A_595 : memref<16x1024xf32, #tpu.memory_space<vmem>>)
    %add3A_601 = arith.constant 176 : i32
    %add3A_602 = arith.addi %multiple_of3A, %add3A_601 : i32
    %multiple_of3A_603 = tpu.assume_multiple %add3A_602, 16 : i32
    %dma_start3A_604 = arith.constant 4 : i32
    %dma_start3A_605 = arith.constant 0 : i32
    %dma_start3A_606 = arith.constant 0 : i32
    %dma_start3A_607 = tpu.memref_slice %arg6[%dma_start3A_604, %dma_start3A_605, %dma_start3A_606] : memref<7x16x1024xf32, #tpu.memory_space<vmem>> -> memref<1x16x1024xf32, #tpu.memory_space<vmem>>
    %dma_start3A_608 = tpu.memref_squeeze %dma_start3A_607 : memref<1x16x1024xf32, #tpu.memory_space<vmem>> -> memref<16x1024xf32, #tpu.memory_space<vmem>>
    %dma_start3A_609 = arith.constant 0 : i32
    %dma_start3A_610 = tpu.memref_slice %arg4[%multiple_of3A_603, %dma_start3A_609] : memref<16384x1024xf32, #tpu.memory_space<hbm>> -> memref<16x1024xf32, #tpu.memory_space<hbm>>
    %dma_start3A_611 = arith.constant 0 : i32
    %dma_start3A_612 = tpu.memref_slice %arg4[%multiple_of3A_603, %dma_start3A_611] : memref<16384x1024xf32, #tpu.memory_space<hbm>> -> memref<16x1024xf32, #tpu.memory_space<hbm>>
    %dma_start3A_613 = arith.constant 0 : i32
    %dma_start3A_614 = arith.constant 0 : i32
    %dma_start3A_615 = tpu.memref_slice %arg6[%dma_start3A_604, %dma_start3A_613, %dma_start3A_614] : memref<7x16x1024xf32, #tpu.memory_space<vmem>> -> memref<1x16x1024xf32, #tpu.memory_space<vmem>>
    %dma_start3A_616 = tpu.memref_squeeze %dma_start3A_615 : memref<1x16x1024xf32, #tpu.memory_space<vmem>> -> memref<16x1024xf32, #tpu.memory_space<vmem>>
    tpu.enqueue_dma source(%dma_start3A_616 : memref<16x1024xf32, #tpu.memory_space<vmem>>) target(%dma_start3A_612 : memref<16x1024xf32, #tpu.memory_space<hbm>>) target_semaphore(%arg18 : memref<!tpu.dma_semaphore, #tpu.memory_space<semaphore_mem>>)
    %add3A_617 = arith.constant 144 : i32
    %add3A_618 = arith.addi %multiple_of3A, %add3A_617 : i32
    %multiple_of3A_619 = tpu.assume_multiple %add3A_618, 16 : i32
    %dma_wait3A_620 = arith.constant 2 : i32
    %dma_wait3A_621 = arith.constant 0 : i32
    %dma_wait3A_622 = arith.constant 0 : i32
    %dma_wait3A_623 = tpu.memref_slice %arg6[%dma_wait3A_620, %dma_wait3A_621, %dma_wait3A_622] : memref<7x16x1024xf32, #tpu.memory_space<vmem>> -> memref<1x16x1024xf32, #tpu.memory_space<vmem>>
    %dma_wait3A_624 = tpu.memref_squeeze %dma_wait3A_623 : memref<1x16x1024xf32, #tpu.memory_space<vmem>> -> memref<16x1024xf32, #tpu.memory_space<vmem>>
    %dma_wait3A_625 = arith.constant 0 : i32
    %dma_wait3A_626 = tpu.memref_slice %arg4[%multiple_of3A_619, %dma_wait3A_625] : memref<16384x1024xf32, #tpu.memory_space<hbm>> -> memref<16x1024xf32, #tpu.memory_space<hbm>>
    %dma_wait3A_627 = arith.constant 0 : i32
    %dma_wait3A_628 = tpu.memref_slice %arg4[%multiple_of3A_619, %dma_wait3A_627] : memref<16384x1024xf32, #tpu.memory_space<hbm>> -> memref<16x1024xf32, #tpu.memory_space<hbm>>
    %dma_wait3A_629 = arith.constant 0 : i32
    %dma_wait3A_630 = arith.constant 0 : i32
    %dma_wait3A_631 = tpu.memref_slice %arg6[%dma_wait3A_620, %dma_wait3A_629, %dma_wait3A_630] : memref<7x16x1024xf32, #tpu.memory_space<vmem>> -> memref<1x16x1024xf32, #tpu.memory_space<vmem>>
    %dma_wait3A_632 = tpu.memref_squeeze %dma_wait3A_631 : memref<1x16x1024xf32, #tpu.memory_space<vmem>> -> memref<16x1024xf32, #tpu.memory_space<vmem>>
    tpu.wait_dma2 semaphore(%arg16 : memref<!tpu.dma_semaphore, #tpu.memory_space<semaphore_mem>>) src(%dma_wait3A_632 : memref<16x1024xf32, #tpu.memory_space<vmem>>) dst(%dma_wait3A_628 : memref<16x1024xf32, #tpu.memory_space<hbm>>)
    %dma_start3A_633 = arith.constant 2 : i32
    %dma_start3A_634 = arith.constant 0 : i32
    %dma_start3A_635 = arith.constant 0 : i32
    %dma_start3A_636 = tpu.memref_slice %arg6[%dma_start3A_633, %dma_start3A_634, %dma_start3A_635] : memref<7x16x1024xf32, #tpu.memory_space<vmem>> -> memref<1x16x1024xf32, #tpu.memory_space<vmem>>
    %dma_start3A_637 = tpu.memref_squeeze %dma_start3A_636 : memref<1x16x1024xf32, #tpu.memory_space<vmem>> -> memref<16x1024xf32, #tpu.memory_space<vmem>>
    %dma_start3A_638 = arith.constant 256 : i32
    %dma_start3A_639 = tpu.memref_slice %arg5[%dma_start3A_638] : memref<512xi32, #tpu.memory_space<vmem>> -> memref<16xi32, #tpu.memory_space<vmem>>
    %dma_start3A_640 = arith.constant 0 : i32
    %dma_start3A_641 = arith.constant 0 : i32
    %dma_start3A_642 = tpu.memref_slice %arg2[%dma_start3A_640, %dma_start3A_641] : memref<65536x1024xf32, #tpu.memory_space<hbm>> -> memref<65536x1024xf32, #tpu.memory_space<hbm>>
    tpu.enqueue_indirect_dma source(%dma_start3A_642 : memref<65536x1024xf32, #tpu.memory_space<hbm>>) target(%dma_start3A_637 : memref<16x1024xf32, #tpu.memory_space<vmem>>) offsets(%dma_start3A_639 : memref<16xi32, #tpu.memory_space<vmem>>) semaphore(%arg9 : memref<!tpu.dma_semaphore, #tpu.memory_space<semaphore_mem>>)
    %dma_wait3A_643 = arith.constant 5 : i32
    %dma_wait3A_644 = arith.constant 0 : i32
    %dma_wait3A_645 = arith.constant 0 : i32
    %dma_wait3A_646 = tpu.memref_slice %arg6[%dma_wait3A_643, %dma_wait3A_644, %dma_wait3A_645] : memref<7x16x1024xf32, #tpu.memory_space<vmem>> -> memref<1x16x1024xf32, #tpu.memory_space<vmem>>
    %dma_wait3A_647 = tpu.memref_squeeze %dma_wait3A_646 : memref<1x16x1024xf32, #tpu.memory_space<vmem>> -> memref<16x1024xf32, #tpu.memory_space<vmem>>
    %dma_wait3A_648 = arith.constant 192 : i32
    %dma_wait3A_649 = tpu.memref_slice %arg5[%dma_wait3A_648] : memref<512xi32, #tpu.memory_space<vmem>> -> memref<16xi32, #tpu.memory_space<vmem>>
    %dma_wait3A_650 = arith.constant 0 : i32
    %dma_wait3A_651 = arith.constant 0 : i32
    %dma_wait3A_652 = tpu.memref_slice %arg2[%dma_wait3A_650, %dma_wait3A_651] : memref<65536x1024xf32, #tpu.memory_space<hbm>> -> memref<65536x1024xf32, #tpu.memory_space<hbm>>
    tpu.wait_indirect_dma semaphore(%arg12 : memref<!tpu.dma_semaphore, #tpu.memory_space<semaphore_mem>>) src(%dma_wait3A_652 : memref<65536x1024xf32, #tpu.memory_space<hbm>>) dst(%dma_wait3A_647 : memref<16x1024xf32, #tpu.memory_space<vmem>>)
    %add3A_653 = arith.constant 192 : i32
    %add3A_654 = arith.addi %multiple_of3A, %add3A_653 : i32
    %multiple_of3A_655 = tpu.assume_multiple %add3A_654, 16 : i32
    %dma_start3A_656 = arith.constant 5 : i32
    %dma_start3A_657 = arith.constant 0 : i32
    %dma_start3A_658 = arith.constant 0 : i32
    %dma_start3A_659 = tpu.memref_slice %arg6[%dma_start3A_656, %dma_start3A_657, %dma_start3A_658] : memref<7x16x1024xf32, #tpu.memory_space<vmem>> -> memref<1x16x1024xf32, #tpu.memory_space<vmem>>
    %dma_start3A_660 = tpu.memref_squeeze %dma_start3A_659 : memref<1x16x1024xf32, #tpu.memory_space<vmem>> -> memref<16x1024xf32, #tpu.memory_space<vmem>>
    %dma_start3A_661 = arith.constant 0 : i32
    %dma_start3A_662 = tpu.memref_slice %arg4[%multiple_of3A_655, %dma_start3A_661] : memref<16384x1024xf32, #tpu.memory_space<hbm>> -> memref<16x1024xf32, #tpu.memory_space<hbm>>
    %dma_start3A_663 = arith.constant 0 : i32
    %dma_start3A_664 = tpu.memref_slice %arg4[%multiple_of3A_655, %dma_start3A_663] : memref<16384x1024xf32, #tpu.memory_space<hbm>> -> memref<16x1024xf32, #tpu.memory_space<hbm>>
    %dma_start3A_665 = arith.constant 0 : i32
    %dma_start3A_666 = arith.constant 0 : i32
    %dma_start3A_667 = tpu.memref_slice %arg6[%dma_start3A_656, %dma_start3A_665, %dma_start3A_666] : memref<7x16x1024xf32, #tpu.memory_space<vmem>> -> memref<1x16x1024xf32, #tpu.memory_space<vmem>>
    %dma_start3A_668 = tpu.memref_squeeze %dma_start3A_667 : memref<1x16x1024xf32, #tpu.memory_space<vmem>> -> memref<16x1024xf32, #tpu.memory_space<vmem>>
    tpu.enqueue_dma source(%dma_start3A_668 : memref<16x1024xf32, #tpu.memory_space<vmem>>) target(%dma_start3A_664 : memref<16x1024xf32, #tpu.memory_space<hbm>>) target_semaphore(%arg19 : memref<!tpu.dma_semaphore, #tpu.memory_space<semaphore_mem>>)
    %add3A_669 = arith.constant 160 : i32
    %add3A_670 = arith.addi %multiple_of3A, %add3A_669 : i32
    %multiple_of3A_671 = tpu.assume_multiple %add3A_670, 16 : i32
    %dma_wait3A_672 = arith.constant 3 : i32
    %dma_wait3A_673 = arith.constant 0 : i32
    %dma_wait3A_674 = arith.constant 0 : i32
    %dma_wait3A_675 = tpu.memref_slice %arg6[%dma_wait3A_672, %dma_wait3A_673, %dma_wait3A_674] : memref<7x16x1024xf32, #tpu.memory_space<vmem>> -> memref<1x16x1024xf32, #tpu.memory_space<vmem>>
    %dma_wait3A_676 = tpu.memref_squeeze %dma_wait3A_675 : memref<1x16x1024xf32, #tpu.memory_space<vmem>> -> memref<16x1024xf32, #tpu.memory_space<vmem>>
    %dma_wait3A_677 = arith.constant 0 : i32
    %dma_wait3A_678 = tpu.memref_slice %arg4[%multiple_of3A_671, %dma_wait3A_677] : memref<16384x1024xf32, #tpu.memory_space<hbm>> -> memref<16x1024xf32, #tpu.memory_space<hbm>>
    %dma_wait3A_679 = arith.constant 0 : i32
    %dma_wait3A_680 = tpu.memref_slice %arg4[%multiple_of3A_671, %dma_wait3A_679] : memref<16384x1024xf32, #tpu.memory_space<hbm>> -> memref<16x1024xf32, #tpu.memory_space<hbm>>
    %dma_wait3A_681 = arith.constant 0 : i32
    %dma_wait3A_682 = arith.constant 0 : i32
    %dma_wait3A_683 = tpu.memref_slice %arg6[%dma_wait3A_672, %dma_wait3A_681, %dma_wait3A_682] : memref<7x16x1024xf32, #tpu.memory_space<vmem>> -> memref<1x16x1024xf32, #tpu.memory_space<vmem>>
    %dma_wait3A_684 = tpu.memref_squeeze %dma_wait3A_683 : memref<1x16x1024xf32, #tpu.memory_space<vmem>> -> memref<16x1024xf32, #tpu.memory_space<vmem>>
    tpu.wait_dma2 semaphore(%arg17 : memref<!tpu.dma_semaphore, #tpu.memory_space<semaphore_mem>>) src(%dma_wait3A_684 : memref<16x1024xf32, #tpu.memory_space<vmem>>) dst(%dma_wait3A_680 : memref<16x1024xf32, #tpu.memory_space<hbm>>)
    %dma_start3A_685 = arith.constant 3 : i32
    %dma_start3A_686 = arith.constant 0 : i32
    %dma_start3A_687 = arith.constant 0 : i32
    %dma_start3A_688 = tpu.memref_slice %arg6[%dma_start3A_685, %dma_start3A_686, %dma_start3A_687] : memref<7x16x1024xf32, #tpu.memory_space<vmem>> -> memref<1x16x1024xf32, #tpu.memory_space<vmem>>
    %dma_start3A_689 = tpu.memref_squeeze %dma_start3A_688 : memref<1x16x1024xf32, #tpu.memory_space<vmem>> -> memref<16x1024xf32, #tpu.memory_space<vmem>>
    %dma_start3A_690 = arith.constant 272 : i32
    %dma_start3A_691 = tpu.memref_slice %arg5[%dma_start3A_690] : memref<512xi32, #tpu.memory_space<vmem>> -> memref<16xi32, #tpu.memory_space<vmem>>
    %dma_start3A_692 = arith.constant 0 : i32
    %dma_start3A_693 = arith.constant 0 : i32
    %dma_start3A_694 = tpu.memref_slice %arg2[%dma_start3A_692, %dma_start3A_693] : memref<65536x1024xf32, #tpu.memory_space<hbm>> -> memref<65536x1024xf32, #tpu.memory_space<hbm>>
    tpu.enqueue_indirect_dma source(%dma_start3A_694 : memref<65536x1024xf32, #tpu.memory_space<hbm>>) target(%dma_start3A_689 : memref<16x1024xf32, #tpu.memory_space<vmem>>) offsets(%dma_start3A_691 : memref<16xi32, #tpu.memory_space<vmem>>) semaphore(%arg10 : memref<!tpu.dma_semaphore, #tpu.memory_space<semaphore_mem>>)
    %dma_wait3A_695 = arith.constant 6 : i32
    %dma_wait3A_696 = arith.constant 0 : i32
    %dma_wait3A_697 = arith.constant 0 : i32
    %dma_wait3A_698 = tpu.memref_slice %arg6[%dma_wait3A_695, %dma_wait3A_696, %dma_wait3A_697] : memref<7x16x1024xf32, #tpu.memory_space<vmem>> -> memref<1x16x1024xf32, #tpu.memory_space<vmem>>
    %dma_wait3A_699 = tpu.memref_squeeze %dma_wait3A_698 : memref<1x16x1024xf32, #tpu.memory_space<vmem>> -> memref<16x1024xf32, #tpu.memory_space<vmem>>
    %dma_wait3A_700 = arith.constant 208 : i32
    %dma_wait3A_701 = tpu.memref_slice %arg5[%dma_wait3A_700] : memref<512xi32, #tpu.memory_space<vmem>> -> memref<16xi32, #tpu.memory_space<vmem>>
    %dma_wait3A_702 = arith.constant 0 : i32
    %dma_wait3A_703 = arith.constant 0 : i32
    %dma_wait3A_704 = tpu.memref_slice %arg2[%dma_wait3A_702, %dma_wait3A_703] : memref<65536x1024xf32, #tpu.memory_space<hbm>> -> memref<65536x1024xf32, #tpu.memory_space<hbm>>
    tpu.wait_indirect_dma semaphore(%arg13 : memref<!tpu.dma_semaphore, #tpu.memory_space<semaphore_mem>>) src(%dma_wait3A_704 : memref<65536x1024xf32, #tpu.memory_space<hbm>>) dst(%dma_wait3A_699 : memref<16x1024xf32, #tpu.memory_space<vmem>>)
    %add3A_705 = arith.constant 208 : i32
    %add3A_706 = arith.addi %multiple_of3A, %add3A_705 : i32
    %multiple_of3A_707 = tpu.assume_multiple %add3A_706, 16 : i32
    %dma_start3A_708 = arith.constant 6 : i32
    %dma_start3A_709 = arith.constant 0 : i32
    %dma_start3A_710 = arith.constant 0 : i32
    %dma_start3A_711 = tpu.memref_slice %arg6[%dma_start3A_708, %dma_start3A_709, %dma_start3A_710] : memref<7x16x1024xf32, #tpu.memory_space<vmem>> -> memref<1x16x1024xf32, #tpu.memory_space<vmem>>
    %dma_start3A_712 = tpu.memref_squeeze %dma_start3A_711 : memref<1x16x1024xf32, #tpu.memory_space<vmem>> -> memref<16x1024xf32, #tpu.memory_space<vmem>>
    %dma_start3A_713 = arith.constant 0 : i32
    %dma_start3A_714 = tpu.memref_slice %arg4[%multiple_of3A_707, %dma_start3A_713] : memref<16384x1024xf32, #tpu.memory_space<hbm>> -> memref<16x1024xf32, #tpu.memory_space<hbm>>
    %dma_start3A_715 = arith.constant 0 : i32
    %dma_start3A_716 = tpu.memref_slice %arg4[%multiple_of3A_707, %dma_start3A_715] : memref<16384x1024xf32, #tpu.memory_space<hbm>> -> memref<16x1024xf32, #tpu.memory_space<hbm>>
    %dma_start3A_717 = arith.constant 0 : i32
    %dma_start3A_718 = arith.constant 0 : i32
    %dma_start3A_719 = tpu.memref_slice %arg6[%dma_start3A_708, %dma_start3A_717, %dma_start3A_718] : memref<7x16x1024xf32, #tpu.memory_space<vmem>> -> memref<1x16x1024xf32, #tpu.memory_space<vmem>>
    %dma_start3A_720 = tpu.memref_squeeze %dma_start3A_719 : memref<1x16x1024xf32, #tpu.memory_space<vmem>> -> memref<16x1024xf32, #tpu.memory_space<vmem>>
    tpu.enqueue_dma source(%dma_start3A_720 : memref<16x1024xf32, #tpu.memory_space<vmem>>) target(%dma_start3A_716 : memref<16x1024xf32, #tpu.memory_space<hbm>>) target_semaphore(%arg20 : memref<!tpu.dma_semaphore, #tpu.memory_space<semaphore_mem>>)
    %add3A_721 = arith.constant 176 : i32
    %add3A_722 = arith.addi %multiple_of3A, %add3A_721 : i32
    %multiple_of3A_723 = tpu.assume_multiple %add3A_722, 16 : i32
    %dma_wait3A_724 = arith.constant 4 : i32
    %dma_wait3A_725 = arith.constant 0 : i32
    %dma_wait3A_726 = arith.constant 0 : i32
    %dma_wait3A_727 = tpu.memref_slice %arg6[%dma_wait3A_724, %dma_wait3A_725, %dma_wait3A_726] : memref<7x16x1024xf32, #tpu.memory_space<vmem>> -> memref<1x16x1024xf32, #tpu.memory_space<vmem>>
    %dma_wait3A_728 = tpu.memref_squeeze %dma_wait3A_727 : memref<1x16x1024xf32, #tpu.memory_space<vmem>> -> memref<16x1024xf32, #tpu.memory_space<vmem>>
    %dma_wait3A_729 = arith.constant 0 : i32
    %dma_wait3A_730 = tpu.memref_slice %arg4[%multiple_of3A_723, %dma_wait3A_729] : memref<16384x1024xf32, #tpu.memory_space<hbm>> -> memref<16x1024xf32, #tpu.memory_space<hbm>>
    %dma_wait3A_731 = arith.constant 0 : i32
    %dma_wait3A_732 = tpu.memref_slice %arg4[%multiple_of3A_723, %dma_wait3A_731] : memref<16384x1024xf32, #tpu.memory_space<hbm>> -> memref<16x1024xf32, #tpu.memory_space<hbm>>
    %dma_wait3A_733 = arith.constant 0 : i32
    %dma_wait3A_734 = arith.constant 0 : i32
    %dma_wait3A_735 = tpu.memref_slice %arg6[%dma_wait3A_724, %dma_wait3A_733, %dma_wait3A_734] : memref<7x16x1024xf32, #tpu.memory_space<vmem>> -> memref<1x16x1024xf32, #tpu.memory_space<vmem>>
    %dma_wait3A_736 = tpu.memref_squeeze %dma_wait3A_735 : memref<1x16x1024xf32, #tpu.memory_space<vmem>> -> memref<16x1024xf32, #tpu.memory_space<vmem>>
    tpu.wait_dma2 semaphore(%arg18 : memref<!tpu.dma_semaphore, #tpu.memory_space<semaphore_mem>>) src(%dma_wait3A_736 : memref<16x1024xf32, #tpu.memory_space<vmem>>) dst(%dma_wait3A_732 : memref<16x1024xf32, #tpu.memory_space<hbm>>)
    %dma_start3A_737 = arith.constant 4 : i32
    %dma_start3A_738 = arith.constant 0 : i32
    %dma_start3A_739 = arith.constant 0 : i32
    %dma_start3A_740 = tpu.memref_slice %arg6[%dma_start3A_737, %dma_start3A_738, %dma_start3A_739] : memref<7x16x1024xf32, #tpu.memory_space<vmem>> -> memref<1x16x1024xf32, #tpu.memory_space<vmem>>
    %dma_start3A_741 = tpu.memref_squeeze %dma_start3A_740 : memref<1x16x1024xf32, #tpu.memory_space<vmem>> -> memref<16x1024xf32, #tpu.memory_space<vmem>>
    %dma_start3A_742 = arith.constant 288 : i32
    %dma_start3A_743 = tpu.memref_slice %arg5[%dma_start3A_742] : memref<512xi32, #tpu.memory_space<vmem>> -> memref<16xi32, #tpu.memory_space<vmem>>
    %dma_start3A_744 = arith.constant 0 : i32
    %dma_start3A_745 = arith.constant 0 : i32
    %dma_start3A_746 = tpu.memref_slice %arg2[%dma_start3A_744, %dma_start3A_745] : memref<65536x1024xf32, #tpu.memory_space<hbm>> -> memref<65536x1024xf32, #tpu.memory_space<hbm>>
    tpu.enqueue_indirect_dma source(%dma_start3A_746 : memref<65536x1024xf32, #tpu.memory_space<hbm>>) target(%dma_start3A_741 : memref<16x1024xf32, #tpu.memory_space<vmem>>) offsets(%dma_start3A_743 : memref<16xi32, #tpu.memory_space<vmem>>) semaphore(%arg11 : memref<!tpu.dma_semaphore, #tpu.memory_space<semaphore_mem>>)
    %dma_wait3A_747 = arith.constant 0 : i32
    %dma_wait3A_748 = arith.constant 0 : i32
    %dma_wait3A_749 = arith.constant 0 : i32
    %dma_wait3A_750 = tpu.memref_slice %arg6[%dma_wait3A_747, %dma_wait3A_748, %dma_wait3A_749] : memref<7x16x1024xf32, #tpu.memory_space<vmem>> -> memref<1x16x1024xf32, #tpu.memory_space<vmem>>
    %dma_wait3A_751 = tpu.memref_squeeze %dma_wait3A_750 : memref<1x16x1024xf32, #tpu.memory_space<vmem>> -> memref<16x1024xf32, #tpu.memory_space<vmem>>
    %dma_wait3A_752 = arith.constant 224 : i32
    %dma_wait3A_753 = tpu.memref_slice %arg5[%dma_wait3A_752] : memref<512xi32, #tpu.memory_space<vmem>> -> memref<16xi32, #tpu.memory_space<vmem>>
    %dma_wait3A_754 = arith.constant 0 : i32
    %dma_wait3A_755 = arith.constant 0 : i32
    %dma_wait3A_756 = tpu.memref_slice %arg2[%dma_wait3A_754, %dma_wait3A_755] : memref<65536x1024xf32, #tpu.memory_space<hbm>> -> memref<65536x1024xf32, #tpu.memory_space<hbm>>
    tpu.wait_indirect_dma semaphore(%arg7 : memref<!tpu.dma_semaphore, #tpu.memory_space<semaphore_mem>>) src(%dma_wait3A_756 : memref<65536x1024xf32, #tpu.memory_space<hbm>>) dst(%dma_wait3A_751 : memref<16x1024xf32, #tpu.memory_space<vmem>>)
    %add3A_757 = arith.constant 224 : i32
    %add3A_758 = arith.addi %multiple_of3A, %add3A_757 : i32
    %multiple_of3A_759 = tpu.assume_multiple %add3A_758, 16 : i32
    %dma_start3A_760 = arith.constant 0 : i32
    %dma_start3A_761 = arith.constant 0 : i32
    %dma_start3A_762 = arith.constant 0 : i32
    %dma_start3A_763 = tpu.memref_slice %arg6[%dma_start3A_760, %dma_start3A_761, %dma_start3A_762] : memref<7x16x1024xf32, #tpu.memory_space<vmem>> -> memref<1x16x1024xf32, #tpu.memory_space<vmem>>
    %dma_start3A_764 = tpu.memref_squeeze %dma_start3A_763 : memref<1x16x1024xf32, #tpu.memory_space<vmem>> -> memref<16x1024xf32, #tpu.memory_space<vmem>>
    %dma_start3A_765 = arith.constant 0 : i32
    %dma_start3A_766 = tpu.memref_slice %arg4[%multiple_of3A_759, %dma_start3A_765] : memref<16384x1024xf32, #tpu.memory_space<hbm>> -> memref<16x1024xf32, #tpu.memory_space<hbm>>
    %dma_start3A_767 = arith.constant 0 : i32
    %dma_start3A_768 = tpu.memref_slice %arg4[%multiple_of3A_759, %dma_start3A_767] : memref<16384x1024xf32, #tpu.memory_space<hbm>> -> memref<16x1024xf32, #tpu.memory_space<hbm>>
    %dma_start3A_769 = arith.constant 0 : i32
    %dma_start3A_770 = arith.constant 0 : i32
    %dma_start3A_771 = tpu.memref_slice %arg6[%dma_start3A_760, %dma_start3A_769, %dma_start3A_770] : memref<7x16x1024xf32, #tpu.memory_space<vmem>> -> memref<1x16x1024xf32, #tpu.memory_space<vmem>>
    %dma_start3A_772 = tpu.memref_squeeze %dma_start3A_771 : memref<1x16x1024xf32, #tpu.memory_space<vmem>> -> memref<16x1024xf32, #tpu.memory_space<vmem>>
    tpu.enqueue_dma source(%dma_start3A_772 : memref<16x1024xf32, #tpu.memory_space<vmem>>) target(%dma_start3A_768 : memref<16x1024xf32, #tpu.memory_space<hbm>>) target_semaphore(%arg14 : memref<!tpu.dma_semaphore, #tpu.memory_space<semaphore_mem>>)
    %add3A_773 = arith.constant 192 : i32
    %add3A_774 = arith.addi %multiple_of3A, %add3A_773 : i32
    %multiple_of3A_775 = tpu.assume_multiple %add3A_774, 16 : i32
    %dma_wait3A_776 = arith.constant 5 : i32
    %dma_wait3A_777 = arith.constant 0 : i32
    %dma_wait3A_778 = arith.constant 0 : i32
    %dma_wait3A_779 = tpu.memref_slice %arg6[%dma_wait3A_776, %dma_wait3A_777, %dma_wait3A_778] : memref<7x16x1024xf32, #tpu.memory_space<vmem>> -> memref<1x16x1024xf32, #tpu.memory_space<vmem>>
    %dma_wait3A_780 = tpu.memref_squeeze %dma_wait3A_779 : memref<1x16x1024xf32, #tpu.memory_space<vmem>> -> memref<16x1024xf32, #tpu.memory_space<vmem>>
    %dma_wait3A_781 = arith.constant 0 : i32
    %dma_wait3A_782 = tpu.memref_slice %arg4[%multiple_of3A_775, %dma_wait3A_781] : memref<16384x1024xf32, #tpu.memory_space<hbm>> -> memref<16x1024xf32, #tpu.memory_space<hbm>>
    %dma_wait3A_783 = arith.constant 0 : i32
    %dma_wait3A_784 = tpu.memref_slice %arg4[%multiple_of3A_775, %dma_wait3A_783] : memref<16384x1024xf32, #tpu.memory_space<hbm>> -> memref<16x1024xf32, #tpu.memory_space<hbm>>
    %dma_wait3A_785 = arith.constant 0 : i32
    %dma_wait3A_786 = arith.constant 0 : i32
    %dma_wait3A_787 = tpu.memref_slice %arg6[%dma_wait3A_776, %dma_wait3A_785, %dma_wait3A_786] : memref<7x16x1024xf32, #tpu.memory_space<vmem>> -> memref<1x16x1024xf32, #tpu.memory_space<vmem>>
    %dma_wait3A_788 = tpu.memref_squeeze %dma_wait3A_787 : memref<1x16x1024xf32, #tpu.memory_space<vmem>> -> memref<16x1024xf32, #tpu.memory_space<vmem>>
    tpu.wait_dma2 semaphore(%arg19 : memref<!tpu.dma_semaphore, #tpu.memory_space<semaphore_mem>>) src(%dma_wait3A_788 : memref<16x1024xf32, #tpu.memory_space<vmem>>) dst(%dma_wait3A_784 : memref<16x1024xf32, #tpu.memory_space<hbm>>)
    %dma_start3A_789 = arith.constant 5 : i32
    %dma_start3A_790 = arith.constant 0 : i32
    %dma_start3A_791 = arith.constant 0 : i32
    %dma_start3A_792 = tpu.memref_slice %arg6[%dma_start3A_789, %dma_start3A_790, %dma_start3A_791] : memref<7x16x1024xf32, #tpu.memory_space<vmem>> -> memref<1x16x1024xf32, #tpu.memory_space<vmem>>
    %dma_start3A_793 = tpu.memref_squeeze %dma_start3A_792 : memref<1x16x1024xf32, #tpu.memory_space<vmem>> -> memref<16x1024xf32, #tpu.memory_space<vmem>>
    %dma_start3A_794 = arith.constant 304 : i32
    %dma_start3A_795 = tpu.memref_slice %arg5[%dma_start3A_794] : memref<512xi32, #tpu.memory_space<vmem>> -> memref<16xi32, #tpu.memory_space<vmem>>
    %dma_start3A_796 = arith.constant 0 : i32
    %dma_start3A_797 = arith.constant 0 : i32
    %dma_start3A_798 = tpu.memref_slice %arg2[%dma_start3A_796, %dma_start3A_797] : memref<65536x1024xf32, #tpu.memory_space<hbm>> -> memref<65536x1024xf32, #tpu.memory_space<hbm>>
    tpu.enqueue_indirect_dma source(%dma_start3A_798 : memref<65536x1024xf32, #tpu.memory_space<hbm>>) target(%dma_start3A_793 : memref<16x1024xf32, #tpu.memory_space<vmem>>) offsets(%dma_start3A_795 : memref<16xi32, #tpu.memory_space<vmem>>) semaphore(%arg12 : memref<!tpu.dma_semaphore, #tpu.memory_space<semaphore_mem>>)
    %dma_wait3A_799 = arith.constant 1 : i32
    %dma_wait3A_800 = arith.constant 0 : i32
    %dma_wait3A_801 = arith.constant 0 : i32
    %dma_wait3A_802 = tpu.memref_slice %arg6[%dma_wait3A_799, %dma_wait3A_800, %dma_wait3A_801] : memref<7x16x1024xf32, #tpu.memory_space<vmem>> -> memref<1x16x1024xf32, #tpu.memory_space<vmem>>
    %dma_wait3A_803 = tpu.memref_squeeze %dma_wait3A_802 : memref<1x16x1024xf32, #tpu.memory_space<vmem>> -> memref<16x1024xf32, #tpu.memory_space<vmem>>
    %dma_wait3A_804 = arith.constant 240 : i32
    %dma_wait3A_805 = tpu.memref_slice %arg5[%dma_wait3A_804] : memref<512xi32, #tpu.memory_space<vmem>> -> memref<16xi32, #tpu.memory_space<vmem>>
    %dma_wait3A_806 = arith.constant 0 : i32
    %dma_wait3A_807 = arith.constant 0 : i32
    %dma_wait3A_808 = tpu.memref_slice %arg2[%dma_wait3A_806, %dma_wait3A_807] : memref<65536x1024xf32, #tpu.memory_space<hbm>> -> memref<65536x1024xf32, #tpu.memory_space<hbm>>
    tpu.wait_indirect_dma semaphore(%arg8 : memref<!tpu.dma_semaphore, #tpu.memory_space<semaphore_mem>>) src(%dma_wait3A_808 : memref<65536x1024xf32, #tpu.memory_space<hbm>>) dst(%dma_wait3A_803 : memref<16x1024xf32, #tpu.memory_space<vmem>>)
    %add3A_809 = arith.constant 240 : i32
    %add3A_810 = arith.addi %multiple_of3A, %add3A_809 : i32
    %multiple_of3A_811 = tpu.assume_multiple %add3A_810, 16 : i32
    %dma_start3A_812 = arith.constant 1 : i32
    %dma_start3A_813 = arith.constant 0 : i32
    %dma_start3A_814 = arith.constant 0 : i32
    %dma_start3A_815 = tpu.memref_slice %arg6[%dma_start3A_812, %dma_start3A_813, %dma_start3A_814] : memref<7x16x1024xf32, #tpu.memory_space<vmem>> -> memref<1x16x1024xf32, #tpu.memory_space<vmem>>
    %dma_start3A_816 = tpu.memref_squeeze %dma_start3A_815 : memref<1x16x1024xf32, #tpu.memory_space<vmem>> -> memref<16x1024xf32, #tpu.memory_space<vmem>>
    %dma_start3A_817 = arith.constant 0 : i32
    %dma_start3A_818 = tpu.memref_slice %arg4[%multiple_of3A_811, %dma_start3A_817] : memref<16384x1024xf32, #tpu.memory_space<hbm>> -> memref<16x1024xf32, #tpu.memory_space<hbm>>
    %dma_start3A_819 = arith.constant 0 : i32
    %dma_start3A_820 = tpu.memref_slice %arg4[%multiple_of3A_811, %dma_start3A_819] : memref<16384x1024xf32, #tpu.memory_space<hbm>> -> memref<16x1024xf32, #tpu.memory_space<hbm>>
    %dma_start3A_821 = arith.constant 0 : i32
    %dma_start3A_822 = arith.constant 0 : i32
    %dma_start3A_823 = tpu.memref_slice %arg6[%dma_start3A_812, %dma_start3A_821, %dma_start3A_822] : memref<7x16x1024xf32, #tpu.memory_space<vmem>> -> memref<1x16x1024xf32, #tpu.memory_space<vmem>>
    %dma_start3A_824 = tpu.memref_squeeze %dma_start3A_823 : memref<1x16x1024xf32, #tpu.memory_space<vmem>> -> memref<16x1024xf32, #tpu.memory_space<vmem>>
    tpu.enqueue_dma source(%dma_start3A_824 : memref<16x1024xf32, #tpu.memory_space<vmem>>) target(%dma_start3A_820 : memref<16x1024xf32, #tpu.memory_space<hbm>>) target_semaphore(%arg15 : memref<!tpu.dma_semaphore, #tpu.memory_space<semaphore_mem>>)
    %add3A_825 = arith.constant 208 : i32
    %add3A_826 = arith.addi %multiple_of3A, %add3A_825 : i32
    %multiple_of3A_827 = tpu.assume_multiple %add3A_826, 16 : i32
    %dma_wait3A_828 = arith.constant 6 : i32
    %dma_wait3A_829 = arith.constant 0 : i32
    %dma_wait3A_830 = arith.constant 0 : i32
    %dma_wait3A_831 = tpu.memref_slice %arg6[%dma_wait3A_828, %dma_wait3A_829, %dma_wait3A_830] : memref<7x16x1024xf32, #tpu.memory_space<vmem>> -> memref<1x16x1024xf32, #tpu.memory_space<vmem>>
    %dma_wait3A_832 = tpu.memref_squeeze %dma_wait3A_831 : memref<1x16x1024xf32, #tpu.memory_space<vmem>> -> memref<16x1024xf32, #tpu.memory_space<vmem>>
    %dma_wait3A_833 = arith.constant 0 : i32
    %dma_wait3A_834 = tpu.memref_slice %arg4[%multiple_of3A_827, %dma_wait3A_833] : memref<16384x1024xf32, #tpu.memory_space<hbm>> -> memref<16x1024xf32, #tpu.memory_space<hbm>>
    %dma_wait3A_835 = arith.constant 0 : i32
    %dma_wait3A_836 = tpu.memref_slice %arg4[%multiple_of3A_827, %dma_wait3A_835] : memref<16384x1024xf32, #tpu.memory_space<hbm>> -> memref<16x1024xf32, #tpu.memory_space<hbm>>
    %dma_wait3A_837 = arith.constant 0 : i32
    %dma_wait3A_838 = arith.constant 0 : i32
    %dma_wait3A_839 = tpu.memref_slice %arg6[%dma_wait3A_828, %dma_wait3A_837, %dma_wait3A_838] : memref<7x16x1024xf32, #tpu.memory_space<vmem>> -> memref<1x16x1024xf32, #tpu.memory_space<vmem>>
    %dma_wait3A_840 = tpu.memref_squeeze %dma_wait3A_839 : memref<1x16x1024xf32, #tpu.memory_space<vmem>> -> memref<16x1024xf32, #tpu.memory_space<vmem>>
    tpu.wait_dma2 semaphore(%arg20 : memref<!tpu.dma_semaphore, #tpu.memory_space<semaphore_mem>>) src(%dma_wait3A_840 : memref<16x1024xf32, #tpu.memory_space<vmem>>) dst(%dma_wait3A_836 : memref<16x1024xf32, #tpu.memory_space<hbm>>)
    %dma_start3A_841 = arith.constant 6 : i32
    %dma_start3A_842 = arith.constant 0 : i32
    %dma_start3A_843 = arith.constant 0 : i32
    %dma_start3A_844 = tpu.memref_slice %arg6[%dma_start3A_841, %dma_start3A_842, %dma_start3A_843] : memref<7x16x1024xf32, #tpu.memory_space<vmem>> -> memref<1x16x1024xf32, #tpu.memory_space<vmem>>
    %dma_start3A_845 = tpu.memref_squeeze %dma_start3A_844 : memref<1x16x1024xf32, #tpu.memory_space<vmem>> -> memref<16x1024xf32, #tpu.memory_space<vmem>>
    %dma_start3A_846 = arith.constant 320 : i32
    %dma_start3A_847 = tpu.memref_slice %arg5[%dma_start3A_846] : memref<512xi32, #tpu.memory_space<vmem>> -> memref<16xi32, #tpu.memory_space<vmem>>
    %dma_start3A_848 = arith.constant 0 : i32
    %dma_start3A_849 = arith.constant 0 : i32
    %dma_start3A_850 = tpu.memref_slice %arg2[%dma_start3A_848, %dma_start3A_849] : memref<65536x1024xf32, #tpu.memory_space<hbm>> -> memref<65536x1024xf32, #tpu.memory_space<hbm>>
    tpu.enqueue_indirect_dma source(%dma_start3A_850 : memref<65536x1024xf32, #tpu.memory_space<hbm>>) target(%dma_start3A_845 : memref<16x1024xf32, #tpu.memory_space<vmem>>) offsets(%dma_start3A_847 : memref<16xi32, #tpu.memory_space<vmem>>) semaphore(%arg13 : memref<!tpu.dma_semaphore, #tpu.memory_space<semaphore_mem>>)
    %dma_wait3A_851 = arith.constant 2 : i32
    %dma_wait3A_852 = arith.constant 0 : i32
    %dma_wait3A_853 = arith.constant 0 : i32
    %dma_wait3A_854 = tpu.memref_slice %arg6[%dma_wait3A_851, %dma_wait3A_852, %dma_wait3A_853] : memref<7x16x1024xf32, #tpu.memory_space<vmem>> -> memref<1x16x1024xf32, #tpu.memory_space<vmem>>
    %dma_wait3A_855 = tpu.memref_squeeze %dma_wait3A_854 : memref<1x16x1024xf32, #tpu.memory_space<vmem>> -> memref<16x1024xf32, #tpu.memory_space<vmem>>
    %dma_wait3A_856 = arith.constant 256 : i32
    %dma_wait3A_857 = tpu.memref_slice %arg5[%dma_wait3A_856] : memref<512xi32, #tpu.memory_space<vmem>> -> memref<16xi32, #tpu.memory_space<vmem>>
    %dma_wait3A_858 = arith.constant 0 : i32
    %dma_wait3A_859 = arith.constant 0 : i32
    %dma_wait3A_860 = tpu.memref_slice %arg2[%dma_wait3A_858, %dma_wait3A_859] : memref<65536x1024xf32, #tpu.memory_space<hbm>> -> memref<65536x1024xf32, #tpu.memory_space<hbm>>
    tpu.wait_indirect_dma semaphore(%arg9 : memref<!tpu.dma_semaphore, #tpu.memory_space<semaphore_mem>>) src(%dma_wait3A_860 : memref<65536x1024xf32, #tpu.memory_space<hbm>>) dst(%dma_wait3A_855 : memref<16x1024xf32, #tpu.memory_space<vmem>>)
    %add3A_861 = arith.constant 256 : i32
    %add3A_862 = arith.addi %multiple_of3A, %add3A_861 : i32
    %multiple_of3A_863 = tpu.assume_multiple %add3A_862, 16 : i32
    %dma_start3A_864 = arith.constant 2 : i32
    %dma_start3A_865 = arith.constant 0 : i32
    %dma_start3A_866 = arith.constant 0 : i32
    %dma_start3A_867 = tpu.memref_slice %arg6[%dma_start3A_864, %dma_start3A_865, %dma_start3A_866] : memref<7x16x1024xf32, #tpu.memory_space<vmem>> -> memref<1x16x1024xf32, #tpu.memory_space<vmem>>
    %dma_start3A_868 = tpu.memref_squeeze %dma_start3A_867 : memref<1x16x1024xf32, #tpu.memory_space<vmem>> -> memref<16x1024xf32, #tpu.memory_space<vmem>>
    %dma_start3A_869 = arith.constant 0 : i32
    %dma_start3A_870 = tpu.memref_slice %arg4[%multiple_of3A_863, %dma_start3A_869] : memref<16384x1024xf32, #tpu.memory_space<hbm>> -> memref<16x1024xf32, #tpu.memory_space<hbm>>
    %dma_start3A_871 = arith.constant 0 : i32
    %dma_start3A_872 = tpu.memref_slice %arg4[%multiple_of3A_863, %dma_start3A_871] : memref<16384x1024xf32, #tpu.memory_space<hbm>> -> memref<16x1024xf32, #tpu.memory_space<hbm>>
    %dma_start3A_873 = arith.constant 0 : i32
    %dma_start3A_874 = arith.constant 0 : i32
    %dma_start3A_875 = tpu.memref_slice %arg6[%dma_start3A_864, %dma_start3A_873, %dma_start3A_874] : memref<7x16x1024xf32, #tpu.memory_space<vmem>> -> memref<1x16x1024xf32, #tpu.memory_space<vmem>>
    %dma_start3A_876 = tpu.memref_squeeze %dma_start3A_875 : memref<1x16x1024xf32, #tpu.memory_space<vmem>> -> memref<16x1024xf32, #tpu.memory_space<vmem>>
    tpu.enqueue_dma source(%dma_start3A_876 : memref<16x1024xf32, #tpu.memory_space<vmem>>) target(%dma_start3A_872 : memref<16x1024xf32, #tpu.memory_space<hbm>>) target_semaphore(%arg16 : memref<!tpu.dma_semaphore, #tpu.memory_space<semaphore_mem>>)
    %add3A_877 = arith.constant 224 : i32
    %add3A_878 = arith.addi %multiple_of3A, %add3A_877 : i32
    %multiple_of3A_879 = tpu.assume_multiple %add3A_878, 16 : i32
    %dma_wait3A_880 = arith.constant 0 : i32
    %dma_wait3A_881 = arith.constant 0 : i32
    %dma_wait3A_882 = arith.constant 0 : i32
    %dma_wait3A_883 = tpu.memref_slice %arg6[%dma_wait3A_880, %dma_wait3A_881, %dma_wait3A_882] : memref<7x16x1024xf32, #tpu.memory_space<vmem>> -> memref<1x16x1024xf32, #tpu.memory_space<vmem>>
    %dma_wait3A_884 = tpu.memref_squeeze %dma_wait3A_883 : memref<1x16x1024xf32, #tpu.memory_space<vmem>> -> memref<16x1024xf32, #tpu.memory_space<vmem>>
    %dma_wait3A_885 = arith.constant 0 : i32
    %dma_wait3A_886 = tpu.memref_slice %arg4[%multiple_of3A_879, %dma_wait3A_885] : memref<16384x1024xf32, #tpu.memory_space<hbm>> -> memref<16x1024xf32, #tpu.memory_space<hbm>>
    %dma_wait3A_887 = arith.constant 0 : i32
    %dma_wait3A_888 = tpu.memref_slice %arg4[%multiple_of3A_879, %dma_wait3A_887] : memref<16384x1024xf32, #tpu.memory_space<hbm>> -> memref<16x1024xf32, #tpu.memory_space<hbm>>
    %dma_wait3A_889 = arith.constant 0 : i32
    %dma_wait3A_890 = arith.constant 0 : i32
    %dma_wait3A_891 = tpu.memref_slice %arg6[%dma_wait3A_880, %dma_wait3A_889, %dma_wait3A_890] : memref<7x16x1024xf32, #tpu.memory_space<vmem>> -> memref<1x16x1024xf32, #tpu.memory_space<vmem>>
    %dma_wait3A_892 = tpu.memref_squeeze %dma_wait3A_891 : memref<1x16x1024xf32, #tpu.memory_space<vmem>> -> memref<16x1024xf32, #tpu.memory_space<vmem>>
    tpu.wait_dma2 semaphore(%arg14 : memref<!tpu.dma_semaphore, #tpu.memory_space<semaphore_mem>>) src(%dma_wait3A_892 : memref<16x1024xf32, #tpu.memory_space<vmem>>) dst(%dma_wait3A_888 : memref<16x1024xf32, #tpu.memory_space<hbm>>)
    %dma_start3A_893 = arith.constant 0 : i32
    %dma_start3A_894 = arith.constant 0 : i32
    %dma_start3A_895 = arith.constant 0 : i32
    %dma_start3A_896 = tpu.memref_slice %arg6[%dma_start3A_893, %dma_start3A_894, %dma_start3A_895] : memref<7x16x1024xf32, #tpu.memory_space<vmem>> -> memref<1x16x1024xf32, #tpu.memory_space<vmem>>
    %dma_start3A_897 = tpu.memref_squeeze %dma_start3A_896 : memref<1x16x1024xf32, #tpu.memory_space<vmem>> -> memref<16x1024xf32, #tpu.memory_space<vmem>>
    %dma_start3A_898 = arith.constant 336 : i32
    %dma_start3A_899 = tpu.memref_slice %arg5[%dma_start3A_898] : memref<512xi32, #tpu.memory_space<vmem>> -> memref<16xi32, #tpu.memory_space<vmem>>
    %dma_start3A_900 = arith.constant 0 : i32
    %dma_start3A_901 = arith.constant 0 : i32
    %dma_start3A_902 = tpu.memref_slice %arg2[%dma_start3A_900, %dma_start3A_901] : memref<65536x1024xf32, #tpu.memory_space<hbm>> -> memref<65536x1024xf32, #tpu.memory_space<hbm>>
    tpu.enqueue_indirect_dma source(%dma_start3A_902 : memref<65536x1024xf32, #tpu.memory_space<hbm>>) target(%dma_start3A_897 : memref<16x1024xf32, #tpu.memory_space<vmem>>) offsets(%dma_start3A_899 : memref<16xi32, #tpu.memory_space<vmem>>) semaphore(%arg7 : memref<!tpu.dma_semaphore, #tpu.memory_space<semaphore_mem>>)
    %dma_wait3A_903 = arith.constant 3 : i32
    %dma_wait3A_904 = arith.constant 0 : i32
    %dma_wait3A_905 = arith.constant 0 : i32
    %dma_wait3A_906 = tpu.memref_slice %arg6[%dma_wait3A_903, %dma_wait3A_904, %dma_wait3A_905] : memref<7x16x1024xf32, #tpu.memory_space<vmem>> -> memref<1x16x1024xf32, #tpu.memory_space<vmem>>
    %dma_wait3A_907 = tpu.memref_squeeze %dma_wait3A_906 : memref<1x16x1024xf32, #tpu.memory_space<vmem>> -> memref<16x1024xf32, #tpu.memory_space<vmem>>
    %dma_wait3A_908 = arith.constant 272 : i32
    %dma_wait3A_909 = tpu.memref_slice %arg5[%dma_wait3A_908] : memref<512xi32, #tpu.memory_space<vmem>> -> memref<16xi32, #tpu.memory_space<vmem>>
    %dma_wait3A_910 = arith.constant 0 : i32
    %dma_wait3A_911 = arith.constant 0 : i32
    %dma_wait3A_912 = tpu.memref_slice %arg2[%dma_wait3A_910, %dma_wait3A_911] : memref<65536x1024xf32, #tpu.memory_space<hbm>> -> memref<65536x1024xf32, #tpu.memory_space<hbm>>
    tpu.wait_indirect_dma semaphore(%arg10 : memref<!tpu.dma_semaphore, #tpu.memory_space<semaphore_mem>>) src(%dma_wait3A_912 : memref<65536x1024xf32, #tpu.memory_space<hbm>>) dst(%dma_wait3A_907 : memref<16x1024xf32, #tpu.memory_space<vmem>>)
    %add3A_913 = arith.constant 272 : i32
    %add3A_914 = arith.addi %multiple_of3A, %add3A_913 : i32
    %multiple_of3A_915 = tpu.assume_multiple %add3A_914, 16 : i32
    %dma_start3A_916 = arith.constant 3 : i32
    %dma_start3A_917 = arith.constant 0 : i32
    %dma_start3A_918 = arith.constant 0 : i32
    %dma_start3A_919 = tpu.memref_slice %arg6[%dma_start3A_916, %dma_start3A_917, %dma_start3A_918] : memref<7x16x1024xf32, #tpu.memory_space<vmem>> -> memref<1x16x1024xf32, #tpu.memory_space<vmem>>
    %dma_start3A_920 = tpu.memref_squeeze %dma_start3A_919 : memref<1x16x1024xf32, #tpu.memory_space<vmem>> -> memref<16x1024xf32, #tpu.memory_space<vmem>>
    %dma_start3A_921 = arith.constant 0 : i32
    %dma_start3A_922 = tpu.memref_slice %arg4[%multiple_of3A_915, %dma_start3A_921] : memref<16384x1024xf32, #tpu.memory_space<hbm>> -> memref<16x1024xf32, #tpu.memory_space<hbm>>
    %dma_start3A_923 = arith.constant 0 : i32
    %dma_start3A_924 = tpu.memref_slice %arg4[%multiple_of3A_915, %dma_start3A_923] : memref<16384x1024xf32, #tpu.memory_space<hbm>> -> memref<16x1024xf32, #tpu.memory_space<hbm>>
    %dma_start3A_925 = arith.constant 0 : i32
    %dma_start3A_926 = arith.constant 0 : i32
    %dma_start3A_927 = tpu.memref_slice %arg6[%dma_start3A_916, %dma_start3A_925, %dma_start3A_926] : memref<7x16x1024xf32, #tpu.memory_space<vmem>> -> memref<1x16x1024xf32, #tpu.memory_space<vmem>>
    %dma_start3A_928 = tpu.memref_squeeze %dma_start3A_927 : memref<1x16x1024xf32, #tpu.memory_space<vmem>> -> memref<16x1024xf32, #tpu.memory_space<vmem>>
    tpu.enqueue_dma source(%dma_start3A_928 : memref<16x1024xf32, #tpu.memory_space<vmem>>) target(%dma_start3A_924 : memref<16x1024xf32, #tpu.memory_space<hbm>>) target_semaphore(%arg17 : memref<!tpu.dma_semaphore, #tpu.memory_space<semaphore_mem>>)
    %add3A_929 = arith.constant 240 : i32
    %add3A_930 = arith.addi %multiple_of3A, %add3A_929 : i32
    %multiple_of3A_931 = tpu.assume_multiple %add3A_930, 16 : i32
    %dma_wait3A_932 = arith.constant 1 : i32
    %dma_wait3A_933 = arith.constant 0 : i32
    %dma_wait3A_934 = arith.constant 0 : i32
    %dma_wait3A_935 = tpu.memref_slice %arg6[%dma_wait3A_932, %dma_wait3A_933, %dma_wait3A_934] : memref<7x16x1024xf32, #tpu.memory_space<vmem>> -> memref<1x16x1024xf32, #tpu.memory_space<vmem>>
    %dma_wait3A_936 = tpu.memref_squeeze %dma_wait3A_935 : memref<1x16x1024xf32, #tpu.memory_space<vmem>> -> memref<16x1024xf32, #tpu.memory_space<vmem>>
    %dma_wait3A_937 = arith.constant 0 : i32
    %dma_wait3A_938 = tpu.memref_slice %arg4[%multiple_of3A_931, %dma_wait3A_937] : memref<16384x1024xf32, #tpu.memory_space<hbm>> -> memref<16x1024xf32, #tpu.memory_space<hbm>>
    %dma_wait3A_939 = arith.constant 0 : i32
    %dma_wait3A_940 = tpu.memref_slice %arg4[%multiple_of3A_931, %dma_wait3A_939] : memref<16384x1024xf32, #tpu.memory_space<hbm>> -> memref<16x1024xf32, #tpu.memory_space<hbm>>
    %dma_wait3A_941 = arith.constant 0 : i32
    %dma_wait3A_942 = arith.constant 0 : i32
    %dma_wait3A_943 = tpu.memref_slice %arg6[%dma_wait3A_932, %dma_wait3A_941, %dma_wait3A_942] : memref<7x16x1024xf32, #tpu.memory_space<vmem>> -> memref<1x16x1024xf32, #tpu.memory_space<vmem>>
    %dma_wait3A_944 = tpu.memref_squeeze %dma_wait3A_943 : memref<1x16x1024xf32, #tpu.memory_space<vmem>> -> memref<16x1024xf32, #tpu.memory_space<vmem>>
    tpu.wait_dma2 semaphore(%arg15 : memref<!tpu.dma_semaphore, #tpu.memory_space<semaphore_mem>>) src(%dma_wait3A_944 : memref<16x1024xf32, #tpu.memory_space<vmem>>) dst(%dma_wait3A_940 : memref<16x1024xf32, #tpu.memory_space<hbm>>)
    %dma_start3A_945 = arith.constant 1 : i32
    %dma_start3A_946 = arith.constant 0 : i32
    %dma_start3A_947 = arith.constant 0 : i32
    %dma_start3A_948 = tpu.memref_slice %arg6[%dma_start3A_945, %dma_start3A_946, %dma_start3A_947] : memref<7x16x1024xf32, #tpu.memory_space<vmem>> -> memref<1x16x1024xf32, #tpu.memory_space<vmem>>
    %dma_start3A_949 = tpu.memref_squeeze %dma_start3A_948 : memref<1x16x1024xf32, #tpu.memory_space<vmem>> -> memref<16x1024xf32, #tpu.memory_space<vmem>>
    %dma_start3A_950 = arith.constant 352 : i32
    %dma_start3A_951 = tpu.memref_slice %arg5[%dma_start3A_950] : memref<512xi32, #tpu.memory_space<vmem>> -> memref<16xi32, #tpu.memory_space<vmem>>
    %dma_start3A_952 = arith.constant 0 : i32
    %dma_start3A_953 = arith.constant 0 : i32
    %dma_start3A_954 = tpu.memref_slice %arg2[%dma_start3A_952, %dma_start3A_953] : memref<65536x1024xf32, #tpu.memory_space<hbm>> -> memref<65536x1024xf32, #tpu.memory_space<hbm>>
    tpu.enqueue_indirect_dma source(%dma_start3A_954 : memref<65536x1024xf32, #tpu.memory_space<hbm>>) target(%dma_start3A_949 : memref<16x1024xf32, #tpu.memory_space<vmem>>) offsets(%dma_start3A_951 : memref<16xi32, #tpu.memory_space<vmem>>) semaphore(%arg8 : memref<!tpu.dma_semaphore, #tpu.memory_space<semaphore_mem>>)
    %dma_wait3A_955 = arith.constant 4 : i32
    %dma_wait3A_956 = arith.constant 0 : i32
    %dma_wait3A_957 = arith.constant 0 : i32
    %dma_wait3A_958 = tpu.memref_slice %arg6[%dma_wait3A_955, %dma_wait3A_956, %dma_wait3A_957] : memref<7x16x1024xf32, #tpu.memory_space<vmem>> -> memref<1x16x1024xf32, #tpu.memory_space<vmem>>
    %dma_wait3A_959 = tpu.memref_squeeze %dma_wait3A_958 : memref<1x16x1024xf32, #tpu.memory_space<vmem>> -> memref<16x1024xf32, #tpu.memory_space<vmem>>
    %dma_wait3A_960 = arith.constant 288 : i32
    %dma_wait3A_961 = tpu.memref_slice %arg5[%dma_wait3A_960] : memref<512xi32, #tpu.memory_space<vmem>> -> memref<16xi32, #tpu.memory_space<vmem>>
    %dma_wait3A_962 = arith.constant 0 : i32
    %dma_wait3A_963 = arith.constant 0 : i32
    %dma_wait3A_964 = tpu.memref_slice %arg2[%dma_wait3A_962, %dma_wait3A_963] : memref<65536x1024xf32, #tpu.memory_space<hbm>> -> memref<65536x1024xf32, #tpu.memory_space<hbm>>
    tpu.wait_indirect_dma semaphore(%arg11 : memref<!tpu.dma_semaphore, #tpu.memory_space<semaphore_mem>>) src(%dma_wait3A_964 : memref<65536x1024xf32, #tpu.memory_space<hbm>>) dst(%dma_wait3A_959 : memref<16x1024xf32, #tpu.memory_space<vmem>>)
    %add3A_965 = arith.constant 288 : i32
    %add3A_966 = arith.addi %multiple_of3A, %add3A_965 : i32
    %multiple_of3A_967 = tpu.assume_multiple %add3A_966, 16 : i32
    %dma_start3A_968 = arith.constant 4 : i32
    %dma_start3A_969 = arith.constant 0 : i32
    %dma_start3A_970 = arith.constant 0 : i32
    %dma_start3A_971 = tpu.memref_slice %arg6[%dma_start3A_968, %dma_start3A_969, %dma_start3A_970] : memref<7x16x1024xf32, #tpu.memory_space<vmem>> -> memref<1x16x1024xf32, #tpu.memory_space<vmem>>
    %dma_start3A_972 = tpu.memref_squeeze %dma_start3A_971 : memref<1x16x1024xf32, #tpu.memory_space<vmem>> -> memref<16x1024xf32, #tpu.memory_space<vmem>>
    %dma_start3A_973 = arith.constant 0 : i32
    %dma_start3A_974 = tpu.memref_slice %arg4[%multiple_of3A_967, %dma_start3A_973] : memref<16384x1024xf32, #tpu.memory_space<hbm>> -> memref<16x1024xf32, #tpu.memory_space<hbm>>
    %dma_start3A_975 = arith.constant 0 : i32
    %dma_start3A_976 = tpu.memref_slice %arg4[%multiple_of3A_967, %dma_start3A_975] : memref<16384x1024xf32, #tpu.memory_space<hbm>> -> memref<16x1024xf32, #tpu.memory_space<hbm>>
    %dma_start3A_977 = arith.constant 0 : i32
    %dma_start3A_978 = arith.constant 0 : i32
    %dma_start3A_979 = tpu.memref_slice %arg6[%dma_start3A_968, %dma_start3A_977, %dma_start3A_978] : memref<7x16x1024xf32, #tpu.memory_space<vmem>> -> memref<1x16x1024xf32, #tpu.memory_space<vmem>>
    %dma_start3A_980 = tpu.memref_squeeze %dma_start3A_979 : memref<1x16x1024xf32, #tpu.memory_space<vmem>> -> memref<16x1024xf32, #tpu.memory_space<vmem>>
    tpu.enqueue_dma source(%dma_start3A_980 : memref<16x1024xf32, #tpu.memory_space<vmem>>) target(%dma_start3A_976 : memref<16x1024xf32, #tpu.memory_space<hbm>>) target_semaphore(%arg18 : memref<!tpu.dma_semaphore, #tpu.memory_space<semaphore_mem>>)
    %add3A_981 = arith.constant 256 : i32
    %add3A_982 = arith.addi %multiple_of3A, %add3A_981 : i32
    %multiple_of3A_983 = tpu.assume_multiple %add3A_982, 16 : i32
    %dma_wait3A_984 = arith.constant 2 : i32
    %dma_wait3A_985 = arith.constant 0 : i32
    %dma_wait3A_986 = arith.constant 0 : i32
    %dma_wait3A_987 = tpu.memref_slice %arg6[%dma_wait3A_984, %dma_wait3A_985, %dma_wait3A_986] : memref<7x16x1024xf32, #tpu.memory_space<vmem>> -> memref<1x16x1024xf32, #tpu.memory_space<vmem>>
    %dma_wait3A_988 = tpu.memref_squeeze %dma_wait3A_987 : memref<1x16x1024xf32, #tpu.memory_space<vmem>> -> memref<16x1024xf32, #tpu.memory_space<vmem>>
    %dma_wait3A_989 = arith.constant 0 : i32
    %dma_wait3A_990 = tpu.memref_slice %arg4[%multiple_of3A_983, %dma_wait3A_989] : memref<16384x1024xf32, #tpu.memory_space<hbm>> -> memref<16x1024xf32, #tpu.memory_space<hbm>>
    %dma_wait3A_991 = arith.constant 0 : i32
    %dma_wait3A_992 = tpu.memref_slice %arg4[%multiple_of3A_983, %dma_wait3A_991] : memref<16384x1024xf32, #tpu.memory_space<hbm>> -> memref<16x1024xf32, #tpu.memory_space<hbm>>
    %dma_wait3A_993 = arith.constant 0 : i32
    %dma_wait3A_994 = arith.constant 0 : i32
    %dma_wait3A_995 = tpu.memref_slice %arg6[%dma_wait3A_984, %dma_wait3A_993, %dma_wait3A_994] : memref<7x16x1024xf32, #tpu.memory_space<vmem>> -> memref<1x16x1024xf32, #tpu.memory_space<vmem>>
    %dma_wait3A_996 = tpu.memref_squeeze %dma_wait3A_995 : memref<1x16x1024xf32, #tpu.memory_space<vmem>> -> memref<16x1024xf32, #tpu.memory_space<vmem>>
    tpu.wait_dma2 semaphore(%arg16 : memref<!tpu.dma_semaphore, #tpu.memory_space<semaphore_mem>>) src(%dma_wait3A_996 : memref<16x1024xf32, #tpu.memory_space<vmem>>) dst(%dma_wait3A_992 : memref<16x1024xf32, #tpu.memory_space<hbm>>)
    %dma_start3A_997 = arith.constant 2 : i32
    %dma_start3A_998 = arith.constant 0 : i32
    %dma_start3A_999 = arith.constant 0 : i32
    %dma_start3A_1000 = tpu.memref_slice %arg6[%dma_start3A_997, %dma_start3A_998, %dma_start3A_999] : memref<7x16x1024xf32, #tpu.memory_space<vmem>> -> memref<1x16x1024xf32, #tpu.memory_space<vmem>>
    %dma_start3A_1001 = tpu.memref_squeeze %dma_start3A_1000 : memref<1x16x1024xf32, #tpu.memory_space<vmem>> -> memref<16x1024xf32, #tpu.memory_space<vmem>>
    %dma_start3A_1002 = arith.constant 368 : i32
    %dma_start3A_1003 = tpu.memref_slice %arg5[%dma_start3A_1002] : memref<512xi32, #tpu.memory_space<vmem>> -> memref<16xi32, #tpu.memory_space<vmem>>
    %dma_start3A_1004 = arith.constant 0 : i32
    %dma_start3A_1005 = arith.constant 0 : i32
    %dma_start3A_1006 = tpu.memref_slice %arg2[%dma_start3A_1004, %dma_start3A_1005] : memref<65536x1024xf32, #tpu.memory_space<hbm>> -> memref<65536x1024xf32, #tpu.memory_space<hbm>>
    tpu.enqueue_indirect_dma source(%dma_start3A_1006 : memref<65536x1024xf32, #tpu.memory_space<hbm>>) target(%dma_start3A_1001 : memref<16x1024xf32, #tpu.memory_space<vmem>>) offsets(%dma_start3A_1003 : memref<16xi32, #tpu.memory_space<vmem>>) semaphore(%arg9 : memref<!tpu.dma_semaphore, #tpu.memory_space<semaphore_mem>>)
    %dma_wait3A_1007 = arith.constant 5 : i32
    %dma_wait3A_1008 = arith.constant 0 : i32
    %dma_wait3A_1009 = arith.constant 0 : i32
    %dma_wait3A_1010 = tpu.memref_slice %arg6[%dma_wait3A_1007, %dma_wait3A_1008, %dma_wait3A_1009] : memref<7x16x1024xf32, #tpu.memory_space<vmem>> -> memref<1x16x1024xf32, #tpu.memory_space<vmem>>
    %dma_wait3A_1011 = tpu.memref_squeeze %dma_wait3A_1010 : memref<1x16x1024xf32, #tpu.memory_space<vmem>> -> memref<16x1024xf32, #tpu.memory_space<vmem>>
    %dma_wait3A_1012 = arith.constant 304 : i32
    %dma_wait3A_1013 = tpu.memref_slice %arg5[%dma_wait3A_1012] : memref<512xi32, #tpu.memory_space<vmem>> -> memref<16xi32, #tpu.memory_space<vmem>>
    %dma_wait3A_1014 = arith.constant 0 : i32
    %dma_wait3A_1015 = arith.constant 0 : i32
    %dma_wait3A_1016 = tpu.memref_slice %arg2[%dma_wait3A_1014, %dma_wait3A_1015] : memref<65536x1024xf32, #tpu.memory_space<hbm>> -> memref<65536x1024xf32, #tpu.memory_space<hbm>>
    tpu.wait_indirect_dma semaphore(%arg12 : memref<!tpu.dma_semaphore, #tpu.memory_space<semaphore_mem>>) src(%dma_wait3A_1016 : memref<65536x1024xf32, #tpu.memory_space<hbm>>) dst(%dma_wait3A_1011 : memref<16x1024xf32, #tpu.memory_space<vmem>>)
    %add3A_1017 = arith.constant 304 : i32
    %add3A_1018 = arith.addi %multiple_of3A, %add3A_1017 : i32
    %multiple_of3A_1019 = tpu.assume_multiple %add3A_1018, 16 : i32
    %dma_start3A_1020 = arith.constant 5 : i32
    %dma_start3A_1021 = arith.constant 0 : i32
    %dma_start3A_1022 = arith.constant 0 : i32
    %dma_start3A_1023 = tpu.memref_slice %arg6[%dma_start3A_1020, %dma_start3A_1021, %dma_start3A_1022] : memref<7x16x1024xf32, #tpu.memory_space<vmem>> -> memref<1x16x1024xf32, #tpu.memory_space<vmem>>
    %dma_start3A_1024 = tpu.memref_squeeze %dma_start3A_1023 : memref<1x16x1024xf32, #tpu.memory_space<vmem>> -> memref<16x1024xf32, #tpu.memory_space<vmem>>
    %dma_start3A_1025 = arith.constant 0 : i32
    %dma_start3A_1026 = tpu.memref_slice %arg4[%multiple_of3A_1019, %dma_start3A_1025] : memref<16384x1024xf32, #tpu.memory_space<hbm>> -> memref<16x1024xf32, #tpu.memory_space<hbm>>
    %dma_start3A_1027 = arith.constant 0 : i32
    %dma_start3A_1028 = tpu.memref_slice %arg4[%multiple_of3A_1019, %dma_start3A_1027] : memref<16384x1024xf32, #tpu.memory_space<hbm>> -> memref<16x1024xf32, #tpu.memory_space<hbm>>
    %dma_start3A_1029 = arith.constant 0 : i32
    %dma_start3A_1030 = arith.constant 0 : i32
    %dma_start3A_1031 = tpu.memref_slice %arg6[%dma_start3A_1020, %dma_start3A_1029, %dma_start3A_1030] : memref<7x16x1024xf32, #tpu.memory_space<vmem>> -> memref<1x16x1024xf32, #tpu.memory_space<vmem>>
    %dma_start3A_1032 = tpu.memref_squeeze %dma_start3A_1031 : memref<1x16x1024xf32, #tpu.memory_space<vmem>> -> memref<16x1024xf32, #tpu.memory_space<vmem>>
    tpu.enqueue_dma source(%dma_start3A_1032 : memref<16x1024xf32, #tpu.memory_space<vmem>>) target(%dma_start3A_1028 : memref<16x1024xf32, #tpu.memory_space<hbm>>) target_semaphore(%arg19 : memref<!tpu.dma_semaphore, #tpu.memory_space<semaphore_mem>>)
    %add3A_1033 = arith.constant 272 : i32
    %add3A_1034 = arith.addi %multiple_of3A, %add3A_1033 : i32
    %multiple_of3A_1035 = tpu.assume_multiple %add3A_1034, 16 : i32
    %dma_wait3A_1036 = arith.constant 3 : i32
    %dma_wait3A_1037 = arith.constant 0 : i32
    %dma_wait3A_1038 = arith.constant 0 : i32
    %dma_wait3A_1039 = tpu.memref_slice %arg6[%dma_wait3A_1036, %dma_wait3A_1037, %dma_wait3A_1038] : memref<7x16x1024xf32, #tpu.memory_space<vmem>> -> memref<1x16x1024xf32, #tpu.memory_space<vmem>>
    %dma_wait3A_1040 = tpu.memref_squeeze %dma_wait3A_1039 : memref<1x16x1024xf32, #tpu.memory_space<vmem>> -> memref<16x1024xf32, #tpu.memory_space<vmem>>
    %dma_wait3A_1041 = arith.constant 0 : i32
    %dma_wait3A_1042 = tpu.memref_slice %arg4[%multiple_of3A_1035, %dma_wait3A_1041] : memref<16384x1024xf32, #tpu.memory_space<hbm>> -> memref<16x1024xf32, #tpu.memory_space<hbm>>
    %dma_wait3A_1043 = arith.constant 0 : i32
    %dma_wait3A_1044 = tpu.memref_slice %arg4[%multiple_of3A_1035, %dma_wait3A_1043] : memref<16384x1024xf32, #tpu.memory_space<hbm>> -> memref<16x1024xf32, #tpu.memory_space<hbm>>
    %dma_wait3A_1045 = arith.constant 0 : i32
    %dma_wait3A_1046 = arith.constant 0 : i32
    %dma_wait3A_1047 = tpu.memref_slice %arg6[%dma_wait3A_1036, %dma_wait3A_1045, %dma_wait3A_1046] : memref<7x16x1024xf32, #tpu.memory_space<vmem>> -> memref<1x16x1024xf32, #tpu.memory_space<vmem>>
    %dma_wait3A_1048 = tpu.memref_squeeze %dma_wait3A_1047 : memref<1x16x1024xf32, #tpu.memory_space<vmem>> -> memref<16x1024xf32, #tpu.memory_space<vmem>>
    tpu.wait_dma2 semaphore(%arg17 : memref<!tpu.dma_semaphore, #tpu.memory_space<semaphore_mem>>) src(%dma_wait3A_1048 : memref<16x1024xf32, #tpu.memory_space<vmem>>) dst(%dma_wait3A_1044 : memref<16x1024xf32, #tpu.memory_space<hbm>>)
    %dma_start3A_1049 = arith.constant 3 : i32
    %dma_start3A_1050 = arith.constant 0 : i32
    %dma_start3A_1051 = arith.constant 0 : i32
    %dma_start3A_1052 = tpu.memref_slice %arg6[%dma_start3A_1049, %dma_start3A_1050, %dma_start3A_1051] : memref<7x16x1024xf32, #tpu.memory_space<vmem>> -> memref<1x16x1024xf32, #tpu.memory_space<vmem>>
    %dma_start3A_1053 = tpu.memref_squeeze %dma_start3A_1052 : memref<1x16x1024xf32, #tpu.memory_space<vmem>> -> memref<16x1024xf32, #tpu.memory_space<vmem>>
    %dma_start3A_1054 = arith.constant 384 : i32
    %dma_start3A_1055 = tpu.memref_slice %arg5[%dma_start3A_1054] : memref<512xi32, #tpu.memory_space<vmem>> -> memref<16xi32, #tpu.memory_space<vmem>>
    %dma_start3A_1056 = arith.constant 0 : i32
    %dma_start3A_1057 = arith.constant 0 : i32
    %dma_start3A_1058 = tpu.memref_slice %arg2[%dma_start3A_1056, %dma_start3A_1057] : memref<65536x1024xf32, #tpu.memory_space<hbm>> -> memref<65536x1024xf32, #tpu.memory_space<hbm>>
    tpu.enqueue_indirect_dma source(%dma_start3A_1058 : memref<65536x1024xf32, #tpu.memory_space<hbm>>) target(%dma_start3A_1053 : memref<16x1024xf32, #tpu.memory_space<vmem>>) offsets(%dma_start3A_1055 : memref<16xi32, #tpu.memory_space<vmem>>) semaphore(%arg10 : memref<!tpu.dma_semaphore, #tpu.memory_space<semaphore_mem>>)
    %dma_wait3A_1059 = arith.constant 6 : i32
    %dma_wait3A_1060 = arith.constant 0 : i32
    %dma_wait3A_1061 = arith.constant 0 : i32
    %dma_wait3A_1062 = tpu.memref_slice %arg6[%dma_wait3A_1059, %dma_wait3A_1060, %dma_wait3A_1061] : memref<7x16x1024xf32, #tpu.memory_space<vmem>> -> memref<1x16x1024xf32, #tpu.memory_space<vmem>>
    %dma_wait3A_1063 = tpu.memref_squeeze %dma_wait3A_1062 : memref<1x16x1024xf32, #tpu.memory_space<vmem>> -> memref<16x1024xf32, #tpu.memory_space<vmem>>
    %dma_wait3A_1064 = arith.constant 320 : i32
    %dma_wait3A_1065 = tpu.memref_slice %arg5[%dma_wait3A_1064] : memref<512xi32, #tpu.memory_space<vmem>> -> memref<16xi32, #tpu.memory_space<vmem>>
    %dma_wait3A_1066 = arith.constant 0 : i32
    %dma_wait3A_1067 = arith.constant 0 : i32
    %dma_wait3A_1068 = tpu.memref_slice %arg2[%dma_wait3A_1066, %dma_wait3A_1067] : memref<65536x1024xf32, #tpu.memory_space<hbm>> -> memref<65536x1024xf32, #tpu.memory_space<hbm>>
    tpu.wait_indirect_dma semaphore(%arg13 : memref<!tpu.dma_semaphore, #tpu.memory_space<semaphore_mem>>) src(%dma_wait3A_1068 : memref<65536x1024xf32, #tpu.memory_space<hbm>>) dst(%dma_wait3A_1063 : memref<16x1024xf32, #tpu.memory_space<vmem>>)
    %add3A_1069 = arith.constant 320 : i32
    %add3A_1070 = arith.addi %multiple_of3A, %add3A_1069 : i32
    %multiple_of3A_1071 = tpu.assume_multiple %add3A_1070, 16 : i32
    %dma_start3A_1072 = arith.constant 6 : i32
    %dma_start3A_1073 = arith.constant 0 : i32
    %dma_start3A_1074 = arith.constant 0 : i32
    %dma_start3A_1075 = tpu.memref_slice %arg6[%dma_start3A_1072, %dma_start3A_1073, %dma_start3A_1074] : memref<7x16x1024xf32, #tpu.memory_space<vmem>> -> memref<1x16x1024xf32, #tpu.memory_space<vmem>>
    %dma_start3A_1076 = tpu.memref_squeeze %dma_start3A_1075 : memref<1x16x1024xf32, #tpu.memory_space<vmem>> -> memref<16x1024xf32, #tpu.memory_space<vmem>>
    %dma_start3A_1077 = arith.constant 0 : i32
    %dma_start3A_1078 = tpu.memref_slice %arg4[%multiple_of3A_1071, %dma_start3A_1077] : memref<16384x1024xf32, #tpu.memory_space<hbm>> -> memref<16x1024xf32, #tpu.memory_space<hbm>>
    %dma_start3A_1079 = arith.constant 0 : i32
    %dma_start3A_1080 = tpu.memref_slice %arg4[%multiple_of3A_1071, %dma_start3A_1079] : memref<16384x1024xf32, #tpu.memory_space<hbm>> -> memref<16x1024xf32, #tpu.memory_space<hbm>>
    %dma_start3A_1081 = arith.constant 0 : i32
    %dma_start3A_1082 = arith.constant 0 : i32
    %dma_start3A_1083 = tpu.memref_slice %arg6[%dma_start3A_1072, %dma_start3A_1081, %dma_start3A_1082] : memref<7x16x1024xf32, #tpu.memory_space<vmem>> -> memref<1x16x1024xf32, #tpu.memory_space<vmem>>
    %dma_start3A_1084 = tpu.memref_squeeze %dma_start3A_1083 : memref<1x16x1024xf32, #tpu.memory_space<vmem>> -> memref<16x1024xf32, #tpu.memory_space<vmem>>
    tpu.enqueue_dma source(%dma_start3A_1084 : memref<16x1024xf32, #tpu.memory_space<vmem>>) target(%dma_start3A_1080 : memref<16x1024xf32, #tpu.memory_space<hbm>>) target_semaphore(%arg20 : memref<!tpu.dma_semaphore, #tpu.memory_space<semaphore_mem>>)
    %add3A_1085 = arith.constant 288 : i32
    %add3A_1086 = arith.addi %multiple_of3A, %add3A_1085 : i32
    %multiple_of3A_1087 = tpu.assume_multiple %add3A_1086, 16 : i32
    %dma_wait3A_1088 = arith.constant 4 : i32
    %dma_wait3A_1089 = arith.constant 0 : i32
    %dma_wait3A_1090 = arith.constant 0 : i32
    %dma_wait3A_1091 = tpu.memref_slice %arg6[%dma_wait3A_1088, %dma_wait3A_1089, %dma_wait3A_1090] : memref<7x16x1024xf32, #tpu.memory_space<vmem>> -> memref<1x16x1024xf32, #tpu.memory_space<vmem>>
    %dma_wait3A_1092 = tpu.memref_squeeze %dma_wait3A_1091 : memref<1x16x1024xf32, #tpu.memory_space<vmem>> -> memref<16x1024xf32, #tpu.memory_space<vmem>>
    %dma_wait3A_1093 = arith.constant 0 : i32
    %dma_wait3A_1094 = tpu.memref_slice %arg4[%multiple_of3A_1087, %dma_wait3A_1093] : memref<16384x1024xf32, #tpu.memory_space<hbm>> -> memref<16x1024xf32, #tpu.memory_space<hbm>>
    %dma_wait3A_1095 = arith.constant 0 : i32
    %dma_wait3A_1096 = tpu.memref_slice %arg4[%multiple_of3A_1087, %dma_wait3A_1095] : memref<16384x1024xf32, #tpu.memory_space<hbm>> -> memref<16x1024xf32, #tpu.memory_space<hbm>>
    %dma_wait3A_1097 = arith.constant 0 : i32
    %dma_wait3A_1098 = arith.constant 0 : i32
    %dma_wait3A_1099 = tpu.memref_slice %arg6[%dma_wait3A_1088, %dma_wait3A_1097, %dma_wait3A_1098] : memref<7x16x1024xf32, #tpu.memory_space<vmem>> -> memref<1x16x1024xf32, #tpu.memory_space<vmem>>
    %dma_wait3A_1100 = tpu.memref_squeeze %dma_wait3A_1099 : memref<1x16x1024xf32, #tpu.memory_space<vmem>> -> memref<16x1024xf32, #tpu.memory_space<vmem>>
    tpu.wait_dma2 semaphore(%arg18 : memref<!tpu.dma_semaphore, #tpu.memory_space<semaphore_mem>>) src(%dma_wait3A_1100 : memref<16x1024xf32, #tpu.memory_space<vmem>>) dst(%dma_wait3A_1096 : memref<16x1024xf32, #tpu.memory_space<hbm>>)
    %dma_start3A_1101 = arith.constant 4 : i32
    %dma_start3A_1102 = arith.constant 0 : i32
    %dma_start3A_1103 = arith.constant 0 : i32
    %dma_start3A_1104 = tpu.memref_slice %arg6[%dma_start3A_1101, %dma_start3A_1102, %dma_start3A_1103] : memref<7x16x1024xf32, #tpu.memory_space<vmem>> -> memref<1x16x1024xf32, #tpu.memory_space<vmem>>
    %dma_start3A_1105 = tpu.memref_squeeze %dma_start3A_1104 : memref<1x16x1024xf32, #tpu.memory_space<vmem>> -> memref<16x1024xf32, #tpu.memory_space<vmem>>
    %dma_start3A_1106 = arith.constant 400 : i32
    %dma_start3A_1107 = tpu.memref_slice %arg5[%dma_start3A_1106] : memref<512xi32, #tpu.memory_space<vmem>> -> memref<16xi32, #tpu.memory_space<vmem>>
    %dma_start3A_1108 = arith.constant 0 : i32
    %dma_start3A_1109 = arith.constant 0 : i32
    %dma_start3A_1110 = tpu.memref_slice %arg2[%dma_start3A_1108, %dma_start3A_1109] : memref<65536x1024xf32, #tpu.memory_space<hbm>> -> memref<65536x1024xf32, #tpu.memory_space<hbm>>
    tpu.enqueue_indirect_dma source(%dma_start3A_1110 : memref<65536x1024xf32, #tpu.memory_space<hbm>>) target(%dma_start3A_1105 : memref<16x1024xf32, #tpu.memory_space<vmem>>) offsets(%dma_start3A_1107 : memref<16xi32, #tpu.memory_space<vmem>>) semaphore(%arg11 : memref<!tpu.dma_semaphore, #tpu.memory_space<semaphore_mem>>)
    %dma_wait3A_1111 = arith.constant 0 : i32
    %dma_wait3A_1112 = arith.constant 0 : i32
    %dma_wait3A_1113 = arith.constant 0 : i32
    %dma_wait3A_1114 = tpu.memref_slice %arg6[%dma_wait3A_1111, %dma_wait3A_1112, %dma_wait3A_1113] : memref<7x16x1024xf32, #tpu.memory_space<vmem>> -> memref<1x16x1024xf32, #tpu.memory_space<vmem>>
    %dma_wait3A_1115 = tpu.memref_squeeze %dma_wait3A_1114 : memref<1x16x1024xf32, #tpu.memory_space<vmem>> -> memref<16x1024xf32, #tpu.memory_space<vmem>>
    %dma_wait3A_1116 = arith.constant 336 : i32
    %dma_wait3A_1117 = tpu.memref_slice %arg5[%dma_wait3A_1116] : memref<512xi32, #tpu.memory_space<vmem>> -> memref<16xi32, #tpu.memory_space<vmem>>
    %dma_wait3A_1118 = arith.constant 0 : i32
    %dma_wait3A_1119 = arith.constant 0 : i32
    %dma_wait3A_1120 = tpu.memref_slice %arg2[%dma_wait3A_1118, %dma_wait3A_1119] : memref<65536x1024xf32, #tpu.memory_space<hbm>> -> memref<65536x1024xf32, #tpu.memory_space<hbm>>
    tpu.wait_indirect_dma semaphore(%arg7 : memref<!tpu.dma_semaphore, #tpu.memory_space<semaphore_mem>>) src(%dma_wait3A_1120 : memref<65536x1024xf32, #tpu.memory_space<hbm>>) dst(%dma_wait3A_1115 : memref<16x1024xf32, #tpu.memory_space<vmem>>)
    %add3A_1121 = arith.constant 336 : i32
    %add3A_1122 = arith.addi %multiple_of3A, %add3A_1121 : i32
    %multiple_of3A_1123 = tpu.assume_multiple %add3A_1122, 16 : i32
    %dma_start3A_1124 = arith.constant 0 : i32
    %dma_start3A_1125 = arith.constant 0 : i32
    %dma_start3A_1126 = arith.constant 0 : i32
    %dma_start3A_1127 = tpu.memref_slice %arg6[%dma_start3A_1124, %dma_start3A_1125, %dma_start3A_1126] : memref<7x16x1024xf32, #tpu.memory_space<vmem>> -> memref<1x16x1024xf32, #tpu.memory_space<vmem>>
    %dma_start3A_1128 = tpu.memref_squeeze %dma_start3A_1127 : memref<1x16x1024xf32, #tpu.memory_space<vmem>> -> memref<16x1024xf32, #tpu.memory_space<vmem>>
    %dma_start3A_1129 = arith.constant 0 : i32
    %dma_start3A_1130 = tpu.memref_slice %arg4[%multiple_of3A_1123, %dma_start3A_1129] : memref<16384x1024xf32, #tpu.memory_space<hbm>> -> memref<16x1024xf32, #tpu.memory_space<hbm>>
    %dma_start3A_1131 = arith.constant 0 : i32
    %dma_start3A_1132 = tpu.memref_slice %arg4[%multiple_of3A_1123, %dma_start3A_1131] : memref<16384x1024xf32, #tpu.memory_space<hbm>> -> memref<16x1024xf32, #tpu.memory_space<hbm>>
    %dma_start3A_1133 = arith.constant 0 : i32
    %dma_start3A_1134 = arith.constant 0 : i32
    %dma_start3A_1135 = tpu.memref_slice %arg6[%dma_start3A_1124, %dma_start3A_1133, %dma_start3A_1134] : memref<7x16x1024xf32, #tpu.memory_space<vmem>> -> memref<1x16x1024xf32, #tpu.memory_space<vmem>>
    %dma_start3A_1136 = tpu.memref_squeeze %dma_start3A_1135 : memref<1x16x1024xf32, #tpu.memory_space<vmem>> -> memref<16x1024xf32, #tpu.memory_space<vmem>>
    tpu.enqueue_dma source(%dma_start3A_1136 : memref<16x1024xf32, #tpu.memory_space<vmem>>) target(%dma_start3A_1132 : memref<16x1024xf32, #tpu.memory_space<hbm>>) target_semaphore(%arg14 : memref<!tpu.dma_semaphore, #tpu.memory_space<semaphore_mem>>)
    %add3A_1137 = arith.constant 304 : i32
    %add3A_1138 = arith.addi %multiple_of3A, %add3A_1137 : i32
    %multiple_of3A_1139 = tpu.assume_multiple %add3A_1138, 16 : i32
    %dma_wait3A_1140 = arith.constant 5 : i32
    %dma_wait3A_1141 = arith.constant 0 : i32
    %dma_wait3A_1142 = arith.constant 0 : i32
    %dma_wait3A_1143 = tpu.memref_slice %arg6[%dma_wait3A_1140, %dma_wait3A_1141, %dma_wait3A_1142] : memref<7x16x1024xf32, #tpu.memory_space<vmem>> -> memref<1x16x1024xf32, #tpu.memory_space<vmem>>
    %dma_wait3A_1144 = tpu.memref_squeeze %dma_wait3A_1143 : memref<1x16x1024xf32, #tpu.memory_space<vmem>> -> memref<16x1024xf32, #tpu.memory_space<vmem>>
    %dma_wait3A_1145 = arith.constant 0 : i32
    %dma_wait3A_1146 = tpu.memref_slice %arg4[%multiple_of3A_1139, %dma_wait3A_1145] : memref<16384x1024xf32, #tpu.memory_space<hbm>> -> memref<16x1024xf32, #tpu.memory_space<hbm>>
    %dma_wait3A_1147 = arith.constant 0 : i32
    %dma_wait3A_1148 = tpu.memref_slice %arg4[%multiple_of3A_1139, %dma_wait3A_1147] : memref<16384x1024xf32, #tpu.memory_space<hbm>> -> memref<16x1024xf32, #tpu.memory_space<hbm>>
    %dma_wait3A_1149 = arith.constant 0 : i32
    %dma_wait3A_1150 = arith.constant 0 : i32
    %dma_wait3A_1151 = tpu.memref_slice %arg6[%dma_wait3A_1140, %dma_wait3A_1149, %dma_wait3A_1150] : memref<7x16x1024xf32, #tpu.memory_space<vmem>> -> memref<1x16x1024xf32, #tpu.memory_space<vmem>>
    %dma_wait3A_1152 = tpu.memref_squeeze %dma_wait3A_1151 : memref<1x16x1024xf32, #tpu.memory_space<vmem>> -> memref<16x1024xf32, #tpu.memory_space<vmem>>
    tpu.wait_dma2 semaphore(%arg19 : memref<!tpu.dma_semaphore, #tpu.memory_space<semaphore_mem>>) src(%dma_wait3A_1152 : memref<16x1024xf32, #tpu.memory_space<vmem>>) dst(%dma_wait3A_1148 : memref<16x1024xf32, #tpu.memory_space<hbm>>)
    %dma_start3A_1153 = arith.constant 5 : i32
    %dma_start3A_1154 = arith.constant 0 : i32
    %dma_start3A_1155 = arith.constant 0 : i32
    %dma_start3A_1156 = tpu.memref_slice %arg6[%dma_start3A_1153, %dma_start3A_1154, %dma_start3A_1155] : memref<7x16x1024xf32, #tpu.memory_space<vmem>> -> memref<1x16x1024xf32, #tpu.memory_space<vmem>>
    %dma_start3A_1157 = tpu.memref_squeeze %dma_start3A_1156 : memref<1x16x1024xf32, #tpu.memory_space<vmem>> -> memref<16x1024xf32, #tpu.memory_space<vmem>>
    %dma_start3A_1158 = arith.constant 416 : i32
    %dma_start3A_1159 = tpu.memref_slice %arg5[%dma_start3A_1158] : memref<512xi32, #tpu.memory_space<vmem>> -> memref<16xi32, #tpu.memory_space<vmem>>
    %dma_start3A_1160 = arith.constant 0 : i32
    %dma_start3A_1161 = arith.constant 0 : i32
    %dma_start3A_1162 = tpu.memref_slice %arg2[%dma_start3A_1160, %dma_start3A_1161] : memref<65536x1024xf32, #tpu.memory_space<hbm>> -> memref<65536x1024xf32, #tpu.memory_space<hbm>>
    tpu.enqueue_indirect_dma source(%dma_start3A_1162 : memref<65536x1024xf32, #tpu.memory_space<hbm>>) target(%dma_start3A_1157 : memref<16x1024xf32, #tpu.memory_space<vmem>>) offsets(%dma_start3A_1159 : memref<16xi32, #tpu.memory_space<vmem>>) semaphore(%arg12 : memref<!tpu.dma_semaphore, #tpu.memory_space<semaphore_mem>>)
    %dma_wait3A_1163 = arith.constant 1 : i32
    %dma_wait3A_1164 = arith.constant 0 : i32
    %dma_wait3A_1165 = arith.constant 0 : i32
    %dma_wait3A_1166 = tpu.memref_slice %arg6[%dma_wait3A_1163, %dma_wait3A_1164, %dma_wait3A_1165] : memref<7x16x1024xf32, #tpu.memory_space<vmem>> -> memref<1x16x1024xf32, #tpu.memory_space<vmem>>
    %dma_wait3A_1167 = tpu.memref_squeeze %dma_wait3A_1166 : memref<1x16x1024xf32, #tpu.memory_space<vmem>> -> memref<16x1024xf32, #tpu.memory_space<vmem>>
    %dma_wait3A_1168 = arith.constant 352 : i32
    %dma_wait3A_1169 = tpu.memref_slice %arg5[%dma_wait3A_1168] : memref<512xi32, #tpu.memory_space<vmem>> -> memref<16xi32, #tpu.memory_space<vmem>>
    %dma_wait3A_1170 = arith.constant 0 : i32
    %dma_wait3A_1171 = arith.constant 0 : i32
    %dma_wait3A_1172 = tpu.memref_slice %arg2[%dma_wait3A_1170, %dma_wait3A_1171] : memref<65536x1024xf32, #tpu.memory_space<hbm>> -> memref<65536x1024xf32, #tpu.memory_space<hbm>>
    tpu.wait_indirect_dma semaphore(%arg8 : memref<!tpu.dma_semaphore, #tpu.memory_space<semaphore_mem>>) src(%dma_wait3A_1172 : memref<65536x1024xf32, #tpu.memory_space<hbm>>) dst(%dma_wait3A_1167 : memref<16x1024xf32, #tpu.memory_space<vmem>>)
    %add3A_1173 = arith.constant 352 : i32
    %add3A_1174 = arith.addi %multiple_of3A, %add3A_1173 : i32
    %multiple_of3A_1175 = tpu.assume_multiple %add3A_1174, 16 : i32
    %dma_start3A_1176 = arith.constant 1 : i32
    %dma_start3A_1177 = arith.constant 0 : i32
    %dma_start3A_1178 = arith.constant 0 : i32
    %dma_start3A_1179 = tpu.memref_slice %arg6[%dma_start3A_1176, %dma_start3A_1177, %dma_start3A_1178] : memref<7x16x1024xf32, #tpu.memory_space<vmem>> -> memref<1x16x1024xf32, #tpu.memory_space<vmem>>
    %dma_start3A_1180 = tpu.memref_squeeze %dma_start3A_1179 : memref<1x16x1024xf32, #tpu.memory_space<vmem>> -> memref<16x1024xf32, #tpu.memory_space<vmem>>
    %dma_start3A_1181 = arith.constant 0 : i32
    %dma_start3A_1182 = tpu.memref_slice %arg4[%multiple_of3A_1175, %dma_start3A_1181] : memref<16384x1024xf32, #tpu.memory_space<hbm>> -> memref<16x1024xf32, #tpu.memory_space<hbm>>
    %dma_start3A_1183 = arith.constant 0 : i32
    %dma_start3A_1184 = tpu.memref_slice %arg4[%multiple_of3A_1175, %dma_start3A_1183] : memref<16384x1024xf32, #tpu.memory_space<hbm>> -> memref<16x1024xf32, #tpu.memory_space<hbm>>
    %dma_start3A_1185 = arith.constant 0 : i32
    %dma_start3A_1186 = arith.constant 0 : i32
    %dma_start3A_1187 = tpu.memref_slice %arg6[%dma_start3A_1176, %dma_start3A_1185, %dma_start3A_1186] : memref<7x16x1024xf32, #tpu.memory_space<vmem>> -> memref<1x16x1024xf32, #tpu.memory_space<vmem>>
    %dma_start3A_1188 = tpu.memref_squeeze %dma_start3A_1187 : memref<1x16x1024xf32, #tpu.memory_space<vmem>> -> memref<16x1024xf32, #tpu.memory_space<vmem>>
    tpu.enqueue_dma source(%dma_start3A_1188 : memref<16x1024xf32, #tpu.memory_space<vmem>>) target(%dma_start3A_1184 : memref<16x1024xf32, #tpu.memory_space<hbm>>) target_semaphore(%arg15 : memref<!tpu.dma_semaphore, #tpu.memory_space<semaphore_mem>>)
    %add3A_1189 = arith.constant 320 : i32
    %add3A_1190 = arith.addi %multiple_of3A, %add3A_1189 : i32
    %multiple_of3A_1191 = tpu.assume_multiple %add3A_1190, 16 : i32
    %dma_wait3A_1192 = arith.constant 6 : i32
    %dma_wait3A_1193 = arith.constant 0 : i32
    %dma_wait3A_1194 = arith.constant 0 : i32
    %dma_wait3A_1195 = tpu.memref_slice %arg6[%dma_wait3A_1192, %dma_wait3A_1193, %dma_wait3A_1194] : memref<7x16x1024xf32, #tpu.memory_space<vmem>> -> memref<1x16x1024xf32, #tpu.memory_space<vmem>>
    %dma_wait3A_1196 = tpu.memref_squeeze %dma_wait3A_1195 : memref<1x16x1024xf32, #tpu.memory_space<vmem>> -> memref<16x1024xf32, #tpu.memory_space<vmem>>
    %dma_wait3A_1197 = arith.constant 0 : i32
    %dma_wait3A_1198 = tpu.memref_slice %arg4[%multiple_of3A_1191, %dma_wait3A_1197] : memref<16384x1024xf32, #tpu.memory_space<hbm>> -> memref<16x1024xf32, #tpu.memory_space<hbm>>
    %dma_wait3A_1199 = arith.constant 0 : i32
    %dma_wait3A_1200 = tpu.memref_slice %arg4[%multiple_of3A_1191, %dma_wait3A_1199] : memref<16384x1024xf32, #tpu.memory_space<hbm>> -> memref<16x1024xf32, #tpu.memory_space<hbm>>
    %dma_wait3A_1201 = arith.constant 0 : i32
    %dma_wait3A_1202 = arith.constant 0 : i32
    %dma_wait3A_1203 = tpu.memref_slice %arg6[%dma_wait3A_1192, %dma_wait3A_1201, %dma_wait3A_1202] : memref<7x16x1024xf32, #tpu.memory_space<vmem>> -> memref<1x16x1024xf32, #tpu.memory_space<vmem>>
    %dma_wait3A_1204 = tpu.memref_squeeze %dma_wait3A_1203 : memref<1x16x1024xf32, #tpu.memory_space<vmem>> -> memref<16x1024xf32, #tpu.memory_space<vmem>>
    tpu.wait_dma2 semaphore(%arg20 : memref<!tpu.dma_semaphore, #tpu.memory_space<semaphore_mem>>) src(%dma_wait3A_1204 : memref<16x1024xf32, #tpu.memory_space<vmem>>) dst(%dma_wait3A_1200 : memref<16x1024xf32, #tpu.memory_space<hbm>>)
    %dma_start3A_1205 = arith.constant 6 : i32
    %dma_start3A_1206 = arith.constant 0 : i32
    %dma_start3A_1207 = arith.constant 0 : i32
    %dma_start3A_1208 = tpu.memref_slice %arg6[%dma_start3A_1205, %dma_start3A_1206, %dma_start3A_1207] : memref<7x16x1024xf32, #tpu.memory_space<vmem>> -> memref<1x16x1024xf32, #tpu.memory_space<vmem>>
    %dma_start3A_1209 = tpu.memref_squeeze %dma_start3A_1208 : memref<1x16x1024xf32, #tpu.memory_space<vmem>> -> memref<16x1024xf32, #tpu.memory_space<vmem>>
    %dma_start3A_1210 = arith.constant 432 : i32
    %dma_start3A_1211 = tpu.memref_slice %arg5[%dma_start3A_1210] : memref<512xi32, #tpu.memory_space<vmem>> -> memref<16xi32, #tpu.memory_space<vmem>>
    %dma_start3A_1212 = arith.constant 0 : i32
    %dma_start3A_1213 = arith.constant 0 : i32
    %dma_start3A_1214 = tpu.memref_slice %arg2[%dma_start3A_1212, %dma_start3A_1213] : memref<65536x1024xf32, #tpu.memory_space<hbm>> -> memref<65536x1024xf32, #tpu.memory_space<hbm>>
    tpu.enqueue_indirect_dma source(%dma_start3A_1214 : memref<65536x1024xf32, #tpu.memory_space<hbm>>) target(%dma_start3A_1209 : memref<16x1024xf32, #tpu.memory_space<vmem>>) offsets(%dma_start3A_1211 : memref<16xi32, #tpu.memory_space<vmem>>) semaphore(%arg13 : memref<!tpu.dma_semaphore, #tpu.memory_space<semaphore_mem>>)
    %dma_wait3A_1215 = arith.constant 2 : i32
    %dma_wait3A_1216 = arith.constant 0 : i32
    %dma_wait3A_1217 = arith.constant 0 : i32
    %dma_wait3A_1218 = tpu.memref_slice %arg6[%dma_wait3A_1215, %dma_wait3A_1216, %dma_wait3A_1217] : memref<7x16x1024xf32, #tpu.memory_space<vmem>> -> memref<1x16x1024xf32, #tpu.memory_space<vmem>>
    %dma_wait3A_1219 = tpu.memref_squeeze %dma_wait3A_1218 : memref<1x16x1024xf32, #tpu.memory_space<vmem>> -> memref<16x1024xf32, #tpu.memory_space<vmem>>
    %dma_wait3A_1220 = arith.constant 368 : i32
    %dma_wait3A_1221 = tpu.memref_slice %arg5[%dma_wait3A_1220] : memref<512xi32, #tpu.memory_space<vmem>> -> memref<16xi32, #tpu.memory_space<vmem>>
    %dma_wait3A_1222 = arith.constant 0 : i32
    %dma_wait3A_1223 = arith.constant 0 : i32
    %dma_wait3A_1224 = tpu.memref_slice %arg2[%dma_wait3A_1222, %dma_wait3A_1223] : memref<65536x1024xf32, #tpu.memory_space<hbm>> -> memref<65536x1024xf32, #tpu.memory_space<hbm>>
    tpu.wait_indirect_dma semaphore(%arg9 : memref<!tpu.dma_semaphore, #tpu.memory_space<semaphore_mem>>) src(%dma_wait3A_1224 : memref<65536x1024xf32, #tpu.memory_space<hbm>>) dst(%dma_wait3A_1219 : memref<16x1024xf32, #tpu.memory_space<vmem>>)
    %add3A_1225 = arith.constant 368 : i32
    %add3A_1226 = arith.addi %multiple_of3A, %add3A_1225 : i32
    %multiple_of3A_1227 = tpu.assume_multiple %add3A_1226, 16 : i32
    %dma_start3A_1228 = arith.constant 2 : i32
    %dma_start3A_1229 = arith.constant 0 : i32
    %dma_start3A_1230 = arith.constant 0 : i32
    %dma_start3A_1231 = tpu.memref_slice %arg6[%dma_start3A_1228, %dma_start3A_1229, %dma_start3A_1230] : memref<7x16x1024xf32, #tpu.memory_space<vmem>> -> memref<1x16x1024xf32, #tpu.memory_space<vmem>>
    %dma_start3A_1232 = tpu.memref_squeeze %dma_start3A_1231 : memref<1x16x1024xf32, #tpu.memory_space<vmem>> -> memref<16x1024xf32, #tpu.memory_space<vmem>>
    %dma_start3A_1233 = arith.constant 0 : i32
    %dma_start3A_1234 = tpu.memref_slice %arg4[%multiple_of3A_1227, %dma_start3A_1233] : memref<16384x1024xf32, #tpu.memory_space<hbm>> -> memref<16x1024xf32, #tpu.memory_space<hbm>>
    %dma_start3A_1235 = arith.constant 0 : i32
    %dma_start3A_1236 = tpu.memref_slice %arg4[%multiple_of3A_1227, %dma_start3A_1235] : memref<16384x1024xf32, #tpu.memory_space<hbm>> -> memref<16x1024xf32, #tpu.memory_space<hbm>>
    %dma_start3A_1237 = arith.constant 0 : i32
    %dma_start3A_1238 = arith.constant 0 : i32
    %dma_start3A_1239 = tpu.memref_slice %arg6[%dma_start3A_1228, %dma_start3A_1237, %dma_start3A_1238] : memref<7x16x1024xf32, #tpu.memory_space<vmem>> -> memref<1x16x1024xf32, #tpu.memory_space<vmem>>
    %dma_start3A_1240 = tpu.memref_squeeze %dma_start3A_1239 : memref<1x16x1024xf32, #tpu.memory_space<vmem>> -> memref<16x1024xf32, #tpu.memory_space<vmem>>
    tpu.enqueue_dma source(%dma_start3A_1240 : memref<16x1024xf32, #tpu.memory_space<vmem>>) target(%dma_start3A_1236 : memref<16x1024xf32, #tpu.memory_space<hbm>>) target_semaphore(%arg16 : memref<!tpu.dma_semaphore, #tpu.memory_space<semaphore_mem>>)
    %add3A_1241 = arith.constant 336 : i32
    %add3A_1242 = arith.addi %multiple_of3A, %add3A_1241 : i32
    %multiple_of3A_1243 = tpu.assume_multiple %add3A_1242, 16 : i32
    %dma_wait3A_1244 = arith.constant 0 : i32
    %dma_wait3A_1245 = arith.constant 0 : i32
    %dma_wait3A_1246 = arith.constant 0 : i32
    %dma_wait3A_1247 = tpu.memref_slice %arg6[%dma_wait3A_1244, %dma_wait3A_1245, %dma_wait3A_1246] : memref<7x16x1024xf32, #tpu.memory_space<vmem>> -> memref<1x16x1024xf32, #tpu.memory_space<vmem>>
    %dma_wait3A_1248 = tpu.memref_squeeze %dma_wait3A_1247 : memref<1x16x1024xf32, #tpu.memory_space<vmem>> -> memref<16x1024xf32, #tpu.memory_space<vmem>>
    %dma_wait3A_1249 = arith.constant 0 : i32
    %dma_wait3A_1250 = tpu.memref_slice %arg4[%multiple_of3A_1243, %dma_wait3A_1249] : memref<16384x1024xf32, #tpu.memory_space<hbm>> -> memref<16x1024xf32, #tpu.memory_space<hbm>>
    %dma_wait3A_1251 = arith.constant 0 : i32
    %dma_wait3A_1252 = tpu.memref_slice %arg4[%multiple_of3A_1243, %dma_wait3A_1251] : memref<16384x1024xf32, #tpu.memory_space<hbm>> -> memref<16x1024xf32, #tpu.memory_space<hbm>>
    %dma_wait3A_1253 = arith.constant 0 : i32
    %dma_wait3A_1254 = arith.constant 0 : i32
    %dma_wait3A_1255 = tpu.memref_slice %arg6[%dma_wait3A_1244, %dma_wait3A_1253, %dma_wait3A_1254] : memref<7x16x1024xf32, #tpu.memory_space<vmem>> -> memref<1x16x1024xf32, #tpu.memory_space<vmem>>
    %dma_wait3A_1256 = tpu.memref_squeeze %dma_wait3A_1255 : memref<1x16x1024xf32, #tpu.memory_space<vmem>> -> memref<16x1024xf32, #tpu.memory_space<vmem>>
    tpu.wait_dma2 semaphore(%arg14 : memref<!tpu.dma_semaphore, #tpu.memory_space<semaphore_mem>>) src(%dma_wait3A_1256 : memref<16x1024xf32, #tpu.memory_space<vmem>>) dst(%dma_wait3A_1252 : memref<16x1024xf32, #tpu.memory_space<hbm>>)
    %dma_start3A_1257 = arith.constant 0 : i32
    %dma_start3A_1258 = arith.constant 0 : i32
    %dma_start3A_1259 = arith.constant 0 : i32
    %dma_start3A_1260 = tpu.memref_slice %arg6[%dma_start3A_1257, %dma_start3A_1258, %dma_start3A_1259] : memref<7x16x1024xf32, #tpu.memory_space<vmem>> -> memref<1x16x1024xf32, #tpu.memory_space<vmem>>
    %dma_start3A_1261 = tpu.memref_squeeze %dma_start3A_1260 : memref<1x16x1024xf32, #tpu.memory_space<vmem>> -> memref<16x1024xf32, #tpu.memory_space<vmem>>
    %dma_start3A_1262 = arith.constant 448 : i32
    %dma_start3A_1263 = tpu.memref_slice %arg5[%dma_start3A_1262] : memref<512xi32, #tpu.memory_space<vmem>> -> memref<16xi32, #tpu.memory_space<vmem>>
    %dma_start3A_1264 = arith.constant 0 : i32
    %dma_start3A_1265 = arith.constant 0 : i32
    %dma_start3A_1266 = tpu.memref_slice %arg2[%dma_start3A_1264, %dma_start3A_1265] : memref<65536x1024xf32, #tpu.memory_space<hbm>> -> memref<65536x1024xf32, #tpu.memory_space<hbm>>
    tpu.enqueue_indirect_dma source(%dma_start3A_1266 : memref<65536x1024xf32, #tpu.memory_space<hbm>>) target(%dma_start3A_1261 : memref<16x1024xf32, #tpu.memory_space<vmem>>) offsets(%dma_start3A_1263 : memref<16xi32, #tpu.memory_space<vmem>>) semaphore(%arg7 : memref<!tpu.dma_semaphore, #tpu.memory_space<semaphore_mem>>)
    %dma_wait3A_1267 = arith.constant 3 : i32
    %dma_wait3A_1268 = arith.constant 0 : i32
    %dma_wait3A_1269 = arith.constant 0 : i32
    %dma_wait3A_1270 = tpu.memref_slice %arg6[%dma_wait3A_1267, %dma_wait3A_1268, %dma_wait3A_1269] : memref<7x16x1024xf32, #tpu.memory_space<vmem>> -> memref<1x16x1024xf32, #tpu.memory_space<vmem>>
    %dma_wait3A_1271 = tpu.memref_squeeze %dma_wait3A_1270 : memref<1x16x1024xf32, #tpu.memory_space<vmem>> -> memref<16x1024xf32, #tpu.memory_space<vmem>>
    %dma_wait3A_1272 = arith.constant 384 : i32
    %dma_wait3A_1273 = tpu.memref_slice %arg5[%dma_wait3A_1272] : memref<512xi32, #tpu.memory_space<vmem>> -> memref<16xi32, #tpu.memory_space<vmem>>
    %dma_wait3A_1274 = arith.constant 0 : i32
    %dma_wait3A_1275 = arith.constant 0 : i32
    %dma_wait3A_1276 = tpu.memref_slice %arg2[%dma_wait3A_1274, %dma_wait3A_1275] : memref<65536x1024xf32, #tpu.memory_space<hbm>> -> memref<65536x1024xf32, #tpu.memory_space<hbm>>
    tpu.wait_indirect_dma semaphore(%arg10 : memref<!tpu.dma_semaphore, #tpu.memory_space<semaphore_mem>>) src(%dma_wait3A_1276 : memref<65536x1024xf32, #tpu.memory_space<hbm>>) dst(%dma_wait3A_1271 : memref<16x1024xf32, #tpu.memory_space<vmem>>)
    %add3A_1277 = arith.constant 384 : i32
    %add3A_1278 = arith.addi %multiple_of3A, %add3A_1277 : i32
    %multiple_of3A_1279 = tpu.assume_multiple %add3A_1278, 16 : i32
    %dma_start3A_1280 = arith.constant 3 : i32
    %dma_start3A_1281 = arith.constant 0 : i32
    %dma_start3A_1282 = arith.constant 0 : i32
    %dma_start3A_1283 = tpu.memref_slice %arg6[%dma_start3A_1280, %dma_start3A_1281, %dma_start3A_1282] : memref<7x16x1024xf32, #tpu.memory_space<vmem>> -> memref<1x16x1024xf32, #tpu.memory_space<vmem>>
    %dma_start3A_1284 = tpu.memref_squeeze %dma_start3A_1283 : memref<1x16x1024xf32, #tpu.memory_space<vmem>> -> memref<16x1024xf32, #tpu.memory_space<vmem>>
    %dma_start3A_1285 = arith.constant 0 : i32
    %dma_start3A_1286 = tpu.memref_slice %arg4[%multiple_of3A_1279, %dma_start3A_1285] : memref<16384x1024xf32, #tpu.memory_space<hbm>> -> memref<16x1024xf32, #tpu.memory_space<hbm>>
    %dma_start3A_1287 = arith.constant 0 : i32
    %dma_start3A_1288 = tpu.memref_slice %arg4[%multiple_of3A_1279, %dma_start3A_1287] : memref<16384x1024xf32, #tpu.memory_space<hbm>> -> memref<16x1024xf32, #tpu.memory_space<hbm>>
    %dma_start3A_1289 = arith.constant 0 : i32
    %dma_start3A_1290 = arith.constant 0 : i32
    %dma_start3A_1291 = tpu.memref_slice %arg6[%dma_start3A_1280, %dma_start3A_1289, %dma_start3A_1290] : memref<7x16x1024xf32, #tpu.memory_space<vmem>> -> memref<1x16x1024xf32, #tpu.memory_space<vmem>>
    %dma_start3A_1292 = tpu.memref_squeeze %dma_start3A_1291 : memref<1x16x1024xf32, #tpu.memory_space<vmem>> -> memref<16x1024xf32, #tpu.memory_space<vmem>>
    tpu.enqueue_dma source(%dma_start3A_1292 : memref<16x1024xf32, #tpu.memory_space<vmem>>) target(%dma_start3A_1288 : memref<16x1024xf32, #tpu.memory_space<hbm>>) target_semaphore(%arg17 : memref<!tpu.dma_semaphore, #tpu.memory_space<semaphore_mem>>)
    %add3A_1293 = arith.constant 352 : i32
    %add3A_1294 = arith.addi %multiple_of3A, %add3A_1293 : i32
    %multiple_of3A_1295 = tpu.assume_multiple %add3A_1294, 16 : i32
    %dma_wait3A_1296 = arith.constant 1 : i32
    %dma_wait3A_1297 = arith.constant 0 : i32
    %dma_wait3A_1298 = arith.constant 0 : i32
    %dma_wait3A_1299 = tpu.memref_slice %arg6[%dma_wait3A_1296, %dma_wait3A_1297, %dma_wait3A_1298] : memref<7x16x1024xf32, #tpu.memory_space<vmem>> -> memref<1x16x1024xf32, #tpu.memory_space<vmem>>
    %dma_wait3A_1300 = tpu.memref_squeeze %dma_wait3A_1299 : memref<1x16x1024xf32, #tpu.memory_space<vmem>> -> memref<16x1024xf32, #tpu.memory_space<vmem>>
    %dma_wait3A_1301 = arith.constant 0 : i32
    %dma_wait3A_1302 = tpu.memref_slice %arg4[%multiple_of3A_1295, %dma_wait3A_1301] : memref<16384x1024xf32, #tpu.memory_space<hbm>> -> memref<16x1024xf32, #tpu.memory_space<hbm>>
    %dma_wait3A_1303 = arith.constant 0 : i32
    %dma_wait3A_1304 = tpu.memref_slice %arg4[%multiple_of3A_1295, %dma_wait3A_1303] : memref<16384x1024xf32, #tpu.memory_space<hbm>> -> memref<16x1024xf32, #tpu.memory_space<hbm>>
    %dma_wait3A_1305 = arith.constant 0 : i32
    %dma_wait3A_1306 = arith.constant 0 : i32
    %dma_wait3A_1307 = tpu.memref_slice %arg6[%dma_wait3A_1296, %dma_wait3A_1305, %dma_wait3A_1306] : memref<7x16x1024xf32, #tpu.memory_space<vmem>> -> memref<1x16x1024xf32, #tpu.memory_space<vmem>>
    %dma_wait3A_1308 = tpu.memref_squeeze %dma_wait3A_1307 : memref<1x16x1024xf32, #tpu.memory_space<vmem>> -> memref<16x1024xf32, #tpu.memory_space<vmem>>
    tpu.wait_dma2 semaphore(%arg15 : memref<!tpu.dma_semaphore, #tpu.memory_space<semaphore_mem>>) src(%dma_wait3A_1308 : memref<16x1024xf32, #tpu.memory_space<vmem>>) dst(%dma_wait3A_1304 : memref<16x1024xf32, #tpu.memory_space<hbm>>)
    %dma_start3A_1309 = arith.constant 1 : i32
    %dma_start3A_1310 = arith.constant 0 : i32
    %dma_start3A_1311 = arith.constant 0 : i32
    %dma_start3A_1312 = tpu.memref_slice %arg6[%dma_start3A_1309, %dma_start3A_1310, %dma_start3A_1311] : memref<7x16x1024xf32, #tpu.memory_space<vmem>> -> memref<1x16x1024xf32, #tpu.memory_space<vmem>>
    %dma_start3A_1313 = tpu.memref_squeeze %dma_start3A_1312 : memref<1x16x1024xf32, #tpu.memory_space<vmem>> -> memref<16x1024xf32, #tpu.memory_space<vmem>>
    %dma_start3A_1314 = arith.constant 464 : i32
    %dma_start3A_1315 = tpu.memref_slice %arg5[%dma_start3A_1314] : memref<512xi32, #tpu.memory_space<vmem>> -> memref<16xi32, #tpu.memory_space<vmem>>
    %dma_start3A_1316 = arith.constant 0 : i32
    %dma_start3A_1317 = arith.constant 0 : i32
    %dma_start3A_1318 = tpu.memref_slice %arg2[%dma_start3A_1316, %dma_start3A_1317] : memref<65536x1024xf32, #tpu.memory_space<hbm>> -> memref<65536x1024xf32, #tpu.memory_space<hbm>>
    tpu.enqueue_indirect_dma source(%dma_start3A_1318 : memref<65536x1024xf32, #tpu.memory_space<hbm>>) target(%dma_start3A_1313 : memref<16x1024xf32, #tpu.memory_space<vmem>>) offsets(%dma_start3A_1315 : memref<16xi32, #tpu.memory_space<vmem>>) semaphore(%arg8 : memref<!tpu.dma_semaphore, #tpu.memory_space<semaphore_mem>>)
    %dma_wait3A_1319 = arith.constant 4 : i32
    %dma_wait3A_1320 = arith.constant 0 : i32
    %dma_wait3A_1321 = arith.constant 0 : i32
    %dma_wait3A_1322 = tpu.memref_slice %arg6[%dma_wait3A_1319, %dma_wait3A_1320, %dma_wait3A_1321] : memref<7x16x1024xf32, #tpu.memory_space<vmem>> -> memref<1x16x1024xf32, #tpu.memory_space<vmem>>
    %dma_wait3A_1323 = tpu.memref_squeeze %dma_wait3A_1322 : memref<1x16x1024xf32, #tpu.memory_space<vmem>> -> memref<16x1024xf32, #tpu.memory_space<vmem>>
    %dma_wait3A_1324 = arith.constant 400 : i32
    %dma_wait3A_1325 = tpu.memref_slice %arg5[%dma_wait3A_1324] : memref<512xi32, #tpu.memory_space<vmem>> -> memref<16xi32, #tpu.memory_space<vmem>>
    %dma_wait3A_1326 = arith.constant 0 : i32
    %dma_wait3A_1327 = arith.constant 0 : i32
    %dma_wait3A_1328 = tpu.memref_slice %arg2[%dma_wait3A_1326, %dma_wait3A_1327] : memref<65536x1024xf32, #tpu.memory_space<hbm>> -> memref<65536x1024xf32, #tpu.memory_space<hbm>>
    tpu.wait_indirect_dma semaphore(%arg11 : memref<!tpu.dma_semaphore, #tpu.memory_space<semaphore_mem>>) src(%dma_wait3A_1328 : memref<65536x1024xf32, #tpu.memory_space<hbm>>) dst(%dma_wait3A_1323 : memref<16x1024xf32, #tpu.memory_space<vmem>>)
    %add3A_1329 = arith.constant 400 : i32
    %add3A_1330 = arith.addi %multiple_of3A, %add3A_1329 : i32
    %multiple_of3A_1331 = tpu.assume_multiple %add3A_1330, 16 : i32
    %dma_start3A_1332 = arith.constant 4 : i32
    %dma_start3A_1333 = arith.constant 0 : i32
    %dma_start3A_1334 = arith.constant 0 : i32
    %dma_start3A_1335 = tpu.memref_slice %arg6[%dma_start3A_1332, %dma_start3A_1333, %dma_start3A_1334] : memref<7x16x1024xf32, #tpu.memory_space<vmem>> -> memref<1x16x1024xf32, #tpu.memory_space<vmem>>
    %dma_start3A_1336 = tpu.memref_squeeze %dma_start3A_1335 : memref<1x16x1024xf32, #tpu.memory_space<vmem>> -> memref<16x1024xf32, #tpu.memory_space<vmem>>
    %dma_start3A_1337 = arith.constant 0 : i32
    %dma_start3A_1338 = tpu.memref_slice %arg4[%multiple_of3A_1331, %dma_start3A_1337] : memref<16384x1024xf32, #tpu.memory_space<hbm>> -> memref<16x1024xf32, #tpu.memory_space<hbm>>
    %dma_start3A_1339 = arith.constant 0 : i32
    %dma_start3A_1340 = tpu.memref_slice %arg4[%multiple_of3A_1331, %dma_start3A_1339] : memref<16384x1024xf32, #tpu.memory_space<hbm>> -> memref<16x1024xf32, #tpu.memory_space<hbm>>
    %dma_start3A_1341 = arith.constant 0 : i32
    %dma_start3A_1342 = arith.constant 0 : i32
    %dma_start3A_1343 = tpu.memref_slice %arg6[%dma_start3A_1332, %dma_start3A_1341, %dma_start3A_1342] : memref<7x16x1024xf32, #tpu.memory_space<vmem>> -> memref<1x16x1024xf32, #tpu.memory_space<vmem>>
    %dma_start3A_1344 = tpu.memref_squeeze %dma_start3A_1343 : memref<1x16x1024xf32, #tpu.memory_space<vmem>> -> memref<16x1024xf32, #tpu.memory_space<vmem>>
    tpu.enqueue_dma source(%dma_start3A_1344 : memref<16x1024xf32, #tpu.memory_space<vmem>>) target(%dma_start3A_1340 : memref<16x1024xf32, #tpu.memory_space<hbm>>) target_semaphore(%arg18 : memref<!tpu.dma_semaphore, #tpu.memory_space<semaphore_mem>>)
    %add3A_1345 = arith.constant 368 : i32
    %add3A_1346 = arith.addi %multiple_of3A, %add3A_1345 : i32
    %multiple_of3A_1347 = tpu.assume_multiple %add3A_1346, 16 : i32
    %dma_wait3A_1348 = arith.constant 2 : i32
    %dma_wait3A_1349 = arith.constant 0 : i32
    %dma_wait3A_1350 = arith.constant 0 : i32
    %dma_wait3A_1351 = tpu.memref_slice %arg6[%dma_wait3A_1348, %dma_wait3A_1349, %dma_wait3A_1350] : memref<7x16x1024xf32, #tpu.memory_space<vmem>> -> memref<1x16x1024xf32, #tpu.memory_space<vmem>>
    %dma_wait3A_1352 = tpu.memref_squeeze %dma_wait3A_1351 : memref<1x16x1024xf32, #tpu.memory_space<vmem>> -> memref<16x1024xf32, #tpu.memory_space<vmem>>
    %dma_wait3A_1353 = arith.constant 0 : i32
    %dma_wait3A_1354 = tpu.memref_slice %arg4[%multiple_of3A_1347, %dma_wait3A_1353] : memref<16384x1024xf32, #tpu.memory_space<hbm>> -> memref<16x1024xf32, #tpu.memory_space<hbm>>
    %dma_wait3A_1355 = arith.constant 0 : i32
    %dma_wait3A_1356 = tpu.memref_slice %arg4[%multiple_of3A_1347, %dma_wait3A_1355] : memref<16384x1024xf32, #tpu.memory_space<hbm>> -> memref<16x1024xf32, #tpu.memory_space<hbm>>
    %dma_wait3A_1357 = arith.constant 0 : i32
    %dma_wait3A_1358 = arith.constant 0 : i32
    %dma_wait3A_1359 = tpu.memref_slice %arg6[%dma_wait3A_1348, %dma_wait3A_1357, %dma_wait3A_1358] : memref<7x16x1024xf32, #tpu.memory_space<vmem>> -> memref<1x16x1024xf32, #tpu.memory_space<vmem>>
    %dma_wait3A_1360 = tpu.memref_squeeze %dma_wait3A_1359 : memref<1x16x1024xf32, #tpu.memory_space<vmem>> -> memref<16x1024xf32, #tpu.memory_space<vmem>>
    tpu.wait_dma2 semaphore(%arg16 : memref<!tpu.dma_semaphore, #tpu.memory_space<semaphore_mem>>) src(%dma_wait3A_1360 : memref<16x1024xf32, #tpu.memory_space<vmem>>) dst(%dma_wait3A_1356 : memref<16x1024xf32, #tpu.memory_space<hbm>>)
    %dma_start3A_1361 = arith.constant 2 : i32
    %dma_start3A_1362 = arith.constant 0 : i32
    %dma_start3A_1363 = arith.constant 0 : i32
    %dma_start3A_1364 = tpu.memref_slice %arg6[%dma_start3A_1361, %dma_start3A_1362, %dma_start3A_1363] : memref<7x16x1024xf32, #tpu.memory_space<vmem>> -> memref<1x16x1024xf32, #tpu.memory_space<vmem>>
    %dma_start3A_1365 = tpu.memref_squeeze %dma_start3A_1364 : memref<1x16x1024xf32, #tpu.memory_space<vmem>> -> memref<16x1024xf32, #tpu.memory_space<vmem>>
    %dma_start3A_1366 = arith.constant 480 : i32
    %dma_start3A_1367 = tpu.memref_slice %arg5[%dma_start3A_1366] : memref<512xi32, #tpu.memory_space<vmem>> -> memref<16xi32, #tpu.memory_space<vmem>>
    %dma_start3A_1368 = arith.constant 0 : i32
    %dma_start3A_1369 = arith.constant 0 : i32
    %dma_start3A_1370 = tpu.memref_slice %arg2[%dma_start3A_1368, %dma_start3A_1369] : memref<65536x1024xf32, #tpu.memory_space<hbm>> -> memref<65536x1024xf32, #tpu.memory_space<hbm>>
    tpu.enqueue_indirect_dma source(%dma_start3A_1370 : memref<65536x1024xf32, #tpu.memory_space<hbm>>) target(%dma_start3A_1365 : memref<16x1024xf32, #tpu.memory_space<vmem>>) offsets(%dma_start3A_1367 : memref<16xi32, #tpu.memory_space<vmem>>) semaphore(%arg9 : memref<!tpu.dma_semaphore, #tpu.memory_space<semaphore_mem>>)
    %dma_wait3A_1371 = arith.constant 5 : i32
    %dma_wait3A_1372 = arith.constant 0 : i32
    %dma_wait3A_1373 = arith.constant 0 : i32
    %dma_wait3A_1374 = tpu.memref_slice %arg6[%dma_wait3A_1371, %dma_wait3A_1372, %dma_wait3A_1373] : memref<7x16x1024xf32, #tpu.memory_space<vmem>> -> memref<1x16x1024xf32, #tpu.memory_space<vmem>>
    %dma_wait3A_1375 = tpu.memref_squeeze %dma_wait3A_1374 : memref<1x16x1024xf32, #tpu.memory_space<vmem>> -> memref<16x1024xf32, #tpu.memory_space<vmem>>
    %dma_wait3A_1376 = arith.constant 416 : i32
    %dma_wait3A_1377 = tpu.memref_slice %arg5[%dma_wait3A_1376] : memref<512xi32, #tpu.memory_space<vmem>> -> memref<16xi32, #tpu.memory_space<vmem>>
    %dma_wait3A_1378 = arith.constant 0 : i32
    %dma_wait3A_1379 = arith.constant 0 : i32
    %dma_wait3A_1380 = tpu.memref_slice %arg2[%dma_wait3A_1378, %dma_wait3A_1379] : memref<65536x1024xf32, #tpu.memory_space<hbm>> -> memref<65536x1024xf32, #tpu.memory_space<hbm>>
    tpu.wait_indirect_dma semaphore(%arg12 : memref<!tpu.dma_semaphore, #tpu.memory_space<semaphore_mem>>) src(%dma_wait3A_1380 : memref<65536x1024xf32, #tpu.memory_space<hbm>>) dst(%dma_wait3A_1375 : memref<16x1024xf32, #tpu.memory_space<vmem>>)
    %add3A_1381 = arith.constant 416 : i32
    %add3A_1382 = arith.addi %multiple_of3A, %add3A_1381 : i32
    %multiple_of3A_1383 = tpu.assume_multiple %add3A_1382, 16 : i32
    %dma_start3A_1384 = arith.constant 5 : i32
    %dma_start3A_1385 = arith.constant 0 : i32
    %dma_start3A_1386 = arith.constant 0 : i32
    %dma_start3A_1387 = tpu.memref_slice %arg6[%dma_start3A_1384, %dma_start3A_1385, %dma_start3A_1386] : memref<7x16x1024xf32, #tpu.memory_space<vmem>> -> memref<1x16x1024xf32, #tpu.memory_space<vmem>>
    %dma_start3A_1388 = tpu.memref_squeeze %dma_start3A_1387 : memref<1x16x1024xf32, #tpu.memory_space<vmem>> -> memref<16x1024xf32, #tpu.memory_space<vmem>>
    %dma_start3A_1389 = arith.constant 0 : i32
    %dma_start3A_1390 = tpu.memref_slice %arg4[%multiple_of3A_1383, %dma_start3A_1389] : memref<16384x1024xf32, #tpu.memory_space<hbm>> -> memref<16x1024xf32, #tpu.memory_space<hbm>>
    %dma_start3A_1391 = arith.constant 0 : i32
    %dma_start3A_1392 = tpu.memref_slice %arg4[%multiple_of3A_1383, %dma_start3A_1391] : memref<16384x1024xf32, #tpu.memory_space<hbm>> -> memref<16x1024xf32, #tpu.memory_space<hbm>>
    %dma_start3A_1393 = arith.constant 0 : i32
    %dma_start3A_1394 = arith.constant 0 : i32
    %dma_start3A_1395 = tpu.memref_slice %arg6[%dma_start3A_1384, %dma_start3A_1393, %dma_start3A_1394] : memref<7x16x1024xf32, #tpu.memory_space<vmem>> -> memref<1x16x1024xf32, #tpu.memory_space<vmem>>
    %dma_start3A_1396 = tpu.memref_squeeze %dma_start3A_1395 : memref<1x16x1024xf32, #tpu.memory_space<vmem>> -> memref<16x1024xf32, #tpu.memory_space<vmem>>
    tpu.enqueue_dma source(%dma_start3A_1396 : memref<16x1024xf32, #tpu.memory_space<vmem>>) target(%dma_start3A_1392 : memref<16x1024xf32, #tpu.memory_space<hbm>>) target_semaphore(%arg19 : memref<!tpu.dma_semaphore, #tpu.memory_space<semaphore_mem>>)
    %add3A_1397 = arith.constant 384 : i32
    %add3A_1398 = arith.addi %multiple_of3A, %add3A_1397 : i32
    %multiple_of3A_1399 = tpu.assume_multiple %add3A_1398, 16 : i32
    %dma_wait3A_1400 = arith.constant 3 : i32
    %dma_wait3A_1401 = arith.constant 0 : i32
    %dma_wait3A_1402 = arith.constant 0 : i32
    %dma_wait3A_1403 = tpu.memref_slice %arg6[%dma_wait3A_1400, %dma_wait3A_1401, %dma_wait3A_1402] : memref<7x16x1024xf32, #tpu.memory_space<vmem>> -> memref<1x16x1024xf32, #tpu.memory_space<vmem>>
    %dma_wait3A_1404 = tpu.memref_squeeze %dma_wait3A_1403 : memref<1x16x1024xf32, #tpu.memory_space<vmem>> -> memref<16x1024xf32, #tpu.memory_space<vmem>>
    %dma_wait3A_1405 = arith.constant 0 : i32
    %dma_wait3A_1406 = tpu.memref_slice %arg4[%multiple_of3A_1399, %dma_wait3A_1405] : memref<16384x1024xf32, #tpu.memory_space<hbm>> -> memref<16x1024xf32, #tpu.memory_space<hbm>>
    %dma_wait3A_1407 = arith.constant 0 : i32
    %dma_wait3A_1408 = tpu.memref_slice %arg4[%multiple_of3A_1399, %dma_wait3A_1407] : memref<16384x1024xf32, #tpu.memory_space<hbm>> -> memref<16x1024xf32, #tpu.memory_space<hbm>>
    %dma_wait3A_1409 = arith.constant 0 : i32
    %dma_wait3A_1410 = arith.constant 0 : i32
    %dma_wait3A_1411 = tpu.memref_slice %arg6[%dma_wait3A_1400, %dma_wait3A_1409, %dma_wait3A_1410] : memref<7x16x1024xf32, #tpu.memory_space<vmem>> -> memref<1x16x1024xf32, #tpu.memory_space<vmem>>
    %dma_wait3A_1412 = tpu.memref_squeeze %dma_wait3A_1411 : memref<1x16x1024xf32, #tpu.memory_space<vmem>> -> memref<16x1024xf32, #tpu.memory_space<vmem>>
    tpu.wait_dma2 semaphore(%arg17 : memref<!tpu.dma_semaphore, #tpu.memory_space<semaphore_mem>>) src(%dma_wait3A_1412 : memref<16x1024xf32, #tpu.memory_space<vmem>>) dst(%dma_wait3A_1408 : memref<16x1024xf32, #tpu.memory_space<hbm>>)
    %dma_start3A_1413 = arith.constant 3 : i32
    %dma_start3A_1414 = arith.constant 0 : i32
    %dma_start3A_1415 = arith.constant 0 : i32
    %dma_start3A_1416 = tpu.memref_slice %arg6[%dma_start3A_1413, %dma_start3A_1414, %dma_start3A_1415] : memref<7x16x1024xf32, #tpu.memory_space<vmem>> -> memref<1x16x1024xf32, #tpu.memory_space<vmem>>
    %dma_start3A_1417 = tpu.memref_squeeze %dma_start3A_1416 : memref<1x16x1024xf32, #tpu.memory_space<vmem>> -> memref<16x1024xf32, #tpu.memory_space<vmem>>
    %dma_start3A_1418 = arith.constant 496 : i32
    %dma_start3A_1419 = tpu.memref_slice %arg5[%dma_start3A_1418] : memref<512xi32, #tpu.memory_space<vmem>> -> memref<16xi32, #tpu.memory_space<vmem>>
    %dma_start3A_1420 = arith.constant 0 : i32
    %dma_start3A_1421 = arith.constant 0 : i32
    %dma_start3A_1422 = tpu.memref_slice %arg2[%dma_start3A_1420, %dma_start3A_1421] : memref<65536x1024xf32, #tpu.memory_space<hbm>> -> memref<65536x1024xf32, #tpu.memory_space<hbm>>
    tpu.enqueue_indirect_dma source(%dma_start3A_1422 : memref<65536x1024xf32, #tpu.memory_space<hbm>>) target(%dma_start3A_1417 : memref<16x1024xf32, #tpu.memory_space<vmem>>) offsets(%dma_start3A_1419 : memref<16xi32, #tpu.memory_space<vmem>>) semaphore(%arg10 : memref<!tpu.dma_semaphore, #tpu.memory_space<semaphore_mem>>)
    %dma_wait3A_1423 = arith.constant 6 : i32
    %dma_wait3A_1424 = arith.constant 0 : i32
    %dma_wait3A_1425 = arith.constant 0 : i32
    %dma_wait3A_1426 = tpu.memref_slice %arg6[%dma_wait3A_1423, %dma_wait3A_1424, %dma_wait3A_1425] : memref<7x16x1024xf32, #tpu.memory_space<vmem>> -> memref<1x16x1024xf32, #tpu.memory_space<vmem>>
    %dma_wait3A_1427 = tpu.memref_squeeze %dma_wait3A_1426 : memref<1x16x1024xf32, #tpu.memory_space<vmem>> -> memref<16x1024xf32, #tpu.memory_space<vmem>>
    %dma_wait3A_1428 = arith.constant 432 : i32
    %dma_wait3A_1429 = tpu.memref_slice %arg5[%dma_wait3A_1428] : memref<512xi32, #tpu.memory_space<vmem>> -> memref<16xi32, #tpu.memory_space<vmem>>
    %dma_wait3A_1430 = arith.constant 0 : i32
    %dma_wait3A_1431 = arith.constant 0 : i32
    %dma_wait3A_1432 = tpu.memref_slice %arg2[%dma_wait3A_1430, %dma_wait3A_1431] : memref<65536x1024xf32, #tpu.memory_space<hbm>> -> memref<65536x1024xf32, #tpu.memory_space<hbm>>
    tpu.wait_indirect_dma semaphore(%arg13 : memref<!tpu.dma_semaphore, #tpu.memory_space<semaphore_mem>>) src(%dma_wait3A_1432 : memref<65536x1024xf32, #tpu.memory_space<hbm>>) dst(%dma_wait3A_1427 : memref<16x1024xf32, #tpu.memory_space<vmem>>)
    %add3A_1433 = arith.constant 432 : i32
    %add3A_1434 = arith.addi %multiple_of3A, %add3A_1433 : i32
    %multiple_of3A_1435 = tpu.assume_multiple %add3A_1434, 16 : i32
    %dma_start3A_1436 = arith.constant 6 : i32
    %dma_start3A_1437 = arith.constant 0 : i32
    %dma_start3A_1438 = arith.constant 0 : i32
    %dma_start3A_1439 = tpu.memref_slice %arg6[%dma_start3A_1436, %dma_start3A_1437, %dma_start3A_1438] : memref<7x16x1024xf32, #tpu.memory_space<vmem>> -> memref<1x16x1024xf32, #tpu.memory_space<vmem>>
    %dma_start3A_1440 = tpu.memref_squeeze %dma_start3A_1439 : memref<1x16x1024xf32, #tpu.memory_space<vmem>> -> memref<16x1024xf32, #tpu.memory_space<vmem>>
    %dma_start3A_1441 = arith.constant 0 : i32
    %dma_start3A_1442 = tpu.memref_slice %arg4[%multiple_of3A_1435, %dma_start3A_1441] : memref<16384x1024xf32, #tpu.memory_space<hbm>> -> memref<16x1024xf32, #tpu.memory_space<hbm>>
    %dma_start3A_1443 = arith.constant 0 : i32
    %dma_start3A_1444 = tpu.memref_slice %arg4[%multiple_of3A_1435, %dma_start3A_1443] : memref<16384x1024xf32, #tpu.memory_space<hbm>> -> memref<16x1024xf32, #tpu.memory_space<hbm>>
    %dma_start3A_1445 = arith.constant 0 : i32
    %dma_start3A_1446 = arith.constant 0 : i32
    %dma_start3A_1447 = tpu.memref_slice %arg6[%dma_start3A_1436, %dma_start3A_1445, %dma_start3A_1446] : memref<7x16x1024xf32, #tpu.memory_space<vmem>> -> memref<1x16x1024xf32, #tpu.memory_space<vmem>>
    %dma_start3A_1448 = tpu.memref_squeeze %dma_start3A_1447 : memref<1x16x1024xf32, #tpu.memory_space<vmem>> -> memref<16x1024xf32, #tpu.memory_space<vmem>>
    tpu.enqueue_dma source(%dma_start3A_1448 : memref<16x1024xf32, #tpu.memory_space<vmem>>) target(%dma_start3A_1444 : memref<16x1024xf32, #tpu.memory_space<hbm>>) target_semaphore(%arg20 : memref<!tpu.dma_semaphore, #tpu.memory_space<semaphore_mem>>)
    %dma_wait3A_1449 = arith.constant 0 : i32
    %dma_wait3A_1450 = arith.constant 0 : i32
    %dma_wait3A_1451 = arith.constant 0 : i32
    %dma_wait3A_1452 = tpu.memref_slice %arg6[%dma_wait3A_1449, %dma_wait3A_1450, %dma_wait3A_1451] : memref<7x16x1024xf32, #tpu.memory_space<vmem>> -> memref<1x16x1024xf32, #tpu.memory_space<vmem>>
    %dma_wait3A_1453 = tpu.memref_squeeze %dma_wait3A_1452 : memref<1x16x1024xf32, #tpu.memory_space<vmem>> -> memref<16x1024xf32, #tpu.memory_space<vmem>>
    %dma_wait3A_1454 = arith.constant 448 : i32
    %dma_wait3A_1455 = tpu.memref_slice %arg5[%dma_wait3A_1454] : memref<512xi32, #tpu.memory_space<vmem>> -> memref<16xi32, #tpu.memory_space<vmem>>
    %dma_wait3A_1456 = arith.constant 0 : i32
    %dma_wait3A_1457 = arith.constant 0 : i32
    %dma_wait3A_1458 = tpu.memref_slice %arg2[%dma_wait3A_1456, %dma_wait3A_1457] : memref<65536x1024xf32, #tpu.memory_space<hbm>> -> memref<65536x1024xf32, #tpu.memory_space<hbm>>
    tpu.wait_indirect_dma semaphore(%arg7 : memref<!tpu.dma_semaphore, #tpu.memory_space<semaphore_mem>>) src(%dma_wait3A_1458 : memref<65536x1024xf32, #tpu.memory_space<hbm>>) dst(%dma_wait3A_1453 : memref<16x1024xf32, #tpu.memory_space<vmem>>)
    %add3A_1459 = arith.constant 448 : i32
    %add3A_1460 = arith.addi %multiple_of3A, %add3A_1459 : i32
    %multiple_of3A_1461 = tpu.assume_multiple %add3A_1460, 16 : i32
    %dma_start3A_1462 = arith.constant 0 : i32
    %dma_start3A_1463 = arith.constant 0 : i32
    %dma_start3A_1464 = arith.constant 0 : i32
    %dma_start3A_1465 = tpu.memref_slice %arg6[%dma_start3A_1462, %dma_start3A_1463, %dma_start3A_1464] : memref<7x16x1024xf32, #tpu.memory_space<vmem>> -> memref<1x16x1024xf32, #tpu.memory_space<vmem>>
    %dma_start3A_1466 = tpu.memref_squeeze %dma_start3A_1465 : memref<1x16x1024xf32, #tpu.memory_space<vmem>> -> memref<16x1024xf32, #tpu.memory_space<vmem>>
    %dma_start3A_1467 = arith.constant 0 : i32
    %dma_start3A_1468 = tpu.memref_slice %arg4[%multiple_of3A_1461, %dma_start3A_1467] : memref<16384x1024xf32, #tpu.memory_space<hbm>> -> memref<16x1024xf32, #tpu.memory_space<hbm>>
    %dma_start3A_1469 = arith.constant 0 : i32
    %dma_start3A_1470 = tpu.memref_slice %arg4[%multiple_of3A_1461, %dma_start3A_1469] : memref<16384x1024xf32, #tpu.memory_space<hbm>> -> memref<16x1024xf32, #tpu.memory_space<hbm>>
    %dma_start3A_1471 = arith.constant 0 : i32
    %dma_start3A_1472 = arith.constant 0 : i32
    %dma_start3A_1473 = tpu.memref_slice %arg6[%dma_start3A_1462, %dma_start3A_1471, %dma_start3A_1472] : memref<7x16x1024xf32, #tpu.memory_space<vmem>> -> memref<1x16x1024xf32, #tpu.memory_space<vmem>>
    %dma_start3A_1474 = tpu.memref_squeeze %dma_start3A_1473 : memref<1x16x1024xf32, #tpu.memory_space<vmem>> -> memref<16x1024xf32, #tpu.memory_space<vmem>>
    tpu.enqueue_dma source(%dma_start3A_1474 : memref<16x1024xf32, #tpu.memory_space<vmem>>) target(%dma_start3A_1470 : memref<16x1024xf32, #tpu.memory_space<hbm>>) target_semaphore(%arg14 : memref<!tpu.dma_semaphore, #tpu.memory_space<semaphore_mem>>)
    %dma_wait3A_1475 = arith.constant 1 : i32
    %dma_wait3A_1476 = arith.constant 0 : i32
    %dma_wait3A_1477 = arith.constant 0 : i32
    %dma_wait3A_1478 = tpu.memref_slice %arg6[%dma_wait3A_1475, %dma_wait3A_1476, %dma_wait3A_1477] : memref<7x16x1024xf32, #tpu.memory_space<vmem>> -> memref<1x16x1024xf32, #tpu.memory_space<vmem>>
    %dma_wait3A_1479 = tpu.memref_squeeze %dma_wait3A_1478 : memref<1x16x1024xf32, #tpu.memory_space<vmem>> -> memref<16x1024xf32, #tpu.memory_space<vmem>>
    %dma_wait3A_1480 = arith.constant 464 : i32
    %dma_wait3A_1481 = tpu.memref_slice %arg5[%dma_wait3A_1480] : memref<512xi32, #tpu.memory_space<vmem>> -> memref<16xi32, #tpu.memory_space<vmem>>
    %dma_wait3A_1482 = arith.constant 0 : i32
    %dma_wait3A_1483 = arith.constant 0 : i32
    %dma_wait3A_1484 = tpu.memref_slice %arg2[%dma_wait3A_1482, %dma_wait3A_1483] : memref<65536x1024xf32, #tpu.memory_space<hbm>> -> memref<65536x1024xf32, #tpu.memory_space<hbm>>
    tpu.wait_indirect_dma semaphore(%arg8 : memref<!tpu.dma_semaphore, #tpu.memory_space<semaphore_mem>>) src(%dma_wait3A_1484 : memref<65536x1024xf32, #tpu.memory_space<hbm>>) dst(%dma_wait3A_1479 : memref<16x1024xf32, #tpu.memory_space<vmem>>)
    %add3A_1485 = arith.constant 464 : i32
    %add3A_1486 = arith.addi %multiple_of3A, %add3A_1485 : i32
    %multiple_of3A_1487 = tpu.assume_multiple %add3A_1486, 16 : i32
    %dma_start3A_1488 = arith.constant 1 : i32
    %dma_start3A_1489 = arith.constant 0 : i32
    %dma_start3A_1490 = arith.constant 0 : i32
    %dma_start3A_1491 = tpu.memref_slice %arg6[%dma_start3A_1488, %dma_start3A_1489, %dma_start3A_1490] : memref<7x16x1024xf32, #tpu.memory_space<vmem>> -> memref<1x16x1024xf32, #tpu.memory_space<vmem>>
    %dma_start3A_1492 = tpu.memref_squeeze %dma_start3A_1491 : memref<1x16x1024xf32, #tpu.memory_space<vmem>> -> memref<16x1024xf32, #tpu.memory_space<vmem>>
    %dma_start3A_1493 = arith.constant 0 : i32
    %dma_start3A_1494 = tpu.memref_slice %arg4[%multiple_of3A_1487, %dma_start3A_1493] : memref<16384x1024xf32, #tpu.memory_space<hbm>> -> memref<16x1024xf32, #tpu.memory_space<hbm>>
    %dma_start3A_1495 = arith.constant 0 : i32
    %dma_start3A_1496 = tpu.memref_slice %arg4[%multiple_of3A_1487, %dma_start3A_1495] : memref<16384x1024xf32, #tpu.memory_space<hbm>> -> memref<16x1024xf32, #tpu.memory_space<hbm>>
    %dma_start3A_1497 = arith.constant 0 : i32
    %dma_start3A_1498 = arith.constant 0 : i32
    %dma_start3A_1499 = tpu.memref_slice %arg6[%dma_start3A_1488, %dma_start3A_1497, %dma_start3A_1498] : memref<7x16x1024xf32, #tpu.memory_space<vmem>> -> memref<1x16x1024xf32, #tpu.memory_space<vmem>>
    %dma_start3A_1500 = tpu.memref_squeeze %dma_start3A_1499 : memref<1x16x1024xf32, #tpu.memory_space<vmem>> -> memref<16x1024xf32, #tpu.memory_space<vmem>>
    tpu.enqueue_dma source(%dma_start3A_1500 : memref<16x1024xf32, #tpu.memory_space<vmem>>) target(%dma_start3A_1496 : memref<16x1024xf32, #tpu.memory_space<hbm>>) target_semaphore(%arg15 : memref<!tpu.dma_semaphore, #tpu.memory_space<semaphore_mem>>)
    %dma_wait3A_1501 = arith.constant 2 : i32
    %dma_wait3A_1502 = arith.constant 0 : i32
    %dma_wait3A_1503 = arith.constant 0 : i32
    %dma_wait3A_1504 = tpu.memref_slice %arg6[%dma_wait3A_1501, %dma_wait3A_1502, %dma_wait3A_1503] : memref<7x16x1024xf32, #tpu.memory_space<vmem>> -> memref<1x16x1024xf32, #tpu.memory_space<vmem>>
    %dma_wait3A_1505 = tpu.memref_squeeze %dma_wait3A_1504 : memref<1x16x1024xf32, #tpu.memory_space<vmem>> -> memref<16x1024xf32, #tpu.memory_space<vmem>>
    %dma_wait3A_1506 = arith.constant 480 : i32
    %dma_wait3A_1507 = tpu.memref_slice %arg5[%dma_wait3A_1506] : memref<512xi32, #tpu.memory_space<vmem>> -> memref<16xi32, #tpu.memory_space<vmem>>
    %dma_wait3A_1508 = arith.constant 0 : i32
    %dma_wait3A_1509 = arith.constant 0 : i32
    %dma_wait3A_1510 = tpu.memref_slice %arg2[%dma_wait3A_1508, %dma_wait3A_1509] : memref<65536x1024xf32, #tpu.memory_space<hbm>> -> memref<65536x1024xf32, #tpu.memory_space<hbm>>
    tpu.wait_indirect_dma semaphore(%arg9 : memref<!tpu.dma_semaphore, #tpu.memory_space<semaphore_mem>>) src(%dma_wait3A_1510 : memref<65536x1024xf32, #tpu.memory_space<hbm>>) dst(%dma_wait3A_1505 : memref<16x1024xf32, #tpu.memory_space<vmem>>)
    %add3A_1511 = arith.constant 480 : i32
    %add3A_1512 = arith.addi %multiple_of3A, %add3A_1511 : i32
    %multiple_of3A_1513 = tpu.assume_multiple %add3A_1512, 16 : i32
    %dma_start3A_1514 = arith.constant 2 : i32
    %dma_start3A_1515 = arith.constant 0 : i32
    %dma_start3A_1516 = arith.constant 0 : i32
    %dma_start3A_1517 = tpu.memref_slice %arg6[%dma_start3A_1514, %dma_start3A_1515, %dma_start3A_1516] : memref<7x16x1024xf32, #tpu.memory_space<vmem>> -> memref<1x16x1024xf32, #tpu.memory_space<vmem>>
    %dma_start3A_1518 = tpu.memref_squeeze %dma_start3A_1517 : memref<1x16x1024xf32, #tpu.memory_space<vmem>> -> memref<16x1024xf32, #tpu.memory_space<vmem>>
    %dma_start3A_1519 = arith.constant 0 : i32
    %dma_start3A_1520 = tpu.memref_slice %arg4[%multiple_of3A_1513, %dma_start3A_1519] : memref<16384x1024xf32, #tpu.memory_space<hbm>> -> memref<16x1024xf32, #tpu.memory_space<hbm>>
    %dma_start3A_1521 = arith.constant 0 : i32
    %dma_start3A_1522 = tpu.memref_slice %arg4[%multiple_of3A_1513, %dma_start3A_1521] : memref<16384x1024xf32, #tpu.memory_space<hbm>> -> memref<16x1024xf32, #tpu.memory_space<hbm>>
    %dma_start3A_1523 = arith.constant 0 : i32
    %dma_start3A_1524 = arith.constant 0 : i32
    %dma_start3A_1525 = tpu.memref_slice %arg6[%dma_start3A_1514, %dma_start3A_1523, %dma_start3A_1524] : memref<7x16x1024xf32, #tpu.memory_space<vmem>> -> memref<1x16x1024xf32, #tpu.memory_space<vmem>>
    %dma_start3A_1526 = tpu.memref_squeeze %dma_start3A_1525 : memref<1x16x1024xf32, #tpu.memory_space<vmem>> -> memref<16x1024xf32, #tpu.memory_space<vmem>>
    tpu.enqueue_dma source(%dma_start3A_1526 : memref<16x1024xf32, #tpu.memory_space<vmem>>) target(%dma_start3A_1522 : memref<16x1024xf32, #tpu.memory_space<hbm>>) target_semaphore(%arg16 : memref<!tpu.dma_semaphore, #tpu.memory_space<semaphore_mem>>)
    %dma_wait3A_1527 = arith.constant 3 : i32
    %dma_wait3A_1528 = arith.constant 0 : i32
    %dma_wait3A_1529 = arith.constant 0 : i32
    %dma_wait3A_1530 = tpu.memref_slice %arg6[%dma_wait3A_1527, %dma_wait3A_1528, %dma_wait3A_1529] : memref<7x16x1024xf32, #tpu.memory_space<vmem>> -> memref<1x16x1024xf32, #tpu.memory_space<vmem>>
    %dma_wait3A_1531 = tpu.memref_squeeze %dma_wait3A_1530 : memref<1x16x1024xf32, #tpu.memory_space<vmem>> -> memref<16x1024xf32, #tpu.memory_space<vmem>>
    %dma_wait3A_1532 = arith.constant 496 : i32
    %dma_wait3A_1533 = tpu.memref_slice %arg5[%dma_wait3A_1532] : memref<512xi32, #tpu.memory_space<vmem>> -> memref<16xi32, #tpu.memory_space<vmem>>
    %dma_wait3A_1534 = arith.constant 0 : i32
    %dma_wait3A_1535 = arith.constant 0 : i32
    %dma_wait3A_1536 = tpu.memref_slice %arg2[%dma_wait3A_1534, %dma_wait3A_1535] : memref<65536x1024xf32, #tpu.memory_space<hbm>> -> memref<65536x1024xf32, #tpu.memory_space<hbm>>
    tpu.wait_indirect_dma semaphore(%arg10 : memref<!tpu.dma_semaphore, #tpu.memory_space<semaphore_mem>>) src(%dma_wait3A_1536 : memref<65536x1024xf32, #tpu.memory_space<hbm>>) dst(%dma_wait3A_1531 : memref<16x1024xf32, #tpu.memory_space<vmem>>)
    %add3A_1537 = arith.constant 496 : i32
    %add3A_1538 = arith.addi %multiple_of3A, %add3A_1537 : i32
    %multiple_of3A_1539 = tpu.assume_multiple %add3A_1538, 16 : i32
    %dma_start3A_1540 = arith.constant 3 : i32
    %dma_start3A_1541 = arith.constant 0 : i32
    %dma_start3A_1542 = arith.constant 0 : i32
    %dma_start3A_1543 = tpu.memref_slice %arg6[%dma_start3A_1540, %dma_start3A_1541, %dma_start3A_1542] : memref<7x16x1024xf32, #tpu.memory_space<vmem>> -> memref<1x16x1024xf32, #tpu.memory_space<vmem>>
    %dma_start3A_1544 = tpu.memref_squeeze %dma_start3A_1543 : memref<1x16x1024xf32, #tpu.memory_space<vmem>> -> memref<16x1024xf32, #tpu.memory_space<vmem>>
    %dma_start3A_1545 = arith.constant 0 : i32
    %dma_start3A_1546 = tpu.memref_slice %arg4[%multiple_of3A_1539, %dma_start3A_1545] : memref<16384x1024xf32, #tpu.memory_space<hbm>> -> memref<16x1024xf32, #tpu.memory_space<hbm>>
    %dma_start3A_1547 = arith.constant 0 : i32
    %dma_start3A_1548 = tpu.memref_slice %arg4[%multiple_of3A_1539, %dma_start3A_1547] : memref<16384x1024xf32, #tpu.memory_space<hbm>> -> memref<16x1024xf32, #tpu.memory_space<hbm>>
    %dma_start3A_1549 = arith.constant 0 : i32
    %dma_start3A_1550 = arith.constant 0 : i32
    %dma_start3A_1551 = tpu.memref_slice %arg6[%dma_start3A_1540, %dma_start3A_1549, %dma_start3A_1550] : memref<7x16x1024xf32, #tpu.memory_space<vmem>> -> memref<1x16x1024xf32, #tpu.memory_space<vmem>>
    %dma_start3A_1552 = tpu.memref_squeeze %dma_start3A_1551 : memref<1x16x1024xf32, #tpu.memory_space<vmem>> -> memref<16x1024xf32, #tpu.memory_space<vmem>>
    tpu.enqueue_dma source(%dma_start3A_1552 : memref<16x1024xf32, #tpu.memory_space<vmem>>) target(%dma_start3A_1548 : memref<16x1024xf32, #tpu.memory_space<hbm>>) target_semaphore(%arg17 : memref<!tpu.dma_semaphore, #tpu.memory_space<semaphore_mem>>)
    %add3A_1553 = arith.constant 400 : i32
    %add3A_1554 = arith.addi %multiple_of3A, %add3A_1553 : i32
    %multiple_of3A_1555 = tpu.assume_multiple %add3A_1554, 16 : i32
    %dma_wait3A_1556 = arith.constant 4 : i32
    %dma_wait3A_1557 = arith.constant 0 : i32
    %dma_wait3A_1558 = arith.constant 0 : i32
    %dma_wait3A_1559 = tpu.memref_slice %arg6[%dma_wait3A_1556, %dma_wait3A_1557, %dma_wait3A_1558] : memref<7x16x1024xf32, #tpu.memory_space<vmem>> -> memref<1x16x1024xf32, #tpu.memory_space<vmem>>
    %dma_wait3A_1560 = tpu.memref_squeeze %dma_wait3A_1559 : memref<1x16x1024xf32, #tpu.memory_space<vmem>> -> memref<16x1024xf32, #tpu.memory_space<vmem>>
    %dma_wait3A_1561 = arith.constant 0 : i32
    %dma_wait3A_1562 = tpu.memref_slice %arg4[%multiple_of3A_1555, %dma_wait3A_1561] : memref<16384x1024xf32, #tpu.memory_space<hbm>> -> memref<16x1024xf32, #tpu.memory_space<hbm>>
    %dma_wait3A_1563 = arith.constant 0 : i32
    %dma_wait3A_1564 = tpu.memref_slice %arg4[%multiple_of3A_1555, %dma_wait3A_1563] : memref<16384x1024xf32, #tpu.memory_space<hbm>> -> memref<16x1024xf32, #tpu.memory_space<hbm>>
    %dma_wait3A_1565 = arith.constant 0 : i32
    %dma_wait3A_1566 = arith.constant 0 : i32
    %dma_wait3A_1567 = tpu.memref_slice %arg6[%dma_wait3A_1556, %dma_wait3A_1565, %dma_wait3A_1566] : memref<7x16x1024xf32, #tpu.memory_space<vmem>> -> memref<1x16x1024xf32, #tpu.memory_space<vmem>>
    %dma_wait3A_1568 = tpu.memref_squeeze %dma_wait3A_1567 : memref<1x16x1024xf32, #tpu.memory_space<vmem>> -> memref<16x1024xf32, #tpu.memory_space<vmem>>
    tpu.wait_dma2 semaphore(%arg18 : memref<!tpu.dma_semaphore, #tpu.memory_space<semaphore_mem>>) src(%dma_wait3A_1568 : memref<16x1024xf32, #tpu.memory_space<vmem>>) dst(%dma_wait3A_1564 : memref<16x1024xf32, #tpu.memory_space<hbm>>)
    %add3A_1569 = arith.constant 416 : i32
    %add3A_1570 = arith.addi %multiple_of3A, %add3A_1569 : i32
    %multiple_of3A_1571 = tpu.assume_multiple %add3A_1570, 16 : i32
    %dma_wait3A_1572 = arith.constant 5 : i32
    %dma_wait3A_1573 = arith.constant 0 : i32
    %dma_wait3A_1574 = arith.constant 0 : i32
    %dma_wait3A_1575 = tpu.memref_slice %arg6[%dma_wait3A_1572, %dma_wait3A_1573, %dma_wait3A_1574] : memref<7x16x1024xf32, #tpu.memory_space<vmem>> -> memref<1x16x1024xf32, #tpu.memory_space<vmem>>
    %dma_wait3A_1576 = tpu.memref_squeeze %dma_wait3A_1575 : memref<1x16x1024xf32, #tpu.memory_space<vmem>> -> memref<16x1024xf32, #tpu.memory_space<vmem>>
    %dma_wait3A_1577 = arith.constant 0 : i32
    %dma_wait3A_1578 = tpu.memref_slice %arg4[%multiple_of3A_1571, %dma_wait3A_1577] : memref<16384x1024xf32, #tpu.memory_space<hbm>> -> memref<16x1024xf32, #tpu.memory_space<hbm>>
    %dma_wait3A_1579 = arith.constant 0 : i32
    %dma_wait3A_1580 = tpu.memref_slice %arg4[%multiple_of3A_1571, %dma_wait3A_1579] : memref<16384x1024xf32, #tpu.memory_space<hbm>> -> memref<16x1024xf32, #tpu.memory_space<hbm>>
    %dma_wait3A_1581 = arith.constant 0 : i32
    %dma_wait3A_1582 = arith.constant 0 : i32
    %dma_wait3A_1583 = tpu.memref_slice %arg6[%dma_wait3A_1572, %dma_wait3A_1581, %dma_wait3A_1582] : memref<7x16x1024xf32, #tpu.memory_space<vmem>> -> memref<1x16x1024xf32, #tpu.memory_space<vmem>>
    %dma_wait3A_1584 = tpu.memref_squeeze %dma_wait3A_1583 : memref<1x16x1024xf32, #tpu.memory_space<vmem>> -> memref<16x1024xf32, #tpu.memory_space<vmem>>
    tpu.wait_dma2 semaphore(%arg19 : memref<!tpu.dma_semaphore, #tpu.memory_space<semaphore_mem>>) src(%dma_wait3A_1584 : memref<16x1024xf32, #tpu.memory_space<vmem>>) dst(%dma_wait3A_1580 : memref<16x1024xf32, #tpu.memory_space<hbm>>)
    %add3A_1585 = arith.constant 432 : i32
    %add3A_1586 = arith.addi %multiple_of3A, %add3A_1585 : i32
    %multiple_of3A_1587 = tpu.assume_multiple %add3A_1586, 16 : i32
    %dma_wait3A_1588 = arith.constant 6 : i32
    %dma_wait3A_1589 = arith.constant 0 : i32
    %dma_wait3A_1590 = arith.constant 0 : i32
    %dma_wait3A_1591 = tpu.memref_slice %arg6[%dma_wait3A_1588, %dma_wait3A_1589, %dma_wait3A_1590] : memref<7x16x1024xf32, #tpu.memory_space<vmem>> -> memref<1x16x1024xf32, #tpu.memory_space<vmem>>
    %dma_wait3A_1592 = tpu.memref_squeeze %dma_wait3A_1591 : memref<1x16x1024xf32, #tpu.memory_space<vmem>> -> memref<16x1024xf32, #tpu.memory_space<vmem>>
    %dma_wait3A_1593 = arith.constant 0 : i32
    %dma_wait3A_1594 = tpu.memref_slice %arg4[%multiple_of3A_1587, %dma_wait3A_1593] : memref<16384x1024xf32, #tpu.memory_space<hbm>> -> memref<16x1024xf32, #tpu.memory_space<hbm>>
    %dma_wait3A_1595 = arith.constant 0 : i32
    %dma_wait3A_1596 = tpu.memref_slice %arg4[%multiple_of3A_1587, %dma_wait3A_1595] : memref<16384x1024xf32, #tpu.memory_space<hbm>> -> memref<16x1024xf32, #tpu.memory_space<hbm>>
    %dma_wait3A_1597 = arith.constant 0 : i32
    %dma_wait3A_1598 = arith.constant 0 : i32
    %dma_wait3A_1599 = tpu.memref_slice %arg6[%dma_wait3A_1588, %dma_wait3A_1597, %dma_wait3A_1598] : memref<7x16x1024xf32, #tpu.memory_space<vmem>> -> memref<1x16x1024xf32, #tpu.memory_space<vmem>>
    %dma_wait3A_1600 = tpu.memref_squeeze %dma_wait3A_1599 : memref<1x16x1024xf32, #tpu.memory_space<vmem>> -> memref<16x1024xf32, #tpu.memory_space<vmem>>
    tpu.wait_dma2 semaphore(%arg20 : memref<!tpu.dma_semaphore, #tpu.memory_space<semaphore_mem>>) src(%dma_wait3A_1600 : memref<16x1024xf32, #tpu.memory_space<vmem>>) dst(%dma_wait3A_1596 : memref<16x1024xf32, #tpu.memory_space<hbm>>)
    %add3A_1601 = arith.constant 448 : i32
    %add3A_1602 = arith.addi %multiple_of3A, %add3A_1601 : i32
    %multiple_of3A_1603 = tpu.assume_multiple %add3A_1602, 16 : i32
    %dma_wait3A_1604 = arith.constant 0 : i32
    %dma_wait3A_1605 = arith.constant 0 : i32
    %dma_wait3A_1606 = arith.constant 0 : i32
    %dma_wait3A_1607 = tpu.memref_slice %arg6[%dma_wait3A_1604, %dma_wait3A_1605, %dma_wait3A_1606] : memref<7x16x1024xf32, #tpu.memory_space<vmem>> -> memref<1x16x1024xf32, #tpu.memory_space<vmem>>
    %dma_wait3A_1608 = tpu.memref_squeeze %dma_wait3A_1607 : memref<1x16x1024xf32, #tpu.memory_space<vmem>> -> memref<16x1024xf32, #tpu.memory_space<vmem>>
    %dma_wait3A_1609 = arith.constant 0 : i32
    %dma_wait3A_1610 = tpu.memref_slice %arg4[%multiple_of3A_1603, %dma_wait3A_1609] : memref<16384x1024xf32, #tpu.memory_space<hbm>> -> memref<16x1024xf32, #tpu.memory_space<hbm>>
    %dma_wait3A_1611 = arith.constant 0 : i32
    %dma_wait3A_1612 = tpu.memref_slice %arg4[%multiple_of3A_1603, %dma_wait3A_1611] : memref<16384x1024xf32, #tpu.memory_space<hbm>> -> memref<16x1024xf32, #tpu.memory_space<hbm>>
    %dma_wait3A_1613 = arith.constant 0 : i32
    %dma_wait3A_1614 = arith.constant 0 : i32
    %dma_wait3A_1615 = tpu.memref_slice %arg6[%dma_wait3A_1604, %dma_wait3A_1613, %dma_wait3A_1614] : memref<7x16x1024xf32, #tpu.memory_space<vmem>> -> memref<1x16x1024xf32, #tpu.memory_space<vmem>>
    %dma_wait3A_1616 = tpu.memref_squeeze %dma_wait3A_1615 : memref<1x16x1024xf32, #tpu.memory_space<vmem>> -> memref<16x1024xf32, #tpu.memory_space<vmem>>
    tpu.wait_dma2 semaphore(%arg14 : memref<!tpu.dma_semaphore, #tpu.memory_space<semaphore_mem>>) src(%dma_wait3A_1616 : memref<16x1024xf32, #tpu.memory_space<vmem>>) dst(%dma_wait3A_1612 : memref<16x1024xf32, #tpu.memory_space<hbm>>)
    %add3A_1617 = arith.constant 464 : i32
    %add3A_1618 = arith.addi %multiple_of3A, %add3A_1617 : i32
    %multiple_of3A_1619 = tpu.assume_multiple %add3A_1618, 16 : i32
    %dma_wait3A_1620 = arith.constant 1 : i32
    %dma_wait3A_1621 = arith.constant 0 : i32
    %dma_wait3A_1622 = arith.constant 0 : i32
    %dma_wait3A_1623 = tpu.memref_slice %arg6[%dma_wait3A_1620, %dma_wait3A_1621, %dma_wait3A_1622] : memref<7x16x1024xf32, #tpu.memory_space<vmem>> -> memref<1x16x1024xf32, #tpu.memory_space<vmem>>
    %dma_wait3A_1624 = tpu.memref_squeeze %dma_wait3A_1623 : memref<1x16x1024xf32, #tpu.memory_space<vmem>> -> memref<16x1024xf32, #tpu.memory_space<vmem>>
    %dma_wait3A_1625 = arith.constant 0 : i32
    %dma_wait3A_1626 = tpu.memref_slice %arg4[%multiple_of3A_1619, %dma_wait3A_1625] : memref<16384x1024xf32, #tpu.memory_space<hbm>> -> memref<16x1024xf32, #tpu.memory_space<hbm>>
    %dma_wait3A_1627 = arith.constant 0 : i32
    %dma_wait3A_1628 = tpu.memref_slice %arg4[%multiple_of3A_1619, %dma_wait3A_1627] : memref<16384x1024xf32, #tpu.memory_space<hbm>> -> memref<16x1024xf32, #tpu.memory_space<hbm>>
    %dma_wait3A_1629 = arith.constant 0 : i32
    %dma_wait3A_1630 = arith.constant 0 : i32
    %dma_wait3A_1631 = tpu.memref_slice %arg6[%dma_wait3A_1620, %dma_wait3A_1629, %dma_wait3A_1630] : memref<7x16x1024xf32, #tpu.memory_space<vmem>> -> memref<1x16x1024xf32, #tpu.memory_space<vmem>>
    %dma_wait3A_1632 = tpu.memref_squeeze %dma_wait3A_1631 : memref<1x16x1024xf32, #tpu.memory_space<vmem>> -> memref<16x1024xf32, #tpu.memory_space<vmem>>
    tpu.wait_dma2 semaphore(%arg15 : memref<!tpu.dma_semaphore, #tpu.memory_space<semaphore_mem>>) src(%dma_wait3A_1632 : memref<16x1024xf32, #tpu.memory_space<vmem>>) dst(%dma_wait3A_1628 : memref<16x1024xf32, #tpu.memory_space<hbm>>)
    %add3A_1633 = arith.constant 480 : i32
    %add3A_1634 = arith.addi %multiple_of3A, %add3A_1633 : i32
    %multiple_of3A_1635 = tpu.assume_multiple %add3A_1634, 16 : i32
    %dma_wait3A_1636 = arith.constant 2 : i32
    %dma_wait3A_1637 = arith.constant 0 : i32
    %dma_wait3A_1638 = arith.constant 0 : i32
    %dma_wait3A_1639 = tpu.memref_slice %arg6[%dma_wait3A_1636, %dma_wait3A_1637, %dma_wait3A_1638] : memref<7x16x1024xf32, #tpu.memory_space<vmem>> -> memref<1x16x1024xf32, #tpu.memory_space<vmem>>
    %dma_wait3A_1640 = tpu.memref_squeeze %dma_wait3A_1639 : memref<1x16x1024xf32, #tpu.memory_space<vmem>> -> memref<16x1024xf32, #tpu.memory_space<vmem>>
    %dma_wait3A_1641 = arith.constant 0 : i32
    %dma_wait3A_1642 = tpu.memref_slice %arg4[%multiple_of3A_1635, %dma_wait3A_1641] : memref<16384x1024xf32, #tpu.memory_space<hbm>> -> memref<16x1024xf32, #tpu.memory_space<hbm>>
    %dma_wait3A_1643 = arith.constant 0 : i32
    %dma_wait3A_1644 = tpu.memref_slice %arg4[%multiple_of3A_1635, %dma_wait3A_1643] : memref<16384x1024xf32, #tpu.memory_space<hbm>> -> memref<16x1024xf32, #tpu.memory_space<hbm>>
    %dma_wait3A_1645 = arith.constant 0 : i32
    %dma_wait3A_1646 = arith.constant 0 : i32
    %dma_wait3A_1647 = tpu.memref_slice %arg6[%dma_wait3A_1636, %dma_wait3A_1645, %dma_wait3A_1646] : memref<7x16x1024xf32, #tpu.memory_space<vmem>> -> memref<1x16x1024xf32, #tpu.memory_space<vmem>>
    %dma_wait3A_1648 = tpu.memref_squeeze %dma_wait3A_1647 : memref<1x16x1024xf32, #tpu.memory_space<vmem>> -> memref<16x1024xf32, #tpu.memory_space<vmem>>
    tpu.wait_dma2 semaphore(%arg16 : memref<!tpu.dma_semaphore, #tpu.memory_space<semaphore_mem>>) src(%dma_wait3A_1648 : memref<16x1024xf32, #tpu.memory_space<vmem>>) dst(%dma_wait3A_1644 : memref<16x1024xf32, #tpu.memory_space<hbm>>)
    %add3A_1649 = arith.constant 496 : i32
    %add3A_1650 = arith.addi %multiple_of3A, %add3A_1649 : i32
    %multiple_of3A_1651 = tpu.assume_multiple %add3A_1650, 16 : i32
    %dma_wait3A_1652 = arith.constant 3 : i32
    %dma_wait3A_1653 = arith.constant 0 : i32
    %dma_wait3A_1654 = arith.constant 0 : i32
    %dma_wait3A_1655 = tpu.memref_slice %arg6[%dma_wait3A_1652, %dma_wait3A_1653, %dma_wait3A_1654] : memref<7x16x1024xf32, #tpu.memory_space<vmem>> -> memref<1x16x1024xf32, #tpu.memory_space<vmem>>
    %dma_wait3A_1656 = tpu.memref_squeeze %dma_wait3A_1655 : memref<1x16x1024xf32, #tpu.memory_space<vmem>> -> memref<16x1024xf32, #tpu.memory_space<vmem>>
    %dma_wait3A_1657 = arith.constant 0 : i32
    %dma_wait3A_1658 = tpu.memref_slice %arg4[%multiple_of3A_1651, %dma_wait3A_1657] : memref<16384x1024xf32, #tpu.memory_space<hbm>> -> memref<16x1024xf32, #tpu.memory_space<hbm>>
    %dma_wait3A_1659 = arith.constant 0 : i32
    %dma_wait3A_1660 = tpu.memref_slice %arg4[%multiple_of3A_1651, %dma_wait3A_1659] : memref<16384x1024xf32, #tpu.memory_space<hbm>> -> memref<16x1024xf32, #tpu.memory_space<hbm>>
    %dma_wait3A_1661 = arith.constant 0 : i32
    %dma_wait3A_1662 = arith.constant 0 : i32
    %dma_wait3A_1663 = tpu.memref_slice %arg6[%dma_wait3A_1652, %dma_wait3A_1661, %dma_wait3A_1662] : memref<7x16x1024xf32, #tpu.memory_space<vmem>> -> memref<1x16x1024xf32, #tpu.memory_space<vmem>>
    %dma_wait3A_1664 = tpu.memref_squeeze %dma_wait3A_1663 : memref<1x16x1024xf32, #tpu.memory_space<vmem>> -> memref<16x1024xf32, #tpu.memory_space<vmem>>
    tpu.wait_dma2 semaphore(%arg17 : memref<!tpu.dma_semaphore, #tpu.memory_space<semaphore_mem>>) src(%dma_wait3A_1664 : memref<16x1024xf32, #tpu.memory_space<vmem>>) dst(%dma_wait3A_1660 : memref<16x1024xf32, #tpu.memory_space<hbm>>)
    return
  }
}

</mosaic_0001>

<sc_bundles>
// kernel: kernel.3.cloned.1.call-start
scs
__scs_entry_jumppad:
0x0: {  	(pc) =	sbr.rel $0x88, $3  }
0x1: {  	(tag) =	ssettag $0x0;
	lr =	simm.s32 $0x1  }
0x2: {  	[smem:$0x3FA0] =	sst lr;
	_ =	strace $0xD0000000  }
0x3: {  	_ = 	snop  }
0x4: {  	_ = 	snop  }
0x5: {  	_ = 	snop  }
0x6: {  	_ = 	snop  }
0x7: {  	_ = 	snop  }
__scs_overlays_trampoline_lowered:
0x8: {  	[smem:$0x3FAF] =	sst s0  }
0x9: {  	[smem:$0x3FB0] =	sst s1  }
0xa: {  	[smem:$0x3FB1] =	sst s2  }
0xb: {  	[smem:$0x3FB2] =	sst s3  }
0xc: {  	[smem:$0x3FB3] =	sst s4  }
0xd: {  	[smem:$0x3FB4] =	sst s5  }
0xe: {  	[smem:$0x3FB5] =	sst s6  }
0xf: {  	[smem:$0x3FB6] =	sst s7  }
0x10: {  	[smem:$0x3FB7] =	sst s8  }
0x11: {  	[smem:$0x3FB8] =	sst s9;
	s0 =	simm.s32 @!p0 $0x0  }
0x12: {  	s1 =	sld [smem:$0x3F9E];
	s0 =	simm.s32 @p0 $0x1  }
0x13: {  	[smem:$0x3FB9] =	sst s0;
	s0 =	simm.s32 @!p1 $0x0  }
0x14: {  	s2 =	sld [smem:$0x3F9D];
	s0 =	simm.s32 @p1 $0x1  }
0x15: {  	[smem:$0x3FBA] =	sst s0;
	s0 =	simm.s32 @!p2 $0x0  }
0x16: {  	s3 =	sld [smem:$0x3FDB];
	s0 =	simm.s32 @p2 $0x1  }
0x17: {  	s4 =	simm.s32 $0x1BF5;
	[smem:$0x3FBC] =	sst s0  }
0x18: {  	s0 =	sld [smem:$0x3F9F];
	_ =	swait.ge [sflag:s4], $0x0  }
0x19: {  	s7 =	sld [smem:$0x3FA0]  }
0x1a: {  	s8 =	sadd.s32 $0xFFFFE003, lr  }
0x1b: {  	s9 =	sadd.s32 $0xFFFFFEF7, lr;
	s5 =	simm.s32 $0xFFFFFFFF;
	p2 =	slt.u32 s8, $0xFFFFF086  }
0x1c: {  	p1 =	slt.u32 s9, $0xF7A;
	s5 =	simm.s32 @!p2 $0x0  }
0x1d: {  	s5 =	simm.s32 @p1 $0x1;
	p0 =	seq.s32 s7, s2  }
0x1e: {  	s7 =	smul.u32 @!p0 $0xF7A, s2;
	p2 =	seq.s32 @!p0 s5, $0x0  }
0x1f: {  	s9 =	smul.u32 $0xF7A, s1;
	s8 =	simm.s32 @!p0 $0x1BF5;
	p2 =	por !p2, p0  }
0x20: {  	[sflag:s8] =	ssyncset.s32 @!p0 $0xFFFFF086;
	s6 =	sadd.s32 @!p0 s3, s7;
	s7 =	simm.s32 @!p0 $0x108  }
0x21: {  	s3 =	sadd.s32 s3, s9;
	s6 =	sadd.s32 @!p0 $0x88, s6;
	s7 =	simm.s32 @p2 $0x1082  }
0x22: {  	[simem:s7], [sflag:s8] =	dma.local @!p0 [hbm:s6], $0xF7A  }
0x23: {  	s9 =	sor.u32 $0xD0000000, s2;
	s6 =	simm.s32 $0x108;
	_ =	swait.ge @!p0 [sflag:s8], $0x0  }
0x24: {  	s3 =	sadd.s32 $0x88, s3;
	s6 =	simm.s32 @!p1 $0x1082;
	[sflag:s4] =	ssyncset.s32 $0xFFFFF086  }
0x25: {  	[simem:s6], [sflag:s4] =	dma.local [hbm:s3], $0xF7A  }
0x26: {  	[smem:$0x3FA0] =	sst s1;
	(tag) =	ssettag s2;
	_ =	strace s9  }
0x27: {  	s1 =	sld [smem:$0x3FB0]  }
0x28: {  	s2 =	sld [smem:$0x3FB1]  }
0x29: {  	s4 =	sld [smem:$0x3FB3]  }
0x2a: {  	p0 =	seq.s32 s5, $0x0;
	s5 =	sld [smem:$0x3FB4]  }
0x2b: {  	s6 =	sld [smem:$0x3FB5]  }
0x2c: {  	s7 =	sld [smem:$0x3FB6]  }
0x2d: {  	s3 =	simm.s32 $0x108;
	s8 =	sld [smem:$0x3FB7]  }
0x2e: {  	s3 =	simm.s32 @!p0 $0x1082;
	s9 =	sld [smem:$0x3FB8]  }
0x2f: {  	lr =	sadd.s32 s0, s3;
	s0 =	sld [smem:$0x3FAF]  }
0x30: {  	s3 =	sld [smem:$0x3FB2]  }
0x31: {  	[smem:$0x3FBB] =	sst s10  }
0x32: {  	s10 =	sld [smem:$0x3FB9];
	_ =	sdelay $0x3  }
0x33: {  	p0 =	seq.s32 s10, $0x1;
	s10 =	sld [smem:$0x3FBB];
	_ =	sdelay $0x3  }
0x34: {  	[smem:$0x3FBB] =	sst s10  }
0x35: {  	s10 =	sld [smem:$0x3FBA];
	_ =	sdelay $0x3  }
0x36: {  	p1 =	seq.s32 s10, $0x1;
	s10 =	sld [smem:$0x3FBB];
	_ =	sdelay $0x3  }
0x37: {  	[smem:$0x3FBB] =	sst s10  }
0x38: {  	s10 =	sld [smem:$0x3FBC]  }
0x39: {  	_ = 	snop;
	(pc) =	sbr.ind lr, $3  }
0x3a: {  	_ = 	snop  }
0x3b: {  	_ = 	snop  }
0x3c: {  	p2 =	seq.s32 s10, $0x1;
	s10 =	sld [smem:$0x3FBB]  }
0x3d: {  	_ =	shalt  }
0x3e: {  	_ =	shalt  }
0x3f: {  	_ =	shalt  }
0x40: {  	_ =	shalt  }
0x41: {  	_ =	shalt  }
0x42: {  	_ =	shalt  }
0x43: {  	_ =	shalt  }
0x44: {  	_ =	shalt  }
0x45: {  	_ =	shalt  }
0x46: {  	_ =	shalt  }
0x47: {  	_ =	shalt  }
0x48: {  	_ =	shalt  }
0x49: {  	_ =	shalt  }
0x4a: {  	_ =	shalt  }
0x4b: {  	_ =	shalt  }
0x4c: {  	_ =	shalt  }
0x4d: {  	_ =	shalt  }
0x4e: {  	_ =	shalt  }
0x4f: {  	_ =	shalt  }
0x50: {  	_ =	shalt  }
0x51: {  	_ =	shalt  }
0x52: {  	_ =	shalt  }
0x53: {  	_ =	shalt  }
0x54: {  	_ =	shalt  }
0x55: {  	_ =	shalt  }
0x56: {  	_ =	shalt  }
0x57: {  	_ =	shalt  }
0x58: {  	_ =	shalt  }
0x59: {  	_ =	shalt  }
0x5a: {  	_ =	shalt  }
0x5b: {  	_ =	shalt  }
0x5c: {  	_ =	shalt  }
0x5d: {  	_ =	shalt  }
0x5e: {  	_ =	shalt  }
0x5f: {  	_ =	shalt  }
0x60: {  	_ =	shalt  }
0x61: {  	_ =	shalt  }
0x62: {  	_ =	shalt  }
0x63: {  	_ =	shalt  }
0x64: {  	_ =	shalt  }
0x65: {  	_ =	shalt  }
0x66: {  	_ =	shalt  }
0x67: {  	_ =	shalt  }
0x68: {  	_ =	shalt  }
0x69: {  	_ =	shalt  }
0x6a: {  	_ =	shalt  }
0x6b: {  	_ =	shalt  }
0x6c: {  	_ =	shalt  }
0x6d: {  	_ =	shalt  }
0x6e: {  	_ =	shalt  }
0x6f: {  	_ =	shalt  }
0x70: {  	_ =	shalt  }
0x71: {  	_ =	shalt  }
0x72: {  	_ =	shalt  }
0x73: {  	_ =	shalt  }
0x74: {  	_ =	shalt  }
0x75: {  	_ =	shalt  }
0x76: {  	_ =	shalt  }
0x77: {  	_ =	shalt  }
0x78: {  	_ =	shalt  }
0x79: {  	_ =	shalt  }
0x7a: {  	_ =	shalt  }
0x7b: {  	_ =	shalt  }
0x7c: {  	_ =	shalt  }
0x7d: {  	_ =	shalt  }
0x7e: {  	_ =	shalt  }
0x7f: {  	_ =	shalt  }
0x80: {  	_ =	shalt  }
0x81: {  	_ =	shalt  }
0x82: {  	_ =	shalt  }
0x83: {  	_ =	shalt  }
0x84: {  	_ =	shalt  }
0x85: {  	_ =	shalt  }
0x86: {  	_ =	shalt  }
0x87: {  	_ =	shalt  }
.Lfunc_end0:
.L_simem_size_0:
called_computation_lowered:
.L_overlay_start_0:
0x88: {  	s2 =	sld [smem:$0x3FD9]  }
0x89: {  	s3 =	sld [smem:$0x3FFE];
	_ =	sdelay $0x1  }
0x8a: {  	s1 =	srdreg.scid  }
0x8b: {  	s0 =	sand.u32 $0x1, s1  }
0x8c: {  	s17 =	sshll.u32 s0, $0xA;
	s2 =	sadd.s32 s3, s2  }
0x8d: {  	s2 =	sadd.s32 s2, s17  }
0x8e: {  	[smem:$0x3FC7] =	sst s2  }
0x8f: {  	_ = 	snop  }
0x90: {  	s2 =	sld [smem:$0x3FC9]  }
0x91: {  	s18 =	sld [smem:$0x3FD0];
	(tm) =	ssettm $0x1  }
0x92: {  	s4 =	sld [smem:$0x3FFB];
	_ =	sdelay $0x3  }
0x93: {  	_ =	strace s4  }
0x94: {  	s4 =	sld [smem:$0x3FFC];
	_ =	sdelay $0x3  }
0x95: {  	_ =	strace s4  }
0x96: {  	s4 =	sld [smem:$0x3FFD];
	_ =	sdelay $0x3  }
0x97: {  	_ =	strace s4  }
0x98: {  	_ =	strace $0x8FFFFFFF  }
0x99: {  	s19 =	sld [smem:$0x3FDB];
	_ =	sdelay $0x1  }
0x9a: {  	s5 =	simm.s32 $_scs_section_size  }
0x9b: {  	s6 =	simm.s32 $_size__tile_overlayer_lowered;
	s7 =	simm.s32 $_tile_overlayer_lowered  }
0x9c: {  	s22 =	simm.s32 $0x1BFF;
	s21 =	sshll.u32 s7, $0x1;
	s4 =	sadd.s32 s5, s19  }
0x9d: {  	s8 =	simm.s32 $0x0;
	s20 =	sshll.u32 s6, $0x1;
	s6 =	sadd.s32 s21, s4  }
0x9e: {  	[timem:s8], [sflag:s22] =	dma.local [hbm:s6], s20  }
0x9f: {  	_ =	swait.ge [sflag:s22], s20  }
0xa0: {  	s5 =	ssub.s32 $0x0, s20;
	[sflag:s22] =	ssyncset.done $0x0  }
0xa1: {  	[sflag:s22] =	ssyncadd.s32 s5;
	_ =	sdelay $0x1  }
0xa2: {  	s23 =	simm.s32 $0x1B8B  }
0xa3: {  	_ =	swait.ge [sflag:s23], $0x1  }
0xa4: {  	[sflag:s23] =	ssyncset.done $0x0  }
0xa5: {  	s25 =	simm.s32 $0x1B8E;
	s24 =	sld [smem:$0x3FFE];
	[sflag:s23] =	ssyncadd.s32 $0xFFFFFFFF  }
0xa6: {  	s26 =	simm.s32 $execute0_lowered;
	[smem:$0x3FD2] =	sst s25  }
0xa7: {  	s6 =	sshll.u32 s26, $0x1;
	_ =	strace $0x80000046;
	[dreg:$0x1] =	wrdreg $0xFFFFFFFF  }
0xa8: {  	s28 =	simm.s32 $_size_execute0_lowered;
	s4 =	sadd.s32 s4, s6;
	[dreg:$0x0] =	wrdreg $0x0  }
0xa9: {  	s6 =	sshll.u32 s28, $0x1;
	[dreg:$0x2] =	wrdreg s4  }
0xaa: {  	[dreg:$0x3] =	wrdreg s6  }
0xab: {  	[dreg:$0x4] =	wrdreg $0xC0  }
0xac: {  	_ =	task [dreg:s8], $0x5FFFF  }
0xad: {  	[dreg:$0x1] =	wrdreg $0xFFFFFFFF  }
0xae: {  	[dreg:$0x0] =	wrdreg $0x60  }
0xaf: {  	[dreg:$0x2] =	wrdreg s2  }
0xb0: {  	[dreg:$0x3] =	wrdreg s24  }
0xb1: {  	[dreg:$0x4] =	wrdreg s18  }
0xb2: {  	[dreg:$0x5] =	wrdreg $0x9  }
0xb3: {  	_ =	task.clear_ibuf [dreg:s8], $0x6FFFF;
	_ =	strace $0x90000046  }
0xb4: {  	s29 =	simm.s32 $0x9;
	_ =	strace $0x80000048  }
0xb5: {  	_ =	swait.ge [sflag:s29], $0x1  }
0xb6: {  	[sflag:s29] =	ssyncadd.s32 $0xFFFFFFFF  }
0xb7: {  	_ =	strace $0x90000048  }
0xb8: {  	_ =	sfence  }
0xb9: {  	s30 =	sld [smem:$0x0];
	_ =	sdelay $0x2  }
0xba: {  	s31 =	sshll.u32 s1, $0xD;
	s1 =	sshrl.u32 s1, $0x2  }
0xbb: {  	s3 =	sand.u32 $0x4000, s31;
	s1 =	sadd.s32 s1, s30  }
0xbc: {  	s0 =	sor.u32 s3, s0;
	s1 =	sshll.u32 s1, $0x11  }
0xbd: {  	s0 =	sor.u32 s1, s0  }
0xbe: {  	s0 =	sadd.s32 $0x8F2B, s0  }
0xbf: {  	[sflag:s0] =	ssyncadd.remote.s32 $0x1  }
0xc0: {  	_ =	sfence.sel $0xFFFF  }
0xc1: {  	[dreg:$0x0] =	wrdreg $0xFFFFFFFF;
	(pc) =	sbr.abs _section_cstart, $3  }
0xc2: {  	[dreg:$0x1] =	wrdreg $0xFFFFFFFF  }
0xc3: {  	_ =	task.clear_ibuf [dreg:s8], $0x2FFFF;
	_ =	strace $0x9FFFFFFF  }
0xc4: {  	(tm) =	ssettm $0x7FFFFFFF  }
0xc5: {  	_ =	shalt  }
tec
execute0_lowered:
.L_overlay_start_1:
0x0: {  	(tag) =	ssettag $0x1  }
0x1: {  	s0 =	srdreg.scid  }
0x2: {  	s1 =	rddreg [dreg:$0x0];
	s3 =	stileid.u32;
	s0 =	sand.u32 $0x1, s0  }
0x3: {  	s2 =	rddreg [dreg:$0x1];
	s3 =	sshll.u32 s3, $0xA;
	s4 =	sshll.u32 s0, $0x9  }
0x4: {  	s5 =	rddreg [dreg:$0x2];
	s4 =	sor.u32 s4, s3  }
0x5: {  	s3 =	simm.s32 $0x0;
	s6 =	sshrl.u32 s4, $0x3;
	s4 =	sshll.u32 s4, $0x7  }
0x6: {  	[smem:$0x7FF] =	sst s3;
	s2 =	sadd.s32 s6, s2;
	s6 =	sadd.s32 s5, s4  }
0x7: {  	_ =	strace $0x80000047;
	s2 =	sadd.s32 $0x400, s2;
	[smem:$0x7FC] =	sst s6  }
0x8: {  	s19 =	sadd.s32 $0x800, s6;
	[dreg:$0x4] =	wrdreg s2  }
0x9: {  	s20 =	sadd.s32 $0x1000, s6;
	[dreg:$0x5] =	wrdreg s19  }
0xa: {  	s21 =	sadd.s32 $0x1800, s6;
	[dreg:$0x6] =	wrdreg s20  }
0xb: {  	s22 =	sadd.s32 $0x2000, s6;
	[dreg:$0x7] =	wrdreg s21  }
0xc: {  	s23 =	sadd.s32 $0x2800, s6;
	[dreg:$0x8] =	wrdreg s22  }
0xd: {  	s24 =	sadd.s32 $0x3000, s6;
	[dreg:$0x9] =	wrdreg s23  }
0xe: {  	s25 =	sadd.s32 $0x3800, s6;
	[dreg:$0xa] =	wrdreg s24  }
0xf: {  	s26 =	sadd.s32 $0x4000, s6;
	[dreg:$0xb] =	wrdreg s25  }
0x10: {  	s30 =	sadd.s32 $0x4800, s6;
	[dreg:$0xc] =	wrdreg s26  }
0x11: {  	s4 =	sadd.s32 $0x5000, s6;
	[dreg:$0xd] =	wrdreg s30  }
0x12: {  	s5 =	sadd.s32 $0x5800, s6;
	[dreg:$0xe] =	wrdreg s4  }
0x13: {  	s7 =	sadd.s32 $0x6000, s6;
	[dreg:$0xf] =	wrdreg s5  }
0x14: {  	s8 =	sadd.s32 $0x6800, s6;
	[dreg:$0x10] =	wrdreg s7  }
0x15: {  	s9 =	sadd.s32 $0x7000, s6;
	[dreg:$0x11] =	wrdreg s8  }
0x16: {  	s10 =	sadd.s32 $0x7800, s6;
	[dreg:$0x12] =	wrdreg s9  }
0x17: {  	s11 =	sadd.s32 $0x8000, s6;
	[dreg:$0x13] =	wrdreg s10  }
0x18: {  	s12 =	sadd.s32 $0x8800, s6;
	[dreg:$0x14] =	wrdreg s11  }
0x19: {  	s13 =	sadd.s32 $0x9000, s6;
	[dreg:$0x15] =	wrdreg s12  }
0x1a: {  	s14 =	sadd.s32 $0x9800, s6;
	[dreg:$0x16] =	wrdreg s13  }
0x1b: {  	s15 =	sadd.s32 $0xA000, s6;
	[dreg:$0x17] =	wrdreg s14  }
0x1c: {  	s16 =	sadd.s32 $0xA800, s6;
	[dreg:$0x18] =	wrdreg s15  }
0x1d: {  	s17 =	sadd.s32 $0xB000, s6;
	[dreg:$0x19] =	wrdreg s16  }
0x1e: {  	s18 =	sadd.s32 $0xB800, s6;
	[dreg:$0x1a] =	wrdreg s17  }
0x1f: {  	[dreg:$0x1b] =	wrdreg s18;
	s19 =	sadd.s32 $0xC000, s6  }
0x20: {  	s28 =	simm.s32 $0x4;
	s20 =	sadd.s32 $0xC800, s6;
	[dreg:$0x1c] =	wrdreg s19  }
0x21: {  	s29 =	simm.s32 $0x9;
	s21 =	sadd.s32 $0xD000, s6;
	[dreg:$0x1d] =	wrdreg s20  }
0x22: {  	s31 =	simm.s32 $0xA;
	s22 =	sadd.s32 $0xD800, s6;
	[dreg:$0x1e] =	wrdreg s21  }
0x23: {  	s0 =	ssub.s32 $0x2, s0;
	s23 =	sadd.s32 $0xE000, s6;
	[dreg:$0x1f] =	wrdreg s22  }
0x24: {  	s24 =	sshrl.u32 s0, $0x1;
	s25 =	sadd.s32 $0xE800, s6;
	[smem:$0x7F9] =	sst s23  }
0x25: {  	s26 =	sadd.s32 $0xF000, s6;
	s5 =	sadd.s32 $0x100, s1;
	[smem:$0x7FA] =	sst s25  }
0x26: {  	s30 =	sadd.s32 $0xF800, s6;
	s6 =	sadd.s32 $0x200, s1;
	[smem:$0x7FB] =	sst s26  }
0x27: {  	v2 =	vlaneseq.u32;
	s7 =	sadd.s32 $0x300, s1;
	s0 =	ssub.s32 s0, s24;
	[smem:$0x7FD] =	sst s30  }
0x28: {  	vm0 =	vmmov $0xffff;
	v1 =	vshrl.u32 v2, $0x3;
	s20 =	simm.s32 $0x1;
	s22 =	simm.s32 $0x2;
	s24 =	simm.s32 $0x3  }
0x29: {  	v0 =	vand.u32 $0x7, v2;
	v2 =	vor.u32 $0x8, v2;
	v1 =	vmul.u32 $0x8, v1;
	s25 =	simm.s32 $0x8;
	s2 =	smax.u32 s0, $0x1;
	s0 =	simm.s32 $0xB  }
.LBB2_1:
0x2a: {  	[smem:$0x7F8] =	sst s2  }
0x2b: {  	s14 =	rddreg [dreg:$0x4];
	s12 =	simm.s32 $0xF  }
0x2c: {  	[tilespmem:s3], [sflag:$0xF] =	stream.linear.gather [hbm4b:s14+s3], $0x200, $0x38;
	[tilespmem:$0x1C200] =	vst v63  }
0x2d: {  	_ =	swait.ge [sflag:s12], $0x200  }
0x2e: {  	[sflag:s12] =	ssyncset.done $0x0  }
0x2f: {  	[sflag:s12] =	ssyncadd.s32 $0xFFFFFE00  }
0x30: {  	v3 =	vld [tilespmem:$0x0];
	_ =	sdelay $0x4  }
0x31: {  	v4 =	vshll.u32 v3, $0x3  }
0x32: {  	v3 =	vand.u32 $0x7, v3;
	v4 =	vand.u32 $0xFFFFFFC0, v4  }
0x33: {  	v3 =	vor.u32 v3, v4  }
0x34: {  	v4 =	vperm.xlane v3, v0;
	_ =	sdelay $0x1  }
0x35: {  	v4 =	vadd.s32 v1, v4;
	_ =	sdelay $0x3  }
0x36: {  	s4 =	simm.s32 $0x200  }
0x37: {  	[tilespmem:s4], [sflag:$0x1] =	stream.indirect_vreg.gather [hbm4b:s1+s3], $0x80, v4, vm0, $0xb8;
	[tilespmem:$0x1C200] =	vst v63  }
0x38: {  	s13 =	simm.s32 $0xA00;
	v3 =	vperm.xlane v3, v2  }
0x39: {  	[tilespmem:s13], [sflag:$0x1] =	stream.indirect_vreg.gather [hbm4b:s5+s3], $0x80, v4, vm0, $0xb8;
	[tilespmem:$0x1C200] =	vst v63  }
0x3a: {  	s14 =	simm.s32 $0x1200;
	v3 =	vadd.s32 v1, v3  }
0x3b: {  	[tilespmem:s14], [sflag:$0x1] =	stream.indirect_vreg.gather [hbm4b:s6+s3], $0x80, v4, vm0, $0xb8;
	[tilespmem:$0x1C200] =	vst v63  }
0x3c: {  	s15 =	simm.s32 $0x1A00  }
0x3d: {  	[tilespmem:s15], [sflag:$0x1] =	stream.indirect_vreg.gather [hbm4b:s7+s3], $0x80, v4, vm0, $0xb8;
	[tilespmem:$0x1C200] =	vst v63  }
0x3e: {  	s16 =	simm.s32 $0x2200  }
0x3f: {  	[tilespmem:s16], [sflag:$0x1] =	stream.indirect_vreg.gather [hbm4b:s1+s3], $0x80, v3, vm0, $0xb8;
	[tilespmem:$0x1C200] =	vst v63  }
0x40: {  	s17 =	simm.s32 $0x2A00  }
0x41: {  	[tilespmem:s17], [sflag:$0x1] =	stream.indirect_vreg.gather [hbm4b:s5+s3], $0x80, v3, vm0, $0xb8;
	[tilespmem:$0x1C200] =	vst v63  }
0x42: {  	s18 =	simm.s32 $0x3200  }
0x43: {  	[tilespmem:s18], [sflag:$0x1] =	stream.indirect_vreg.gather [hbm4b:s6+s3], $0x80, v3, vm0, $0xb8;
	[tilespmem:$0x1C200] =	vst v63  }
0x44: {  	s19 =	simm.s32 $0x3A00  }
0x45: {  	[tilespmem:s19], [sflag:$0x1] =	stream.indirect_vreg.gather [hbm4b:s7+s3], $0x80, v3, vm0, $0xb8;
	[tilespmem:$0x1C200] =	vst v63  }
0x46: {  	v3 =	vld [tilespmem:$0x10];
	_ =	sdelay $0x4  }
0x47: {  	v33 =	vshll.u32 v3, $0x3  }
0x48: {  	v3 =	vand.u32 $0x7, v3;
	v4 =	vand.u32 $0xFFFFFFC0, v33  }
0x49: {  	v3 =	vor.u32 v3, v4  }
0x4a: {  	v4 =	vperm.xlane v3, v0;
	_ =	sdelay $0x1  }
0x4b: {  	v4 =	vadd.s32 v1, v4;
	_ =	sdelay $0x3  }
0x4c: {  	s21 =	simm.s32 $0x4200  }
0x4d: {  	[tilespmem:s21], [sflag:$0x2] =	stream.indirect_vreg.gather [hbm4b:s1+s3], $0x80, v4, vm0, $0xb8;
	[tilespmem:$0x1C200] =	vst v63  }
0x4e: {  	s23 =	simm.s32 $0x4A00;
	v3 =	vperm.xlane v3, v2  }
0x4f: {  	[tilespmem:s23], [sflag:$0x2] =	stream.indirect_vreg.gather [hbm4b:s5+s3], $0x80, v4, vm0, $0xb8;
	[tilespmem:$0x1C200] =	vst v63  }
0x50: {  	s26 =	simm.s32 $0x5200;
	v3 =	vadd.s32 v1, v3  }
0x51: {  	[tilespmem:s26], [sflag:$0x2] =	stream.indirect_vreg.gather [hbm4b:s6+s3], $0x80, v4, vm0, $0xb8;
	[tilespmem:$0x1C200] =	vst v63  }
0x52: {  	s30 =	simm.s32 $0x5A00  }
0x53: {  	[tilespmem:s30], [sflag:$0x2] =	stream.indirect_vreg.gather [hbm4b:s7+s3], $0x80, v4, vm0, $0xb8;
	[tilespmem:$0x1C200] =	vst v63  }
0x54: {  	s2 =	simm.s32 $0x6200  }
0x55: {  	[tilespmem:s2], [sflag:$0x2] =	stream.indirect_vreg.gather [hbm4b:s1+s3], $0x80, v3, vm0, $0xb8;
	[tilespmem:$0x1C200] =	vst v63  }
0x56: {  	s8 =	simm.s32 $0x6A00  }
0x57: {  	[tilespmem:s8], [sflag:$0x2] =	stream.indirect_vreg.gather [hbm4b:s5+s3], $0x80, v3, vm0, $0xb8;
	[tilespmem:$0x1C200] =	vst v63  }
0x58: {  	s10 =	simm.s32 $0x7200  }
0x59: {  	[tilespmem:s10], [sflag:$0x2] =	stream.indirect_vreg.gather [hbm4b:s6+s3], $0x80, v3, vm0, $0xb8;
	[tilespmem:$0x1C200] =	vst v63  }
0x5a: {  	s14 =	simm.s32 $0x7A00  }
0x5b: {  	[tilespmem:s14], [sflag:$0x2] =	stream.indirect_vreg.gather [hbm4b:s7+s3], $0x80, v3, vm0, $0xb8;
	[tilespmem:$0x1C200] =	vst v63  }
0x5c: {  	v3 =	vld [tilespmem:$0x20];
	_ =	sdelay $0x4  }
0x5d: {  	v34 =	vshll.u32 v3, $0x3  }
0x5e: {  	v3 =	vand.u32 $0x7, v3;
	v4 =	vand.u32 $0xFFFFFFC0, v34  }
0x5f: {  	v3 =	vor.u32 v3, v4  }
0x60: {  	v4 =	vperm.xlane v3, v0;
	_ =	sdelay $0x1  }
0x61: {  	v4 =	vadd.s32 v1, v4;
	_ =	sdelay $0x3  }
0x62: {  	s17 =	simm.s32 $0x8200  }
0x63: {  	[tilespmem:s17], [sflag:$0x3] =	stream.indirect_vreg.gather [hbm4b:s1+s3], $0x80, v4, vm0, $0xb8;
	[tilespmem:$0x1C200] =	vst v63  }
0x64: {  	s10 =	simm.s32 $0x8A00;
	v3 =	vperm.xlane v3, v2  }
0x65: {  	[tilespmem:s10], [sflag:$0x3] =	stream.indirect_vreg.gather [hbm4b:s5+s3], $0x80, v4, vm0, $0xb8;
	[tilespmem:$0x1C200] =	vst v63  }
0x66: {  	s21 =	simm.s32 $0x9200;
	v3 =	vadd.s32 v1, v3  }
0x67: {  	[tilespmem:s21], [sflag:$0x3] =	stream.indirect_vreg.gather [hbm4b:s6+s3], $0x80, v4, vm0, $0xb8;
	[tilespmem:$0x1C200] =	vst v63  }
0x68: {  	s2 =	simm.s32 $0x9A00  }
0x69: {  	[tilespmem:s2], [sflag:$0x3] =	stream.indirect_vreg.gather [hbm4b:s7+s3], $0x80, v4, vm0, $0xb8;
	[tilespmem:$0x1C200] =	vst v63  }
0x6a: {  	s4 =	simm.s32 $0xA200  }
0x6b: {  	[tilespmem:s4], [sflag:$0x3] =	stream.indirect_vreg.gather [hbm4b:s1+s3], $0x80, v3, vm0, $0xb8;
	[tilespmem:$0x1C200] =	vst v63  }
0x6c: {  	s8 =	simm.s32 $0xAA00  }
0x6d: {  	[tilespmem:s8], [sflag:$0x3] =	stream.indirect_vreg.gather [hbm4b:s5+s3], $0x80, v3, vm0, $0xb8;
	[tilespmem:$0x1C200] =	vst v63  }
0x6e: {  	s14 =	simm.s32 $0xB200  }
0x6f: {  	[tilespmem:s14], [sflag:$0x3] =	stream.indirect_vreg.gather [hbm4b:s6+s3], $0x80, v3, vm0, $0xb8;
	[tilespmem:$0x1C200] =	vst v63  }
0x70: {  	s17 =	simm.s32 $0xBA00  }
0x71: {  	[tilespmem:s17], [sflag:$0x3] =	stream.indirect_vreg.gather [hbm4b:s7+s3], $0x80, v3, vm0, $0xb8;
	[tilespmem:$0x1C200] =	vst v63  }
0x72: {  	v3 =	vld [tilespmem:$0x30];
	_ =	sdelay $0x4  }
0x73: {  	v35 =	vshll.u32 v3, $0x3  }
0x74: {  	v3 =	vand.u32 $0x7, v3;
	v4 =	vand.u32 $0xFFFFFFC0, v35  }
0x75: {  	v3 =	vor.u32 v3, v4  }
0x76: {  	v4 =	vperm.xlane v3, v0;
	_ =	sdelay $0x1  }
0x77: {  	v4 =	vadd.s32 v1, v4;
	_ =	sdelay $0x3  }
0x78: {  	s21 =	simm.s32 $0xC200  }
0x79: {  	[tilespmem:s21], [sflag:$0x4] =	stream.indirect_vreg.gather [hbm4b:s1+s3], $0x80, v4, vm0, $0xb8;
	[tilespmem:$0x1C200] =	vst v63  }
0x7a: {  	s2 =	simm.s32 $0xCA00;
	v3 =	vperm.xlane v3, v2  }
0x7b: {  	[tilespmem:s2], [sflag:$0x4] =	stream.indirect_vreg.gather [hbm4b:s5+s3], $0x80, v4, vm0, $0xb8;
	[tilespmem:$0x1C200] =	vst v63  }
0x7c: {  	s4 =	simm.s32 $0xD200;
	v3 =	vadd.s32 v1, v3  }
0x7d: {  	[tilespmem:s4], [sflag:$0x4] =	stream.indirect_vreg.gather [hbm4b:s6+s3], $0x80, v4, vm0, $0xb8;
	[tilespmem:$0x1C200] =	vst v63  }
0x7e: {  	s8 =	simm.s32 $0xDA00  }
0x7f: {  	[tilespmem:s8], [sflag:$0x4] =	stream.indirect_vreg.gather [hbm4b:s7+s3], $0x80, v4, vm0, $0xb8;
	[tilespmem:$0x1C200] =	vst v63  }
0x80: {  	s10 =	simm.s32 $0xE200  }
0x81: {  	[tilespmem:s10], [sflag:$0x4] =	stream.indirect_vreg.gather [hbm4b:s1+s3], $0x80, v3, vm0, $0xb8;
	[tilespmem:$0x1C200] =	vst v63  }
0x82: {  	s17 =	simm.s32 $0xEA00  }
0x83: {  	[tilespmem:s17], [sflag:$0x4] =	stream.indirect_vreg.gather [hbm4b:s5+s3], $0x80, v3, vm0, $0xb8;
	[tilespmem:$0x1C200] =	vst v63  }
0x84: {  	s21 =	simm.s32 $0xF200  }
0x85: {  	[tilespmem:s21], [sflag:$0x4] =	stream.indirect_vreg.gather [hbm4b:s6+s3], $0x80, v3, vm0, $0xb8;
	[tilespmem:$0x1C200] =	vst v63  }
0x86: {  	s2 =	simm.s32 $0xFA00  }
0x87: {  	[tilespmem:s2], [sflag:$0x4] =	stream.indirect_vreg.gather [hbm4b:s7+s3], $0x80, v3, vm0, $0xb8;
	[tilespmem:$0x1C200] =	vst v63  }
0x88: {  	v3 =	vld [tilespmem:$0x40];
	_ =	sdelay $0x4  }
0x89: {  	v36 =	vshll.u32 v3, $0x3  }
0x8a: {  	v3 =	vand.u32 $0x7, v3;
	v4 =	vand.u32 $0xFFFFFFC0, v36  }
0x8b: {  	v3 =	vor.u32 v3, v4  }
0x8c: {  	v4 =	vperm.xlane v3, v0;
	_ =	sdelay $0x1  }
0x8d: {  	v4 =	vadd.s32 v1, v4;
	_ =	sdelay $0x3  }
0x8e: {  	s4 =	simm.s32 $0x10200  }
0x8f: {  	[tilespmem:s4], [sflag:$0x5] =	stream.indirect_vreg.gather [hbm4b:s1+s3], $0x80, v4, vm0, $0xb8;
	[tilespmem:$0x1C200] =	vst v63  }
0x90: {  	s8 =	simm.s32 $0x10A00;
	v3 =	vperm.xlane v3, v2  }
0x91: {  	[tilespmem:s8], [sflag:$0x5] =	stream.indirect_vreg.gather [hbm4b:s5+s3], $0x80, v4, vm0, $0xb8;
	[tilespmem:$0x1C200] =	vst v63  }
0x92: {  	s10 =	simm.s32 $0x11200;
	v3 =	vadd.s32 v1, v3  }
0x93: {  	[tilespmem:s10], [sflag:$0x5] =	stream.indirect_vreg.gather [hbm4b:s6+s3], $0x80, v4, vm0, $0xb8;
	[tilespmem:$0x1C200] =	vst v63  }
0x94: {  	s14 =	simm.s32 $0x11A00  }
0x95: {  	[tilespmem:s14], [sflag:$0x5] =	stream.indirect_vreg.gather [hbm4b:s7+s3], $0x80, v4, vm0, $0xb8;
	[tilespmem:$0x1C200] =	vst v63  }
0x96: {  	s17 =	simm.s32 $0x12200  }
0x97: {  	[tilespmem:s17], [sflag:$0x5] =	stream.indirect_vreg.gather [hbm4b:s1+s3], $0x80, v3, vm0, $0xb8;
	[tilespmem:$0x1C200] =	vst v63  }
0x98: {  	s21 =	simm.s32 $0x12A00  }
0x99: {  	[tilespmem:s21], [sflag:$0x5] =	stream.indirect_vreg.gather [hbm4b:s5+s3], $0x80, v3, vm0, $0xb8;
	[tilespmem:$0x1C200] =	vst v63  }
0x9a: {  	s4 =	simm.s32 $0x13200  }
0x9b: {  	[tilespmem:s4], [sflag:$0x5] =	stream.indirect_vreg.gather [hbm4b:s6+s3], $0x80, v3, vm0, $0xb8;
	[tilespmem:$0x1C200] =	vst v63  }
0x9c: {  	s8 =	simm.s32 $0x13A00  }
0x9d: {  	[tilespmem:s8], [sflag:$0x5] =	stream.indirect_vreg.gather [hbm4b:s7+s3], $0x80, v3, vm0, $0xb8;
	[tilespmem:$0x1C200] =	vst v63  }
0x9e: {  	_ =	swait.ge [sflag:s20], $0x4000  }
0x9f: {  	s10 =	sld [smem:$0x7FC]  }
0xa0: {  	[sflag:s20] =	ssyncset.done $0x0  }
0xa1: {  	s21 =	simm.s32 $0x200;
	[sflag:s20] =	ssyncadd.s32 $0xFFFFC000  }
0xa2: {  	[hbm4b:s10+s3] =	stream.linear.scatter [tilespmem:s21], [sflag:$0x8], $0x4000, $0x38;
	[tilespmem:$0x1C200] =	vst v63  }
0xa3: {  	v3 =	vld [tilespmem:$0x50];
	_ =	sdelay $0x4  }
0xa4: {  	v37 =	vshll.u32 v3, $0x3  }
0xa5: {  	v3 =	vand.u32 $0x7, v3;
	v4 =	vand.u32 $0xFFFFFFC0, v37  }
0xa6: {  	v3 =	vor.u32 v3, v4  }
0xa7: {  	v4 =	vperm.xlane v3, v0;
	_ =	sdelay $0x1  }
0xa8: {  	v4 =	vadd.s32 v1, v4;
	_ =	sdelay $0x3  }
0xa9: {  	s14 =	simm.s32 $0x14200  }
0xaa: {  	[tilespmem:s14], [sflag:$0x6] =	stream.indirect_vreg.gather [hbm4b:s1+s3], $0x80, v4, vm0, $0xb8;
	[tilespmem:$0x1C200] =	vst v63  }
0xab: {  	s17 =	simm.s32 $0x14A00;
	v3 =	vperm.xlane v3, v2  }
0xac: {  	[tilespmem:s17], [sflag:$0x6] =	stream.indirect_vreg.gather [hbm4b:s5+s3], $0x80, v4, vm0, $0xb8;
	[tilespmem:$0x1C200] =	vst v63  }
0xad: {  	s4 =	simm.s32 $0x15200;
	v3 =	vadd.s32 v1, v3  }
0xae: {  	[tilespmem:s4], [sflag:$0x6] =	stream.indirect_vreg.gather [hbm4b:s6+s3], $0x80, v4, vm0, $0xb8;
	[tilespmem:$0x1C200] =	vst v63  }
0xaf: {  	s8 =	simm.s32 $0x15A00  }
0xb0: {  	[tilespmem:s8], [sflag:$0x6] =	stream.indirect_vreg.gather [hbm4b:s7+s3], $0x80, v4, vm0, $0xb8;
	[tilespmem:$0x1C200] =	vst v63  }
0xb1: {  	s10 =	simm.s32 $0x16200  }
0xb2: {  	[tilespmem:s10], [sflag:$0x6] =	stream.indirect_vreg.gather [hbm4b:s1+s3], $0x80, v3, vm0, $0xb8;
	[tilespmem:$0x1C200] =	vst v63  }
0xb3: {  	s14 =	simm.s32 $0x16A00  }
0xb4: {  	[tilespmem:s14], [sflag:$0x6] =	stream.indirect_vreg.gather [hbm4b:s5+s3], $0x80, v3, vm0, $0xb8;
	[tilespmem:$0x1C200] =	vst v63  }
0xb5: {  	s17 =	simm.s32 $0x17200  }
0xb6: {  	[tilespmem:s17], [sflag:$0x6] =	stream.indirect_vreg.gather [hbm4b:s6+s3], $0x80, v3, vm0, $0xb8;
	[tilespmem:$0x1C200] =	vst v63  }
0xb7: {  	s4 =	simm.s32 $0x17A00  }
0xb8: {  	[tilespmem:s4], [sflag:$0x6] =	stream.indirect_vreg.gather [hbm4b:s7+s3], $0x80, v3, vm0, $0xb8;
	[tilespmem:$0x1C200] =	vst v63  }
0xb9: {  	_ =	swait.ge [sflag:s22], $0x4000  }
0xba: {  	[sflag:s22] =	ssyncset.done $0x0  }
0xbb: {  	s2 =	simm.s32 $0x4200;
	s8 =	rddreg [dreg:$0x5];
	[sflag:s22] =	ssyncadd.s32 $0xFFFFC000  }
0xbc: {  	[hbm4b:s8+s3] =	stream.linear.scatter [tilespmem:s2], [sflag:$0x9], $0x4000, $0x38;
	[tilespmem:$0x1C200] =	vst v63  }
0xbd: {  	v3 =	vld [tilespmem:$0x60];
	_ =	sdelay $0x4  }
0xbe: {  	v38 =	vshll.u32 v3, $0x3  }
0xbf: {  	v3 =	vand.u32 $0x7, v3;
	v4 =	vand.u32 $0xFFFFFFC0, v38  }
0xc0: {  	v3 =	vor.u32 v3, v4  }
0xc1: {  	v4 =	vperm.xlane v3, v0;
	_ =	sdelay $0x1  }
0xc2: {  	v4 =	vadd.s32 v1, v4;
	_ =	sdelay $0x3  }
0xc3: {  	s10 =	simm.s32 $0x18200  }
0xc4: {  	[tilespmem:s10], [sflag:$0x7] =	stream.indirect_vreg.gather [hbm4b:s1+s3], $0x80, v4, vm0, $0xb8;
	[tilespmem:$0x1C200] =	vst v63  }
0xc5: {  	s14 =	simm.s32 $0x18A00;
	v3 =	vperm.xlane v3, v2  }
0xc6: {  	[tilespmem:s14], [sflag:$0x7] =	stream.indirect_vreg.gather [hbm4b:s5+s3], $0x80, v4, vm0, $0xb8;
	[tilespmem:$0x1C200] =	vst v63  }
0xc7: {  	s17 =	simm.s32 $0x19200;
	v3 =	vadd.s32 v1, v3  }
0xc8: {  	[tilespmem:s17], [sflag:$0x7] =	stream.indirect_vreg.gather [hbm4b:s6+s3], $0x80, v4, vm0, $0xb8;
	[tilespmem:$0x1C200] =	vst v63  }
0xc9: {  	s8 =	simm.s32 $0x19A00  }
0xca: {  	[tilespmem:s8], [sflag:$0x7] =	stream.indirect_vreg.gather [hbm4b:s7+s3], $0x80, v4, vm0, $0xb8;
	[tilespmem:$0x1C200] =	vst v63  }
0xcb: {  	s10 =	simm.s32 $0x1A200  }
0xcc: {  	[tilespmem:s10], [sflag:$0x7] =	stream.indirect_vreg.gather [hbm4b:s1+s3], $0x80, v3, vm0, $0xb8;
	[tilespmem:$0x1C200] =	vst v63  }
0xcd: {  	s14 =	simm.s32 $0x1AA00  }
0xce: {  	[tilespmem:s14], [sflag:$0x7] =	stream.indirect_vreg.gather [hbm4b:s5+s3], $0x80, v3, vm0, $0xb8;
	[tilespmem:$0x1C200] =	vst v63  }
0xcf: {  	s17 =	simm.s32 $0x1B200  }
0xd0: {  	[tilespmem:s17], [sflag:$0x7] =	stream.indirect_vreg.gather [hbm4b:s6+s3], $0x80, v3, vm0, $0xb8;
	[tilespmem:$0x1C200] =	vst v63  }
0xd1: {  	s8 =	simm.s32 $0x1BA00  }
0xd2: {  	[tilespmem:s8], [sflag:$0x7] =	stream.indirect_vreg.gather [hbm4b:s7+s3], $0x80, v3, vm0, $0xb8;
	[tilespmem:$0x1C200] =	vst v63  }
0xd3: {  	_ =	swait.ge [sflag:s24], $0x4000  }
0xd4: {  	[sflag:s24] =	ssyncset.done $0x0  }
0xd5: {  	s8 =	simm.s32 $0x8200;
	s10 =	rddreg [dreg:$0x6];
	[sflag:s24] =	ssyncadd.s32 $0xFFFFC000  }
0xd6: {  	[hbm4b:s10+s3] =	stream.linear.scatter [tilespmem:s8], [sflag:$0xA], $0x4000, $0x38;
	[tilespmem:$0x1C200] =	vst v63  }
0xd7: {  	_ =	swait.ge [sflag:s25], $0x4000  }
0xd8: {  	[sflag:s25] =	ssyncset.done $0x0  }
0xd9: {  	[sflag:s25] =	ssyncadd.s32 $0xFFFFC000  }
0xda: {  	v3 =	vld [tilespmem:$0x70];
	_ =	sdelay $0x4  }
0xdb: {  	v39 =	vshll.u32 v3, $0x3  }
0xdc: {  	v3 =	vand.u32 $0x7, v3;
	v4 =	vand.u32 $0xFFFFFFC0, v39  }
0xdd: {  	v3 =	vor.u32 v3, v4  }
0xde: {  	v4 =	vperm.xlane v3, v0;
	_ =	sdelay $0x1  }
0xdf: {  	v4 =	vadd.s32 v1, v4;
	_ =	sdelay $0x4  }
0xe0: {  	[tilespmem:s21], [sflag:$0x1] =	stream.indirect_vreg.gather [hbm4b:s1+s3], $0x80, v4, vm0, $0xb8;
	[tilespmem:$0x1C200] =	vst v63  }
0xe1: {  	s13 =	simm.s32 $0xA00;
	v3 =	vperm.xlane v3, v2  }
0xe2: {  	[tilespmem:s13], [sflag:$0x1] =	stream.indirect_vreg.gather [hbm4b:s5+s3], $0x80, v4, vm0, $0xb8;
	[tilespmem:$0x1C200] =	vst v63  }
0xe3: {  	s11 =	simm.s32 $0x1200;
	v3 =	vadd.s32 v1, v3  }
0xe4: {  	[tilespmem:s11], [sflag:$0x1] =	stream.indirect_vreg.gather [hbm4b:s6+s3], $0x80, v4, vm0, $0xb8;
	[tilespmem:$0x1C200] =	vst v63  }
0xe5: {  	s15 =	simm.s32 $0x1A00  }
0xe6: {  	[tilespmem:s15], [sflag:$0x1] =	stream.indirect_vreg.gather [hbm4b:s7+s3], $0x80, v4, vm0, $0xb8;
	[tilespmem:$0x1C200] =	vst v63  }
0xe7: {  	s9 =	simm.s32 $0x2200  }
0xe8: {  	[tilespmem:s9], [sflag:$0x1] =	stream.indirect_vreg.gather [hbm4b:s1+s3], $0x80, v3, vm0, $0xb8;
	[tilespmem:$0x1C200] =	vst v63  }
0xe9: {  	s17 =	simm.s32 $0x2A00  }
0xea: {  	[tilespmem:s17], [sflag:$0x1] =	stream.indirect_vreg.gather [hbm4b:s5+s3], $0x80, v3, vm0, $0xb8;
	[tilespmem:$0x1C200] =	vst v63  }
0xeb: {  	s12 =	simm.s32 $0x3200  }
0xec: {  	[tilespmem:s12], [sflag:$0x1] =	stream.indirect_vreg.gather [hbm4b:s6+s3], $0x80, v3, vm0, $0xb8;
	[tilespmem:$0x1C200] =	vst v63  }
0xed: {  	s4 =	simm.s32 $0x3A00  }
0xee: {  	[tilespmem:s4], [sflag:$0x1] =	stream.indirect_vreg.gather [hbm4b:s7+s3], $0x80, v3, vm0, $0xb8;
	[tilespmem:$0x1C200] =	vst v63  }
0xef: {  	_ =	swait.ge [sflag:s28], $0x4000  }
0xf0: {  	[sflag:s28] =	ssyncset.done $0x0  }
0xf1: {  	s11 =	simm.s32 $0xC200;
	s13 =	rddreg [dreg:$0x7];
	[sflag:s28] =	ssyncadd.s32 $0xFFFFC000  }
0xf2: {  	[hbm4b:s13+s3] =	stream.linear.scatter [tilespmem:s11], [sflag:$0xB], $0x4000, $0x38;
	[tilespmem:$0x1C200] =	vst v63  }
0xf3: {  	_ =	swait.ge [sflag:s29], $0x4000  }
0xf4: {  	[sflag:s29] =	ssyncset.done $0x0  }
0xf5: {  	[sflag:s29] =	ssyncadd.s32 $0xFFFFC000  }
0xf6: {  	v3 =	vld [tilespmem:$0x80];
	_ =	sdelay $0x4  }
0xf7: {  	v40 =	vshll.u32 v3, $0x3  }
0xf8: {  	v3 =	vand.u32 $0x7, v3;
	v4 =	vand.u32 $0xFFFFFFC0, v40  }
0xf9: {  	v3 =	vor.u32 v3, v4  }
0xfa: {  	v4 =	vperm.xlane v3, v0;
	_ =	sdelay $0x1  }
0xfb: {  	v4 =	vadd.s32 v1, v4;
	_ =	sdelay $0x4  }
0xfc: {  	[tilespmem:s2], [sflag:$0x2] =	stream.indirect_vreg.gather [hbm4b:s1+s3], $0x80, v4, vm0, $0xb8;
	[tilespmem:$0x1C200] =	vst v63  }
0xfd: {  	s14 =	simm.s32 $0x4A00;
	v3 =	vperm.xlane v3, v2  }
0xfe: {  	[tilespmem:s14], [sflag:$0x2] =	stream.indirect_vreg.gather [hbm4b:s5+s3], $0x80, v4, vm0, $0xb8;
	[tilespmem:$0x1C200] =	vst v63  }
0xff: {  	s16 =	simm.s32 $0x5200;
	v3 =	vadd.s32 v1, v3  }
0x100: {  	[tilespmem:s16], [sflag:$0x2] =	stream.indirect_vreg.gather [hbm4b:s6+s3], $0x80, v4, vm0, $0xb8;
	[tilespmem:$0x1C200] =	vst v63  }
0x101: {  	s23 =	simm.s32 $0x5A00  }
0x102: {  	[tilespmem:s23], [sflag:$0x2] =	stream.indirect_vreg.gather [hbm4b:s7+s3], $0x80, v4, vm0, $0xb8;
	[tilespmem:$0x1C200] =	vst v63  }
0x103: {  	s18 =	simm.s32 $0x6200  }
0x104: {  	[tilespmem:s18], [sflag:$0x2] =	stream.indirect_vreg.gather [hbm4b:s1+s3], $0x80, v3, vm0, $0xb8;
	[tilespmem:$0x1C200] =	vst v63  }
0x105: {  	s19 =	simm.s32 $0x6A00  }
0x106: {  	[tilespmem:s19], [sflag:$0x2] =	stream.indirect_vreg.gather [hbm4b:s5+s3], $0x80, v3, vm0, $0xb8;
	[tilespmem:$0x1C200] =	vst v63  }
0x107: {  	s23 =	simm.s32 $0x7200  }
0x108: {  	[tilespmem:s23], [sflag:$0x2] =	stream.indirect_vreg.gather [hbm4b:s6+s3], $0x80, v3, vm0, $0xb8;
	[tilespmem:$0x1C200] =	vst v63  }
0x109: {  	s30 =	simm.s32 $0x7A00;
	s2 =	simm.s32 $0x5  }
0x10a: {  	[tilespmem:s30], [sflag:$0x2] =	stream.indirect_vreg.gather [hbm4b:s7+s3], $0x80, v3, vm0, $0xb8;
	[tilespmem:$0x1C200] =	vst v63  }
0x10b: {  	_ =	swait.ge [sflag:s2], $0x4000  }
0x10c: {  	[sflag:s2] =	ssyncset.done $0x0  }
0x10d: {  	s13 =	simm.s32 $0x10200;
	s18 =	rddreg [dreg:$0x8];
	[sflag:s2] =	ssyncadd.s32 $0xFFFFC000  }
0x10e: {  	[hbm4b:s18+s3] =	stream.linear.scatter [tilespmem:s13], [sflag:$0xC], $0x4000, $0x38;
	[tilespmem:$0x1C200] =	vst v63  }
0x10f: {  	_ =	swait.ge [sflag:s31], $0x4000  }
0x110: {  	[sflag:s31] =	ssyncset.done $0x0  }
0x111: {  	[sflag:s31] =	ssyncadd.s32 $0xFFFFC000  }
0x112: {  	v3 =	vld [tilespmem:$0x90];
	_ =	sdelay $0x4  }
0x113: {  	v41 =	vshll.u32 v3, $0x3  }
0x114: {  	v3 =	vand.u32 $0x7, v3;
	v4 =	vand.u32 $0xFFFFFFC0, v41  }
0x115: {  	v3 =	vor.u32 v3, v4  }
0x116: {  	v4 =	vperm.xlane v3, v0;
	_ =	sdelay $0x1  }
0x117: {  	v4 =	vadd.s32 v1, v4;
	_ =	sdelay $0x4  }
0x118: {  	[tilespmem:s8], [sflag:$0x3] =	stream.indirect_vreg.gather [hbm4b:s1+s3], $0x80, v4, vm0, $0xb8;
	[tilespmem:$0x1C200] =	vst v63  }
0x119: {  	s26 =	simm.s32 $0x8A00;
	v3 =	vperm.xlane v3, v2  }
0x11a: {  	[tilespmem:s26], [sflag:$0x3] =	stream.indirect_vreg.gather [hbm4b:s5+s3], $0x80, v4, vm0, $0xb8;
	[tilespmem:$0x1C200] =	vst v63  }
0x11b: {  	s10 =	simm.s32 $0x9200;
	v3 =	vadd.s32 v1, v3  }
0x11c: {  	[tilespmem:s10], [sflag:$0x3] =	stream.indirect_vreg.gather [hbm4b:s6+s3], $0x80, v4, vm0, $0xb8;
	[tilespmem:$0x1C200] =	vst v63  }
0x11d: {  	s18 =	simm.s32 $0x9A00  }
0x11e: {  	[tilespmem:s18], [sflag:$0x3] =	stream.indirect_vreg.gather [hbm4b:s7+s3], $0x80, v4, vm0, $0xb8;
	[tilespmem:$0x1C200] =	vst v63  }
0x11f: {  	s26 =	simm.s32 $0xA200  }
0x120: {  	[tilespmem:s26], [sflag:$0x3] =	stream.indirect_vreg.gather [hbm4b:s1+s3], $0x80, v3, vm0, $0xb8;
	[tilespmem:$0x1C200] =	vst v63  }
0x121: {  	s19 =	simm.s32 $0xAA00  }
0x122: {  	[tilespmem:s19], [sflag:$0x3] =	stream.indirect_vreg.gather [hbm4b:s5+s3], $0x80, v3, vm0, $0xb8;
	[tilespmem:$0x1C200] =	vst v63  }
0x123: {  	s30 =	simm.s32 $0xB200  }
0x124: {  	[tilespmem:s30], [sflag:$0x3] =	stream.indirect_vreg.gather [hbm4b:s6+s3], $0x80, v3, vm0, $0xb8;
	[tilespmem:$0x1C200] =	vst v63  }
0x125: {  	s9 =	simm.s32 $0xBA00  }
0x126: {  	[tilespmem:s9], [sflag:$0x3] =	stream.indirect_vreg.gather [hbm4b:s7+s3], $0x80, v3, vm0, $0xb8;
	[tilespmem:$0x1C200] =	vst v63  }
0x127: {  	s9 =	simm.s32 $0x6  }
0x128: {  	_ =	swait.ge [sflag:s9], $0x4000  }
0x129: {  	[sflag:s9] =	ssyncset.done $0x0  }
0x12a: {  	s8 =	simm.s32 $0x14200;
	s12 =	rddreg [dreg:$0x9];
	[sflag:s9] =	ssyncadd.s32 $0xFFFFC000  }
0x12b: {  	[hbm4b:s12+s3] =	stream.linear.scatter [tilespmem:s8], [sflag:$0xD], $0x4000, $0x38;
	[tilespmem:$0x1C200] =	vst v63  }
0x12c: {  	_ =	swait.ge [sflag:s0], $0x4000  }
0x12d: {  	[sflag:s0] =	ssyncset.done $0x0  }
0x12e: {  	[sflag:s0] =	ssyncadd.s32 $0xFFFFC000  }
0x12f: {  	v3 =	vld [tilespmem:$0xA0];
	_ =	sdelay $0x4  }
0x130: {  	v42 =	vshll.u32 v3, $0x3  }
0x131: {  	v3 =	vand.u32 $0x7, v3;
	v4 =	vand.u32 $0xFFFFFFC0, v42  }
0x132: {  	v3 =	vor.u32 v3, v4  }
0x133: {  	v4 =	vperm.xlane v3, v0;
	_ =	sdelay $0x1  }
0x134: {  	v4 =	vadd.s32 v1, v4;
	_ =	sdelay $0x4  }
0x135: {  	[tilespmem:s11], [sflag:$0x4] =	stream.indirect_vreg.gather [hbm4b:s1+s3], $0x80, v4, vm0, $0xb8;
	[tilespmem:$0x1C200] =	vst v63  }
0x136: {  	s14 =	simm.s32 $0xCA00;
	v3 =	vperm.xlane v3, v2  }
0x137: {  	[tilespmem:s14], [sflag:$0x4] =	stream.indirect_vreg.gather [hbm4b:s5+s3], $0x80, v4, vm0, $0xb8;
	[tilespmem:$0x1C200] =	vst v63  }
0x138: {  	s19 =	simm.s32 $0xD200;
	v3 =	vadd.s32 v1, v3  }
0x139: {  	[tilespmem:s19], [sflag:$0x4] =	stream.indirect_vreg.gather [hbm4b:s6+s3], $0x80, v4, vm0, $0xb8;
	[tilespmem:$0x1C200] =	vst v63  }
0x13a: {  	s30 =	simm.s32 $0xDA00  }
0x13b: {  	[tilespmem:s30], [sflag:$0x4] =	stream.indirect_vreg.gather [hbm4b:s7+s3], $0x80, v4, vm0, $0xb8;
	[tilespmem:$0x1C200] =	vst v63  }
0x13c: {  	s12 =	simm.s32 $0xE200  }
0x13d: {  	[tilespmem:s12], [sflag:$0x4] =	stream.indirect_vreg.gather [hbm4b:s1+s3], $0x80, v3, vm0, $0xb8;
	[tilespmem:$0x1C200] =	vst v63  }
0x13e: {  	s14 =	simm.s32 $0xEA00  }
0x13f: {  	[tilespmem:s14], [sflag:$0x4] =	stream.indirect_vreg.gather [hbm4b:s5+s3], $0x80, v3, vm0, $0xb8;
	[tilespmem:$0x1C200] =	vst v63  }
0x140: {  	s19 =	simm.s32 $0xF200  }
0x141: {  	[tilespmem:s19], [sflag:$0x4] =	stream.indirect_vreg.gather [hbm4b:s6+s3], $0x80, v3, vm0, $0xb8;
	[tilespmem:$0x1C200] =	vst v63  }
0x142: {  	s11 =	simm.s32 $0x7;
	s30 =	simm.s32 $0xFA00  }
0x143: {  	[tilespmem:s30], [sflag:$0x4] =	stream.indirect_vreg.gather [hbm4b:s7+s3], $0x80, v3, vm0, $0xb8;
	[tilespmem:$0x1C200] =	vst v63  }
0x144: {  	_ =	swait.ge [sflag:s11], $0x4000  }
0x145: {  	[sflag:s11] =	ssyncset.done $0x0  }
0x146: {  	s30 =	simm.s32 $0x18200;
	s12 =	rddreg [dreg:$0xa];
	[sflag:s11] =	ssyncadd.s32 $0xFFFFC000  }
0x147: {  	[hbm4b:s12+s3] =	stream.linear.scatter [tilespmem:s30], [sflag:$0xE], $0x4000, $0x38;
	[tilespmem:$0x1C200] =	vst v63  }
0x148: {  	s12 =	simm.s32 $0xC  }
0x149: {  	_ =	swait.ge [sflag:s12], $0x4000  }
0x14a: {  	[sflag:s12] =	ssyncset.done $0x0  }
0x14b: {  	[sflag:s12] =	ssyncadd.s32 $0xFFFFC000  }
0x14c: {  	v3 =	vld [tilespmem:$0xB0];
	_ =	sdelay $0x4  }
0x14d: {  	v43 =	vshll.u32 v3, $0x3  }
0x14e: {  	v3 =	vand.u32 $0x7, v3;
	v4 =	vand.u32 $0xFFFFFFC0, v43  }
0x14f: {  	v3 =	vor.u32 v3, v4  }
0x150: {  	v4 =	vperm.xlane v3, v0;
	_ =	sdelay $0x1  }
0x151: {  	v4 =	vadd.s32 v1, v4;
	_ =	sdelay $0x4  }
0x152: {  	[tilespmem:s13], [sflag:$0x5] =	stream.indirect_vreg.gather [hbm4b:s1+s3], $0x80, v4, vm0, $0xb8;
	[tilespmem:$0x1C200] =	vst v63  }
0x153: {  	s19 =	simm.s32 $0x10A00;
	v3 =	vperm.xlane v3, v2  }
0x154: {  	[tilespmem:s19], [sflag:$0x5] =	stream.indirect_vreg.gather [hbm4b:s5+s3], $0x80, v4, vm0, $0xb8;
	[tilespmem:$0x1C200] =	vst v63  }
0x155: {  	s14 =	simm.s32 $0x11200;
	v3 =	vadd.s32 v1, v3  }
0x156: {  	[tilespmem:s14], [sflag:$0x5] =	stream.indirect_vreg.gather [hbm4b:s6+s3], $0x80, v4, vm0, $0xb8;
	[tilespmem:$0x1C200] =	vst v63  }
0x157: {  	s19 =	simm.s32 $0x11A00  }
0x158: {  	[tilespmem:s19], [sflag:$0x5] =	stream.indirect_vreg.gather [hbm4b:s7+s3], $0x80, v4, vm0, $0xb8;
	[tilespmem:$0x1C200] =	vst v63  }
0x159: {  	s14 =	simm.s32 $0x12200  }
0x15a: {  	[tilespmem:s14], [sflag:$0x5] =	stream.indirect_vreg.gather [hbm4b:s1+s3], $0x80, v3, vm0, $0xb8;
	[tilespmem:$0x1C200] =	vst v63  }
0x15b: {  	s19 =	simm.s32 $0x12A00  }
0x15c: {  	[tilespmem:s19], [sflag:$0x5] =	stream.indirect_vreg.gather [hbm4b:s5+s3], $0x80, v3, vm0, $0xb8;
	[tilespmem:$0x1C200] =	vst v63  }
0x15d: {  	s14 =	simm.s32 $0x13200  }
0x15e: {  	[tilespmem:s14], [sflag:$0x5] =	stream.indirect_vreg.gather [hbm4b:s6+s3], $0x80, v3, vm0, $0xb8;
	[tilespmem:$0x1C200] =	vst v63  }
0x15f: {  	s19 =	simm.s32 $0x13A00  }
0x160: {  	[tilespmem:s19], [sflag:$0x5] =	stream.indirect_vreg.gather [hbm4b:s7+s3], $0x80, v3, vm0, $0xb8;
	[tilespmem:$0x1C200] =	vst v63  }
0x161: {  	_ =	swait.ge [sflag:s20], $0x4000  }
0x162: {  	[sflag:s20] =	ssyncset.done $0x0  }
0x163: {  	s21 =	simm.s32 $0x200;
	s13 =	rddreg [dreg:$0xb];
	[sflag:s20] =	ssyncadd.s32 $0xFFFFC000  }
0x164: {  	[hbm4b:s13+s3] =	stream.linear.scatter [tilespmem:s21], [sflag:$0x8], $0x4000, $0x38;
	[tilespmem:$0x1C200] =	vst v63  }
0x165: {  	s13 =	simm.s32 $0xD  }
0x166: {  	_ =	swait.ge [sflag:s13], $0x4000  }
0x167: {  	[sflag:s13] =	ssyncset.done $0x0  }
0x168: {  	[sflag:s13] =	ssyncadd.s32 $0xFFFFC000  }
0x169: {  	v3 =	vld [tilespmem:$0xC0];
	_ =	sdelay $0x4  }
0x16a: {  	v44 =	vshll.u32 v3, $0x3  }
0x16b: {  	v3 =	vand.u32 $0x7, v3;
	v4 =	vand.u32 $0xFFFFFFC0, v44  }
0x16c: {  	v3 =	vor.u32 v3, v4  }
0x16d: {  	v4 =	vperm.xlane v3, v0;
	_ =	sdelay $0x1  }
0x16e: {  	v4 =	vadd.s32 v1, v4;
	_ =	sdelay $0x4  }
0x16f: {  	[tilespmem:s8], [sflag:$0x6] =	stream.indirect_vreg.gather [hbm4b:s1+s3], $0x80, v4, vm0, $0xb8;
	[tilespmem:$0x1C200] =	vst v63  }
0x170: {  	s19 =	simm.s32 $0x14A00;
	v3 =	vperm.xlane v3, v2  }
0x171: {  	[tilespmem:s19], [sflag:$0x6] =	stream.indirect_vreg.gather [hbm4b:s5+s3], $0x80, v4, vm0, $0xb8;
	[tilespmem:$0x1C200] =	vst v63  }
0x172: {  	s14 =	simm.s32 $0x15200;
	v3 =	vadd.s32 v1, v3  }
0x173: {  	[tilespmem:s14], [sflag:$0x6] =	stream.indirect_vreg.gather [hbm4b:s6+s3], $0x80, v4, vm0, $0xb8;
	[tilespmem:$0x1C200] =	vst v63  }
0x174: {  	s19 =	simm.s32 $0x15A00  }
0x175: {  	[tilespmem:s19], [sflag:$0x6] =	stream.indirect_vreg.gather [hbm4b:s7+s3], $0x80, v4, vm0, $0xb8;
	[tilespmem:$0x1C200] =	vst v63  }
0x176: {  	s14 =	simm.s32 $0x16200  }
0x177: {  	[tilespmem:s14], [sflag:$0x6] =	stream.indirect_vreg.gather [hbm4b:s1+s3], $0x80, v3, vm0, $0xb8;
	[tilespmem:$0x1C200] =	vst v63  }
0x178: {  	s19 =	simm.s32 $0x16A00  }
0x179: {  	[tilespmem:s19], [sflag:$0x6] =	stream.indirect_vreg.gather [hbm4b:s5+s3], $0x80, v3, vm0, $0xb8;
	[tilespmem:$0x1C200] =	vst v63  }
0x17a: {  	s14 =	simm.s32 $0x17200  }
0x17b: {  	[tilespmem:s14], [sflag:$0x6] =	stream.indirect_vreg.gather [hbm4b:s6+s3], $0x80, v3, vm0, $0xb8;
	[tilespmem:$0x1C200] =	vst v63  }
0x17c: {  	s19 =	simm.s32 $0x17A00  }
0x17d: {  	[tilespmem:s19], [sflag:$0x6] =	stream.indirect_vreg.gather [hbm4b:s7+s3], $0x80, v3, vm0, $0xb8;
	[tilespmem:$0x1C200] =	vst v63  }
0x17e: {  	_ =	swait.ge [sflag:s22], $0x4000  }
0x17f: {  	[sflag:s22] =	ssyncset.done $0x0  }
0x180: {  	s15 =	simm.s32 $0x4200;
	s8 =	rddreg [dreg:$0xc];
	[sflag:s22] =	ssyncadd.s32 $0xFFFFC000  }
0x181: {  	[hbm4b:s8+s3] =	stream.linear.scatter [tilespmem:s15], [sflag:$0x9], $0x4000, $0x38;
	[tilespmem:$0x1C200] =	vst v63  }
0x182: {  	s8 =	simm.s32 $0xE  }
0x183: {  	_ =	swait.ge [sflag:s8], $0x4000  }
0x184: {  	[sflag:s8] =	ssyncset.done $0x0  }
0x185: {  	[sflag:s8] =	ssyncadd.s32 $0xFFFFC000  }
0x186: {  	v3 =	vld [tilespmem:$0xD0];
	_ =	sdelay $0x4  }
0x187: {  	v45 =	vshll.u32 v3, $0x3  }
0x188: {  	v3 =	vand.u32 $0x7, v3;
	v4 =	vand.u32 $0xFFFFFFC0, v45  }
0x189: {  	v3 =	vor.u32 v3, v4  }
0x18a: {  	v4 =	vperm.xlane v3, v0;
	_ =	sdelay $0x1  }
0x18b: {  	v4 =	vadd.s32 v1, v4;
	_ =	sdelay $0x4  }
0x18c: {  	[tilespmem:s30], [sflag:$0x7] =	stream.indirect_vreg.gather [hbm4b:s1+s3], $0x80, v4, vm0, $0xb8;
	[tilespmem:$0x1C200] =	vst v63  }
0x18d: {  	s19 =	simm.s32 $0x18A00;
	v3 =	vperm.xlane v3, v2  }
0x18e: {  	[tilespmem:s19], [sflag:$0x7] =	stream.indirect_vreg.gather [hbm4b:s5+s3], $0x80, v4, vm0, $0xb8;
	[tilespmem:$0x1C200] =	vst v63  }
0x18f: {  	v3 =	vadd.s32 v1, v3;
	s19 =	simm.s32 $0x19200  }
0x190: {  	[tilespmem:s19], [sflag:$0x7] =	stream.indirect_vreg.gather [hbm4b:s6+s3], $0x80, v4, vm0, $0xb8;
	[tilespmem:$0x1C200] =	vst v63  }
0x191: {  	s19 =	simm.s32 $0x19A00  }
0x192: {  	[tilespmem:s19], [sflag:$0x7] =	stream.indirect_vreg.gather [hbm4b:s7+s3], $0x80, v4, vm0, $0xb8;
	[tilespmem:$0x1C200] =	vst v63  }
0x193: {  	s19 =	simm.s32 $0x1A200  }
0x194: {  	[tilespmem:s19], [sflag:$0x7] =	stream.indirect_vreg.gather [hbm4b:s1+s3], $0x80, v3, vm0, $0xb8;
	[tilespmem:$0x1C200] =	vst v63  }
0x195: {  	s19 =	simm.s32 $0x1AA00  }
0x196: {  	[tilespmem:s19], [sflag:$0x7] =	stream.indirect_vreg.gather [hbm4b:s5+s3], $0x80, v3, vm0, $0xb8;
	[tilespmem:$0x1C200] =	vst v63  }
0x197: {  	s19 =	simm.s32 $0x1B200  }
0x198: {  	[tilespmem:s19], [sflag:$0x7] =	stream.indirect_vreg.gather [hbm4b:s6+s3], $0x80, v3, vm0, $0xb8;
	[tilespmem:$0x1C200] =	vst v63  }
0x199: {  	s19 =	simm.s32 $0x1BA00  }
0x19a: {  	[tilespmem:s19], [sflag:$0x7] =	stream.indirect_vreg.gather [hbm4b:s7+s3], $0x80, v3, vm0, $0xb8;
	[tilespmem:$0x1C200] =	vst v63  }
0x19b: {  	_ =	swait.ge [sflag:s24], $0x4000  }
0x19c: {  	[sflag:s24] =	ssyncset.done $0x0  }
0x19d: {  	s16 =	simm.s32 $0x8200;
	s19 =	rddreg [dreg:$0xd];
	[sflag:s24] =	ssyncadd.s32 $0xFFFFC000  }
0x19e: {  	[hbm4b:s19+s3] =	stream.linear.scatter [tilespmem:s16], [sflag:$0xA], $0x4000, $0x38;
	[tilespmem:$0x1C200] =	vst v63  }
0x19f: {  	_ =	swait.ge [sflag:s25], $0x4000  }
0x1a0: {  	[sflag:s25] =	ssyncset.done $0x0  }
0x1a1: {  	[sflag:s25] =	ssyncadd.s32 $0xFFFFC000  }
0x1a2: {  	v3 =	vld [tilespmem:$0xE0];
	_ =	sdelay $0x4  }
0x1a3: {  	v46 =	vshll.u32 v3, $0x3  }
0x1a4: {  	v3 =	vand.u32 $0x7, v3;
	v4 =	vand.u32 $0xFFFFFFC0, v46  }
0x1a5: {  	v3 =	vor.u32 v3, v4  }
0x1a6: {  	v4 =	vperm.xlane v3, v0;
	_ =	sdelay $0x1  }
0x1a7: {  	v4 =	vadd.s32 v1, v4;
	_ =	sdelay $0x3  }
0x1a8: {  	s21 =	simm.s32 $0x200  }
0x1a9: {  	[tilespmem:s21], [sflag:$0x1] =	stream.indirect_vreg.gather [hbm4b:s1+s3], $0x80, v4, vm0, $0xb8;
	[tilespmem:$0x1C200] =	vst v63  }
0x1aa: {  	s16 =	simm.s32 $0xA00;
	v3 =	vperm.xlane v3, v2  }
0x1ab: {  	[tilespmem:s16], [sflag:$0x1] =	stream.indirect_vreg.gather [hbm4b:s5+s3], $0x80, v4, vm0, $0xb8;
	[tilespmem:$0x1C200] =	vst v63  }
0x1ac: {  	v3 =	vadd.s32 v1, v3;
	s16 =	simm.s32 $0x1200  }
0x1ad: {  	[tilespmem:s16], [sflag:$0x1] =	stream.indirect_vreg.gather [hbm4b:s6+s3], $0x80, v4, vm0, $0xb8;
	[tilespmem:$0x1C200] =	vst v63  }
0x1ae: {  	s16 =	simm.s32 $0x1A00  }
0x1af: {  	[tilespmem:s16], [sflag:$0x1] =	stream.indirect_vreg.gather [hbm4b:s7+s3], $0x80, v4, vm0, $0xb8;
	[tilespmem:$0x1C200] =	vst v63  }
0x1b0: {  	s16 =	simm.s32 $0x2200  }
0x1b1: {  	[tilespmem:s16], [sflag:$0x1] =	stream.indirect_vreg.gather [hbm4b:s1+s3], $0x80, v3, vm0, $0xb8;
	[tilespmem:$0x1C200] =	vst v63  }
0x1b2: {  	_ = 	snop  }
0x1b3: {  	[tilespmem:s17], [sflag:$0x1] =	stream.indirect_vreg.gather [hbm4b:s5+s3], $0x80, v3, vm0, $0xb8;
	[tilespmem:$0x1C200] =	vst v63  }
0x1b4: {  	s17 =	simm.s32 $0x3200  }
0x1b5: {  	[tilespmem:s17], [sflag:$0x1] =	stream.indirect_vreg.gather [hbm4b:s6+s3], $0x80, v3, vm0, $0xb8;
	[tilespmem:$0x1C200] =	vst v63  }
0x1b6: {  	_ = 	snop  }
0x1b7: {  	[tilespmem:s4], [sflag:$0x1] =	stream.indirect_vreg.gather [hbm4b:s7+s3], $0x80, v3, vm0, $0xb8;
	[tilespmem:$0x1C200] =	vst v63  }
0x1b8: {  	_ =	swait.ge [sflag:s28], $0x4000  }
0x1b9: {  	[sflag:s28] =	ssyncset.done $0x0  }
0x1ba: {  	s16 =	simm.s32 $0xC200;
	s4 =	rddreg [dreg:$0xe];
	[sflag:s28] =	ssyncadd.s32 $0xFFFFC000  }
0x1bb: {  	[hbm4b:s4+s3] =	stream.linear.scatter [tilespmem:s16], [sflag:$0xB], $0x4000, $0x38;
	[tilespmem:$0x1C200] =	vst v63  }
0x1bc: {  	_ =	swait.ge [sflag:s29], $0x4000  }
0x1bd: {  	[sflag:s29] =	ssyncset.done $0x0  }
0x1be: {  	[sflag:s29] =	ssyncadd.s32 $0xFFFFC000  }
0x1bf: {  	v3 =	vld [tilespmem:$0xF0];
	_ =	sdelay $0x4  }
0x1c0: {  	v47 =	vshll.u32 v3, $0x3  }
0x1c1: {  	v3 =	vand.u32 $0x7, v3;
	v4 =	vand.u32 $0xFFFFFFC0, v47  }
0x1c2: {  	v3 =	vor.u32 v3, v4  }
0x1c3: {  	v4 =	vperm.xlane v3, v0;
	_ =	sdelay $0x1  }
0x1c4: {  	v4 =	vadd.s32 v1, v4;
	_ =	sdelay $0x3  }
0x1c5: {  	s15 =	simm.s32 $0x4200  }
0x1c6: {  	[tilespmem:s15], [sflag:$0x2] =	stream.indirect_vreg.gather [hbm4b:s1+s3], $0x80, v4, vm0, $0xb8;
	[tilespmem:$0x1C200] =	vst v63  }
0x1c7: {  	v3 =	vperm.xlane v3, v2;
	s15 =	simm.s32 $0x4A00  }
0x1c8: {  	[tilespmem:s15], [sflag:$0x2] =	stream.indirect_vreg.gather [hbm4b:s5+s3], $0x80, v4, vm0, $0xb8;
	[tilespmem:$0x1C200] =	vst v63  }
0x1c9: {  	s14 =	simm.s32 $0x5200;
	v3 =	vadd.s32 v1, v3  }
0x1ca: {  	[tilespmem:s14], [sflag:$0x2] =	stream.indirect_vreg.gather [hbm4b:s6+s3], $0x80, v4, vm0, $0xb8;
	[tilespmem:$0x1C200] =	vst v63  }
0x1cb: {  	s15 =	simm.s32 $0x5A00  }
0x1cc: {  	[tilespmem:s15], [sflag:$0x2] =	stream.indirect_vreg.gather [hbm4b:s7+s3], $0x80, v4, vm0, $0xb8;
	[tilespmem:$0x1C200] =	vst v63  }
0x1cd: {  	s14 =	simm.s32 $0x6200  }
0x1ce: {  	[tilespmem:s14], [sflag:$0x2] =	stream.indirect_vreg.gather [hbm4b:s1+s3], $0x80, v3, vm0, $0xb8;
	[tilespmem:$0x1C200] =	vst v63  }
0x1cf: {  	s15 =	simm.s32 $0x6A00  }
0x1d0: {  	[tilespmem:s15], [sflag:$0x2] =	stream.indirect_vreg.gather [hbm4b:s5+s3], $0x80, v3, vm0, $0xb8;
	[tilespmem:$0x1C200] =	vst v63  }
0x1d1: {  	_ = 	snop  }
0x1d2: {  	[tilespmem:s23], [sflag:$0x2] =	stream.indirect_vreg.gather [hbm4b:s6+s3], $0x80, v3, vm0, $0xb8;
	[tilespmem:$0x1C200] =	vst v63  }
0x1d3: {  	s15 =	simm.s32 $0x7A00  }
0x1d4: {  	[tilespmem:s15], [sflag:$0x2] =	stream.indirect_vreg.gather [hbm4b:s7+s3], $0x80, v3, vm0, $0xb8;
	[tilespmem:$0x1C200] =	vst v63  }
0x1d5: {  	_ =	swait.ge [sflag:s2], $0x4000  }
0x1d6: {  	[sflag:s2] =	ssyncset.done $0x0  }
0x1d7: {  	s23 =	simm.s32 $0x10200;
	s4 =	rddreg [dreg:$0xf];
	[sflag:s2] =	ssyncadd.s32 $0xFFFFC000  }
0x1d8: {  	[hbm4b:s4+s3] =	stream.linear.scatter [tilespmem:s23], [sflag:$0xC], $0x4000, $0x38;
	[tilespmem:$0x1C200] =	vst v63  }
0x1d9: {  	_ =	swait.ge [sflag:s31], $0x4000  }
0x1da: {  	[sflag:s31] =	ssyncset.done $0x0  }
0x1db: {  	[sflag:s31] =	ssyncadd.s32 $0xFFFFC000  }
0x1dc: {  	v3 =	vld [tilespmem:$0x100];
	_ =	sdelay $0x4  }
0x1dd: {  	v48 =	vshll.u32 v3, $0x3  }
0x1de: {  	v3 =	vand.u32 $0x7, v3;
	v4 =	vand.u32 $0xFFFFFFC0, v48  }
0x1df: {  	v3 =	vor.u32 v3, v4  }
0x1e0: {  	v4 =	vperm.xlane v3, v0;
	_ =	sdelay $0x1  }
0x1e1: {  	v4 =	vadd.s32 v1, v4;
	_ =	sdelay $0x3  }
0x1e2: {  	s19 =	simm.s32 $0x8200  }
0x1e3: {  	[tilespmem:s19], [sflag:$0x3] =	stream.indirect_vreg.gather [hbm4b:s1+s3], $0x80, v4, vm0, $0xb8;
	[tilespmem:$0x1C200] =	vst v63  }
0x1e4: {  	v3 =	vperm.xlane v3, v2;
	s19 =	simm.s32 $0x8A00  }
0x1e5: {  	[tilespmem:s19], [sflag:$0x3] =	stream.indirect_vreg.gather [hbm4b:s5+s3], $0x80, v4, vm0, $0xb8;
	[tilespmem:$0x1C200] =	vst v63  }
0x1e6: {  	v3 =	vadd.s32 v1, v3  }
0x1e7: {  	[tilespmem:s10], [sflag:$0x3] =	stream.indirect_vreg.gather [hbm4b:s6+s3], $0x80, v4, vm0, $0xb8;
	[tilespmem:$0x1C200] =	vst v63  }
0x1e8: {  	_ = 	snop  }
0x1e9: {  	[tilespmem:s18], [sflag:$0x3] =	stream.indirect_vreg.gather [hbm4b:s7+s3], $0x80, v4, vm0, $0xb8;
	[tilespmem:$0x1C200] =	vst v63  }
0x1ea: {  	_ = 	snop  }
0x1eb: {  	[tilespmem:s26], [sflag:$0x3] =	stream.indirect_vreg.gather [hbm4b:s1+s3], $0x80, v3, vm0, $0xb8;
	[tilespmem:$0x1C200] =	vst v63  }
0x1ec: {  	s14 =	simm.s32 $0xAA00  }
0x1ed: {  	[tilespmem:s14], [sflag:$0x3] =	stream.indirect_vreg.gather [hbm4b:s5+s3], $0x80, v3, vm0, $0xb8;
	[tilespmem:$0x1C200] =	vst v63  }
0x1ee: {  	s18 =	simm.s32 $0xB200  }
0x1ef: {  	[tilespmem:s18], [sflag:$0x3] =	stream.indirect_vreg.gather [hbm4b:s6+s3], $0x80, v3, vm0, $0xb8;
	[tilespmem:$0x1C200] =	vst v63  }
0x1f0: {  	s4 =	simm.s32 $0xBA00  }
0x1f1: {  	[tilespmem:s4], [sflag:$0x3] =	stream.indirect_vreg.gather [hbm4b:s7+s3], $0x80, v3, vm0, $0xb8;
	[tilespmem:$0x1C200] =	vst v63  }
0x1f2: {  	_ =	swait.ge [sflag:s9], $0x4000  }
0x1f3: {  	[sflag:s9] =	ssyncset.done $0x0  }
0x1f4: {  	s18 =	simm.s32 $0x14200;
	s19 =	rddreg [dreg:$0x10];
	[sflag:s9] =	ssyncadd.s32 $0xFFFFC000  }
0x1f5: {  	[hbm4b:s19+s3] =	stream.linear.scatter [tilespmem:s18], [sflag:$0xD], $0x4000, $0x38;
	[tilespmem:$0x1C200] =	vst v63  }
0x1f6: {  	_ =	swait.ge [sflag:s0], $0x4000  }
0x1f7: {  	[sflag:s0] =	ssyncset.done $0x0  }
0x1f8: {  	[sflag:s0] =	ssyncadd.s32 $0xFFFFC000  }
0x1f9: {  	v3 =	vld [tilespmem:$0x110];
	_ =	sdelay $0x4  }
0x1fa: {  	v49 =	vshll.u32 v3, $0x3  }
0x1fb: {  	v3 =	vand.u32 $0x7, v3;
	v4 =	vand.u32 $0xFFFFFFC0, v49  }
0x1fc: {  	v3 =	vor.u32 v3, v4  }
0x1fd: {  	v4 =	vperm.xlane v3, v0;
	_ =	sdelay $0x1  }
0x1fe: {  	v4 =	vadd.s32 v1, v4;
	_ =	sdelay $0x3  }
0x1ff: {  	s16 =	simm.s32 $0xC200  }
0x200: {  	[tilespmem:s16], [sflag:$0x4] =	stream.indirect_vreg.gather [hbm4b:s1+s3], $0x80, v4, vm0, $0xb8;
	[tilespmem:$0x1C200] =	vst v63  }
0x201: {  	s26 =	simm.s32 $0xCA00;
	v3 =	vperm.xlane v3, v2  }
0x202: {  	[tilespmem:s26], [sflag:$0x4] =	stream.indirect_vreg.gather [hbm4b:s5+s3], $0x80, v4, vm0, $0xb8;
	[tilespmem:$0x1C200] =	vst v63  }
0x203: {  	s14 =	simm.s32 $0xD200;
	v3 =	vadd.s32 v1, v3  }
0x204: {  	[tilespmem:s14], [sflag:$0x4] =	stream.indirect_vreg.gather [hbm4b:s6+s3], $0x80, v4, vm0, $0xb8;
	[tilespmem:$0x1C200] =	vst v63  }
0x205: {  	s19 =	simm.s32 $0xDA00  }
0x206: {  	[tilespmem:s19], [sflag:$0x4] =	stream.indirect_vreg.gather [hbm4b:s7+s3], $0x80, v4, vm0, $0xb8;
	[tilespmem:$0x1C200] =	vst v63  }
0x207: {  	s26 =	simm.s32 $0xE200  }
0x208: {  	[tilespmem:s26], [sflag:$0x4] =	stream.indirect_vreg.gather [hbm4b:s1+s3], $0x80, v3, vm0, $0xb8;
	[tilespmem:$0x1C200] =	vst v63  }
0x209: {  	s10 =	simm.s32 $0xEA00  }
0x20a: {  	[tilespmem:s10], [sflag:$0x4] =	stream.indirect_vreg.gather [hbm4b:s5+s3], $0x80, v3, vm0, $0xb8;
	[tilespmem:$0x1C200] =	vst v63  }
0x20b: {  	s14 =	simm.s32 $0xF200  }
0x20c: {  	[tilespmem:s14], [sflag:$0x4] =	stream.indirect_vreg.gather [hbm4b:s6+s3], $0x80, v3, vm0, $0xb8;
	[tilespmem:$0x1C200] =	vst v63  }
0x20d: {  	s19 =	simm.s32 $0xFA00  }
0x20e: {  	[tilespmem:s19], [sflag:$0x4] =	stream.indirect_vreg.gather [hbm4b:s7+s3], $0x80, v3, vm0, $0xb8;
	[tilespmem:$0x1C200] =	vst v63  }
0x20f: {  	_ =	swait.ge [sflag:s11], $0x4000  }
0x210: {  	[sflag:s11] =	ssyncset.done $0x0  }
0x211: {  	s26 =	rddreg [dreg:$0x11];
	[sflag:s11] =	ssyncadd.s32 $0xFFFFC000  }
0x212: {  	[hbm4b:s26+s3] =	stream.linear.scatter [tilespmem:s30], [sflag:$0xE], $0x4000, $0x38;
	[tilespmem:$0x1C200] =	vst v63  }
0x213: {  	_ =	swait.ge [sflag:s12], $0x4000  }
0x214: {  	[sflag:s12] =	ssyncset.done $0x0  }
0x215: {  	[sflag:s12] =	ssyncadd.s32 $0xFFFFC000  }
0x216: {  	v3 =	vld [tilespmem:$0x120];
	_ =	sdelay $0x4  }
0x217: {  	v50 =	vshll.u32 v3, $0x3  }
0x218: {  	v3 =	vand.u32 $0x7, v3;
	v4 =	vand.u32 $0xFFFFFFC0, v50  }
0x219: {  	v3 =	vor.u32 v3, v4  }
0x21a: {  	v4 =	vperm.xlane v3, v0;
	_ =	sdelay $0x1  }
0x21b: {  	v4 =	vadd.s32 v1, v4;
	_ =	sdelay $0x4  }
0x21c: {  	[tilespmem:s23], [sflag:$0x5] =	stream.indirect_vreg.gather [hbm4b:s1+s3], $0x80, v4, vm0, $0xb8;
	[tilespmem:$0x1C200] =	vst v63  }
0x21d: {  	s30 =	simm.s32 $0x10A00;
	v3 =	vperm.xlane v3, v2  }
0x21e: {  	[tilespmem:s30], [sflag:$0x5] =	stream.indirect_vreg.gather [hbm4b:s5+s3], $0x80, v4, vm0, $0xb8;
	[tilespmem:$0x1C200] =	vst v63  }
0x21f: {  	s19 =	simm.s32 $0x11200;
	v3 =	vadd.s32 v1, v3  }
0x220: {  	[tilespmem:s19], [sflag:$0x5] =	stream.indirect_vreg.gather [hbm4b:s6+s3], $0x80, v4, vm0, $0xb8;
	[tilespmem:$0x1C200] =	vst v63  }
0x221: {  	s26 =	simm.s32 $0x11A00  }
0x222: {  	[tilespmem:s26], [sflag:$0x5] =	stream.indirect_vreg.gather [hbm4b:s7+s3], $0x80, v4, vm0, $0xb8;
	[tilespmem:$0x1C200] =	vst v63  }
0x223: {  	s30 =	simm.s32 $0x12200  }
0x224: {  	[tilespmem:s30], [sflag:$0x5] =	stream.indirect_vreg.gather [hbm4b:s1+s3], $0x80, v3, vm0, $0xb8;
	[tilespmem:$0x1C200] =	vst v63  }
0x225: {  	s19 =	simm.s32 $0x12A00  }
0x226: {  	[tilespmem:s19], [sflag:$0x5] =	stream.indirect_vreg.gather [hbm4b:s5+s3], $0x80, v3, vm0, $0xb8;
	[tilespmem:$0x1C200] =	vst v63  }
0x227: {  	s26 =	simm.s32 $0x13200  }
0x228: {  	[tilespmem:s26], [sflag:$0x5] =	stream.indirect_vreg.gather [hbm4b:s6+s3], $0x80, v3, vm0, $0xb8;
	[tilespmem:$0x1C200] =	vst v63  }
0x229: {  	s30 =	simm.s32 $0x13A00  }
0x22a: {  	[tilespmem:s30], [sflag:$0x5] =	stream.indirect_vreg.gather [hbm4b:s7+s3], $0x80, v3, vm0, $0xb8;
	[tilespmem:$0x1C200] =	vst v63  }
0x22b: {  	_ =	swait.ge [sflag:s20], $0x4000  }
0x22c: {  	[sflag:s20] =	ssyncset.done $0x0  }
0x22d: {  	s19 =	rddreg [dreg:$0x12];
	[sflag:s20] =	ssyncadd.s32 $0xFFFFC000  }
0x22e: {  	[hbm4b:s19+s3] =	stream.linear.scatter [tilespmem:s21], [sflag:$0x8], $0x4000, $0x38;
	[tilespmem:$0x1C200] =	vst v63  }
0x22f: {  	_ =	swait.ge [sflag:s13], $0x4000  }
0x230: {  	[sflag:s13] =	ssyncset.done $0x0  }
0x231: {  	[sflag:s13] =	ssyncadd.s32 $0xFFFFC000  }
0x232: {  	v3 =	vld [tilespmem:$0x130];
	_ =	sdelay $0x4  }
0x233: {  	v51 =	vshll.u32 v3, $0x3  }
0x234: {  	v3 =	vand.u32 $0x7, v3;
	v4 =	vand.u32 $0xFFFFFFC0, v51  }
0x235: {  	v3 =	vor.u32 v3, v4  }
0x236: {  	v4 =	vperm.xlane v3, v0;
	_ =	sdelay $0x1  }
0x237: {  	v4 =	vadd.s32 v1, v4;
	_ =	sdelay $0x4  }
0x238: {  	[tilespmem:s18], [sflag:$0x6] =	stream.indirect_vreg.gather [hbm4b:s1+s3], $0x80, v4, vm0, $0xb8;
	[tilespmem:$0x1C200] =	vst v63  }
0x239: {  	s26 =	simm.s32 $0x14A00;
	v3 =	vperm.xlane v3, v2  }
0x23a: {  	[tilespmem:s26], [sflag:$0x6] =	stream.indirect_vreg.gather [hbm4b:s5+s3], $0x80, v4, vm0, $0xb8;
	[tilespmem:$0x1C200] =	vst v63  }
0x23b: {  	s30 =	simm.s32 $0x15200;
	v3 =	vadd.s32 v1, v3  }
0x23c: {  	[tilespmem:s30], [sflag:$0x6] =	stream.indirect_vreg.gather [hbm4b:s6+s3], $0x80, v4, vm0, $0xb8;
	[tilespmem:$0x1C200] =	vst v63  }
0x23d: {  	s18 =	simm.s32 $0x15A00  }
0x23e: {  	[tilespmem:s18], [sflag:$0x6] =	stream.indirect_vreg.gather [hbm4b:s7+s3], $0x80, v4, vm0, $0xb8;
	[tilespmem:$0x1C200] =	vst v63  }
0x23f: {  	s19 =	simm.s32 $0x16200  }
0x240: {  	[tilespmem:s19], [sflag:$0x6] =	stream.indirect_vreg.gather [hbm4b:s1+s3], $0x80, v3, vm0, $0xb8;
	[tilespmem:$0x1C200] =	vst v63  }
0x241: {  	s30 =	simm.s32 $0x16A00  }
0x242: {  	[tilespmem:s30], [sflag:$0x6] =	stream.indirect_vreg.gather [hbm4b:s5+s3], $0x80, v3, vm0, $0xb8;
	[tilespmem:$0x1C200] =	vst v63  }
0x243: {  	s18 =	simm.s32 $0x17200  }
0x244: {  	[tilespmem:s18], [sflag:$0x6] =	stream.indirect_vreg.gather [hbm4b:s6+s3], $0x80, v3, vm0, $0xb8;
	[tilespmem:$0x1C200] =	vst v63  }
0x245: {  	s19 =	simm.s32 $0x17A00  }
0x246: {  	[tilespmem:s19], [sflag:$0x6] =	stream.indirect_vreg.gather [hbm4b:s7+s3], $0x80, v3, vm0, $0xb8;
	[tilespmem:$0x1C200] =	vst v63  }
0x247: {  	_ =	swait.ge [sflag:s22], $0x4000  }
0x248: {  	[sflag:s22] =	ssyncset.done $0x0  }
0x249: {  	s18 =	simm.s32 $0x4200;
	s30 =	rddreg [dreg:$0x13];
	[sflag:s22] =	ssyncadd.s32 $0xFFFFC000  }
0x24a: {  	[hbm4b:s30+s3] =	stream.linear.scatter [tilespmem:s18], [sflag:$0x9], $0x4000, $0x38;
	[tilespmem:$0x1C200] =	vst v63  }
0x24b: {  	_ =	swait.ge [sflag:s8], $0x4000  }
0x24c: {  	[sflag:s8] =	ssyncset.done $0x0  }
0x24d: {  	[sflag:s8] =	ssyncadd.s32 $0xFFFFC000  }
0x24e: {  	v3 =	vld [tilespmem:$0x140];
	_ =	sdelay $0x4  }
0x24f: {  	v52 =	vshll.u32 v3, $0x3  }
0x250: {  	v3 =	vand.u32 $0x7, v3;
	v4 =	vand.u32 $0xFFFFFFC0, v52  }
0x251: {  	v3 =	vor.u32 v3, v4  }
0x252: {  	v4 =	vperm.xlane v3, v0;
	_ =	sdelay $0x1  }
0x253: {  	v4 =	vadd.s32 v1, v4;
	_ =	sdelay $0x3  }
0x254: {  	s10 =	simm.s32 $0x18200  }
0x255: {  	[tilespmem:s10], [sflag:$0x7] =	stream.indirect_vreg.gather [hbm4b:s1+s3], $0x80, v4, vm0, $0xb8;
	[tilespmem:$0x1C200] =	vst v63  }
0x256: {  	v3 =	vperm.xlane v3, v2;
	s10 =	simm.s32 $0x18A00  }
0x257: {  	[tilespmem:s10], [sflag:$0x7] =	stream.indirect_vreg.gather [hbm4b:s5+s3], $0x80, v4, vm0, $0xb8;
	[tilespmem:$0x1C200] =	vst v63  }
0x258: {  	s19 =	simm.s32 $0x19200;
	v3 =	vadd.s32 v1, v3  }
0x259: {  	[tilespmem:s19], [sflag:$0x7] =	stream.indirect_vreg.gather [hbm4b:s6+s3], $0x80, v4, vm0, $0xb8;
	[tilespmem:$0x1C200] =	vst v63  }
0x25a: {  	s30 =	simm.s32 $0x19A00  }
0x25b: {  	[tilespmem:s30], [sflag:$0x7] =	stream.indirect_vreg.gather [hbm4b:s7+s3], $0x80, v4, vm0, $0xb8;
	[tilespmem:$0x1C200] =	vst v63  }
0x25c: {  	s10 =	simm.s32 $0x1A200  }
0x25d: {  	[tilespmem:s10], [sflag:$0x7] =	stream.indirect_vreg.gather [hbm4b:s1+s3], $0x80, v3, vm0, $0xb8;
	[tilespmem:$0x1C200] =	vst v63  }
0x25e: {  	s19 =	simm.s32 $0x1AA00  }
0x25f: {  	[tilespmem:s19], [sflag:$0x7] =	stream.indirect_vreg.gather [hbm4b:s5+s3], $0x80, v3, vm0, $0xb8;
	[tilespmem:$0x1C200] =	vst v63  }
0x260: {  	s30 =	simm.s32 $0x1B200  }
0x261: {  	[tilespmem:s30], [sflag:$0x7] =	stream.indirect_vreg.gather [hbm4b:s6+s3], $0x80, v3, vm0, $0xb8;
	[tilespmem:$0x1C200] =	vst v63  }
0x262: {  	s10 =	simm.s32 $0x1BA00  }
0x263: {  	[tilespmem:s10], [sflag:$0x7] =	stream.indirect_vreg.gather [hbm4b:s7+s3], $0x80, v3, vm0, $0xb8;
	[tilespmem:$0x1C200] =	vst v63  }
0x264: {  	_ =	swait.ge [sflag:s24], $0x4000  }
0x265: {  	[sflag:s24] =	ssyncset.done $0x0  }
0x266: {  	s10 =	simm.s32 $0x8200;
	s19 =	rddreg [dreg:$0x14];
	[sflag:s24] =	ssyncadd.s32 $0xFFFFC000  }
0x267: {  	[hbm4b:s19+s3] =	stream.linear.scatter [tilespmem:s10], [sflag:$0xA], $0x4000, $0x38;
	[tilespmem:$0x1C200] =	vst v63  }
0x268: {  	_ =	swait.ge [sflag:s25], $0x4000  }
0x269: {  	[sflag:s25] =	ssyncset.done $0x0  }
0x26a: {  	[sflag:s25] =	ssyncadd.s32 $0xFFFFC000  }
0x26b: {  	v3 =	vld [tilespmem:$0x150];
	_ =	sdelay $0x4  }
0x26c: {  	v53 =	vshll.u32 v3, $0x3  }
0x26d: {  	v3 =	vand.u32 $0x7, v3;
	v4 =	vand.u32 $0xFFFFFFC0, v53  }
0x26e: {  	v3 =	vor.u32 v3, v4  }
0x26f: {  	v4 =	vperm.xlane v3, v0;
	_ =	sdelay $0x1  }
0x270: {  	v4 =	vadd.s32 v1, v4;
	_ =	sdelay $0x4  }
0x271: {  	[tilespmem:s21], [sflag:$0x1] =	stream.indirect_vreg.gather [hbm4b:s1+s3], $0x80, v4, vm0, $0xb8;
	[tilespmem:$0x1C200] =	vst v63  }
0x272: {  	v3 =	vperm.xlane v3, v2;
	s21 =	simm.s32 $0xA00  }
0x273: {  	[tilespmem:s21], [sflag:$0x1] =	stream.indirect_vreg.gather [hbm4b:s5+s3], $0x80, v4, vm0, $0xb8;
	[tilespmem:$0x1C200] =	vst v63  }
0x274: {  	s30 =	simm.s32 $0x1200;
	v3 =	vadd.s32 v1, v3  }
0x275: {  	[tilespmem:s30], [sflag:$0x1] =	stream.indirect_vreg.gather [hbm4b:s6+s3], $0x80, v4, vm0, $0xb8;
	[tilespmem:$0x1C200] =	vst v63  }
0x276: {  	s19 =	simm.s32 $0x1A00  }
0x277: {  	[tilespmem:s19], [sflag:$0x1] =	stream.indirect_vreg.gather [hbm4b:s7+s3], $0x80, v4, vm0, $0xb8;
	[tilespmem:$0x1C200] =	vst v63  }
0x278: {  	s21 =	simm.s32 $0x2200  }
0x279: {  	[tilespmem:s21], [sflag:$0x1] =	stream.indirect_vreg.gather [hbm4b:s1+s3], $0x80, v3, vm0, $0xb8;
	[tilespmem:$0x1C200] =	vst v63  }
0x27a: {  	s19 =	simm.s32 $0x2A00  }
0x27b: {  	[tilespmem:s19], [sflag:$0x1] =	stream.indirect_vreg.gather [hbm4b:s5+s3], $0x80, v3, vm0, $0xb8;
	[tilespmem:$0x1C200] =	vst v63  }
0x27c: {  	_ = 	snop  }
0x27d: {  	[tilespmem:s17], [sflag:$0x1] =	stream.indirect_vreg.gather [hbm4b:s6+s3], $0x80, v3, vm0, $0xb8;
	[tilespmem:$0x1C200] =	vst v63  }
0x27e: {  	s17 =	simm.s32 $0x3A00  }
0x27f: {  	[tilespmem:s17], [sflag:$0x1] =	stream.indirect_vreg.gather [hbm4b:s7+s3], $0x80, v3, vm0, $0xb8;
	[tilespmem:$0x1C200] =	vst v63  }
0x280: {  	_ =	swait.ge [sflag:s28], $0x4000  }
0x281: {  	[sflag:s28] =	ssyncset.done $0x0  }
0x282: {  	s30 =	rddreg [dreg:$0x15];
	[sflag:s28] =	ssyncadd.s32 $0xFFFFC000  }
0x283: {  	[hbm4b:s30+s3] =	stream.linear.scatter [tilespmem:s16], [sflag:$0xB], $0x4000, $0x38;
	[tilespmem:$0x1C200] =	vst v63  }
0x284: {  	_ =	swait.ge [sflag:s29], $0x4000  }
0x285: {  	[sflag:s29] =	ssyncset.done $0x0  }
0x286: {  	[sflag:s29] =	ssyncadd.s32 $0xFFFFC000  }
0x287: {  	v3 =	vld [tilespmem:$0x160];
	_ =	sdelay $0x4  }
0x288: {  	v54 =	vshll.u32 v3, $0x3  }
0x289: {  	v3 =	vand.u32 $0x7, v3;
	v4 =	vand.u32 $0xFFFFFFC0, v54  }
0x28a: {  	v3 =	vor.u32 v3, v4  }
0x28b: {  	v4 =	vperm.xlane v3, v0;
	_ =	sdelay $0x1  }
0x28c: {  	v4 =	vadd.s32 v1, v4;
	_ =	sdelay $0x4  }
0x28d: {  	[tilespmem:s18], [sflag:$0x2] =	stream.indirect_vreg.gather [hbm4b:s1+s3], $0x80, v4, vm0, $0xb8;
	[tilespmem:$0x1C200] =	vst v63  }
0x28e: {  	s21 =	simm.s32 $0x4A00;
	v3 =	vperm.xlane v3, v2  }
0x28f: {  	[tilespmem:s21], [sflag:$0x2] =	stream.indirect_vreg.gather [hbm4b:s5+s3], $0x80, v4, vm0, $0xb8;
	[tilespmem:$0x1C200] =	vst v63  }
0x290: {  	s30 =	simm.s32 $0x5200;
	v3 =	vadd.s32 v1, v3  }
0x291: {  	[tilespmem:s30], [sflag:$0x2] =	stream.indirect_vreg.gather [hbm4b:s6+s3], $0x80, v4, vm0, $0xb8;
	[tilespmem:$0x1C200] =	vst v63  }
0x292: {  	s18 =	simm.s32 $0x5A00  }
0x293: {  	[tilespmem:s18], [sflag:$0x2] =	stream.indirect_vreg.gather [hbm4b:s7+s3], $0x80, v4, vm0, $0xb8;
	[tilespmem:$0x1C200] =	vst v63  }
0x294: {  	s21 =	simm.s32 $0x6200  }
0x295: {  	[tilespmem:s21], [sflag:$0x2] =	stream.indirect_vreg.gather [hbm4b:s1+s3], $0x80, v3, vm0, $0xb8;
	[tilespmem:$0x1C200] =	vst v63  }
0x296: {  	s30 =	simm.s32 $0x6A00  }
0x297: {  	[tilespmem:s30], [sflag:$0x2] =	stream.indirect_vreg.gather [hbm4b:s5+s3], $0x80, v3, vm0, $0xb8;
	[tilespmem:$0x1C200] =	vst v63  }
0x298: {  	s21 =	simm.s32 $0x7200  }
0x299: {  	[tilespmem:s21], [sflag:$0x2] =	stream.indirect_vreg.gather [hbm4b:s6+s3], $0x80, v3, vm0, $0xb8;
	[tilespmem:$0x1C200] =	vst v63  }
0x29a: {  	_ = 	snop  }
0x29b: {  	[tilespmem:s15], [sflag:$0x2] =	stream.indirect_vreg.gather [hbm4b:s7+s3], $0x80, v3, vm0, $0xb8;
	[tilespmem:$0x1C200] =	vst v63  }
0x29c: {  	_ =	swait.ge [sflag:s2], $0x4000  }
0x29d: {  	[sflag:s2] =	ssyncset.done $0x0  }
0x29e: {  	s23 =	simm.s32 $0x10200;
	s18 =	rddreg [dreg:$0x16];
	[sflag:s2] =	ssyncadd.s32 $0xFFFFC000  }
0x29f: {  	[hbm4b:s18+s3] =	stream.linear.scatter [tilespmem:s23], [sflag:$0xC], $0x4000, $0x38;
	[tilespmem:$0x1C200] =	vst v63  }
0x2a0: {  	_ =	swait.ge [sflag:s31], $0x4000  }
0x2a1: {  	[sflag:s31] =	ssyncset.done $0x0  }
0x2a2: {  	[sflag:s31] =	ssyncadd.s32 $0xFFFFC000  }
0x2a3: {  	v3 =	vld [tilespmem:$0x170];
	_ =	sdelay $0x4  }
0x2a4: {  	v55 =	vshll.u32 v3, $0x3  }
0x2a5: {  	v3 =	vand.u32 $0x7, v3;
	v4 =	vand.u32 $0xFFFFFFC0, v55  }
0x2a6: {  	v3 =	vor.u32 v3, v4  }
0x2a7: {  	v4 =	vperm.xlane v3, v0;
	_ =	sdelay $0x1  }
0x2a8: {  	v4 =	vadd.s32 v1, v4;
	_ =	sdelay $0x4  }
0x2a9: {  	[tilespmem:s10], [sflag:$0x3] =	stream.indirect_vreg.gather [hbm4b:s1+s3], $0x80, v4, vm0, $0xb8;
	[tilespmem:$0x1C200] =	vst v63  }
0x2aa: {  	s30 =	simm.s32 $0x8A00;
	v3 =	vperm.xlane v3, v2  }
0x2ab: {  	[tilespmem:s30], [sflag:$0x3] =	stream.indirect_vreg.gather [hbm4b:s5+s3], $0x80, v4, vm0, $0xb8;
	[tilespmem:$0x1C200] =	vst v63  }
0x2ac: {  	s15 =	simm.s32 $0x9200;
	v3 =	vadd.s32 v1, v3  }
0x2ad: {  	[tilespmem:s15], [sflag:$0x3] =	stream.indirect_vreg.gather [hbm4b:s6+s3], $0x80, v4, vm0, $0xb8;
	[tilespmem:$0x1C200] =	vst v63  }
0x2ae: {  	s23 =	simm.s32 $0x9A00  }
0x2af: {  	[tilespmem:s23], [sflag:$0x3] =	stream.indirect_vreg.gather [hbm4b:s7+s3], $0x80, v4, vm0, $0xb8;
	[tilespmem:$0x1C200] =	vst v63  }
0x2b0: {  	s30 =	simm.s32 $0xA200  }
0x2b1: {  	[tilespmem:s30], [sflag:$0x3] =	stream.indirect_vreg.gather [hbm4b:s1+s3], $0x80, v3, vm0, $0xb8;
	[tilespmem:$0x1C200] =	vst v63  }
0x2b2: {  	s23 =	simm.s32 $0xAA00  }
0x2b3: {  	[tilespmem:s23], [sflag:$0x3] =	stream.indirect_vreg.gather [hbm4b:s5+s3], $0x80, v3, vm0, $0xb8;
	[tilespmem:$0x1C200] =	vst v63  }
0x2b4: {  	s30 =	simm.s32 $0xB200  }
0x2b5: {  	[tilespmem:s30], [sflag:$0x3] =	stream.indirect_vreg.gather [hbm4b:s6+s3], $0x80, v3, vm0, $0xb8;
	[tilespmem:$0x1C200] =	vst v63  }
0x2b6: {  	_ = 	snop  }
0x2b7: {  	[tilespmem:s4], [sflag:$0x3] =	stream.indirect_vreg.gather [hbm4b:s7+s3], $0x80, v3, vm0, $0xb8;
	[tilespmem:$0x1C200] =	vst v63  }
0x2b8: {  	_ =	swait.ge [sflag:s9], $0x4000  }
0x2b9: {  	[sflag:s9] =	ssyncset.done $0x0  }
0x2ba: {  	s15 =	simm.s32 $0x14200;
	s4 =	rddreg [dreg:$0x17];
	[sflag:s9] =	ssyncadd.s32 $0xFFFFC000  }
0x2bb: {  	[hbm4b:s4+s3] =	stream.linear.scatter [tilespmem:s15], [sflag:$0xD], $0x4000, $0x38;
	[tilespmem:$0x1C200] =	vst v63  }
0x2bc: {  	_ =	swait.ge [sflag:s0], $0x4000  }
0x2bd: {  	[sflag:s0] =	ssyncset.done $0x0  }
0x2be: {  	[sflag:s0] =	ssyncadd.s32 $0xFFFFC000  }
0x2bf: {  	v3 =	vld [tilespmem:$0x180];
	_ =	sdelay $0x4  }
0x2c0: {  	v56 =	vshll.u32 v3, $0x3  }
0x2c1: {  	v3 =	vand.u32 $0x7, v3;
	v4 =	vand.u32 $0xFFFFFFC0, v56  }
0x2c2: {  	v3 =	vor.u32 v3, v4  }
0x2c3: {  	v4 =	vperm.xlane v3, v0;
	_ =	sdelay $0x1  }
0x2c4: {  	v4 =	vadd.s32 v1, v4;
	_ =	sdelay $0x4  }
0x2c5: {  	[tilespmem:s16], [sflag:$0x4] =	stream.indirect_vreg.gather [hbm4b:s1+s3], $0x80, v4, vm0, $0xb8;
	[tilespmem:$0x1C200] =	vst v63  }
0x2c6: {  	v3 =	vperm.xlane v3, v2;
	s16 =	simm.s32 $0xCA00  }
0x2c7: {  	[tilespmem:s16], [sflag:$0x4] =	stream.indirect_vreg.gather [hbm4b:s5+s3], $0x80, v4, vm0, $0xb8;
	[tilespmem:$0x1C200] =	vst v63  }
0x2c8: {  	s14 =	simm.s32 $0xD200;
	v3 =	vadd.s32 v1, v3  }
0x2c9: {  	[tilespmem:s14], [sflag:$0x4] =	stream.indirect_vreg.gather [hbm4b:s6+s3], $0x80, v4, vm0, $0xb8;
	[tilespmem:$0x1C200] =	vst v63  }
0x2ca: {  	s16 =	simm.s32 $0xDA00  }
0x2cb: {  	[tilespmem:s16], [sflag:$0x4] =	stream.indirect_vreg.gather [hbm4b:s7+s3], $0x80, v4, vm0, $0xb8;
	[tilespmem:$0x1C200] =	vst v63  }
0x2cc: {  	s4 =	simm.s32 $0xE200  }
0x2cd: {  	[tilespmem:s4], [sflag:$0x4] =	stream.indirect_vreg.gather [hbm4b:s1+s3], $0x80, v3, vm0, $0xb8;
	[tilespmem:$0x1C200] =	vst v63  }
0x2ce: {  	s16 =	simm.s32 $0xEA00  }
0x2cf: {  	[tilespmem:s16], [sflag:$0x4] =	stream.indirect_vreg.gather [hbm4b:s5+s3], $0x80, v3, vm0, $0xb8;
	[tilespmem:$0x1C200] =	vst v63  }
0x2d0: {  	s14 =	simm.s32 $0xF200  }
0x2d1: {  	[tilespmem:s14], [sflag:$0x4] =	stream.indirect_vreg.gather [hbm4b:s6+s3], $0x80, v3, vm0, $0xb8;
	[tilespmem:$0x1C200] =	vst v63  }
0x2d2: {  	s16 =	simm.s32 $0xFA00  }
0x2d3: {  	[tilespmem:s16], [sflag:$0x4] =	stream.indirect_vreg.gather [hbm4b:s7+s3], $0x80, v3, vm0, $0xb8;
	[tilespmem:$0x1C200] =	vst v63  }
0x2d4: {  	_ =	swait.ge [sflag:s11], $0x4000  }
0x2d5: {  	[sflag:s11] =	ssyncset.done $0x0  }
0x2d6: {  	s16 =	simm.s32 $0x18200;
	s4 =	rddreg [dreg:$0x18];
	[sflag:s11] =	ssyncadd.s32 $0xFFFFC000  }
0x2d7: {  	[hbm4b:s4+s3] =	stream.linear.scatter [tilespmem:s16], [sflag:$0xE], $0x4000, $0x38;
	[tilespmem:$0x1C200] =	vst v63  }
0x2d8: {  	_ =	swait.ge [sflag:s12], $0x4000  }
0x2d9: {  	[sflag:s12] =	ssyncset.done $0x0  }
0x2da: {  	[sflag:s12] =	ssyncadd.s32 $0xFFFFC000  }
0x2db: {  	v3 =	vld [tilespmem:$0x190];
	_ =	sdelay $0x4  }
0x2dc: {  	v57 =	vshll.u32 v3, $0x3  }
0x2dd: {  	v3 =	vand.u32 $0x7, v3;
	v4 =	vand.u32 $0xFFFFFFC0, v57  }
0x2de: {  	v3 =	vor.u32 v3, v4  }
0x2df: {  	v4 =	vperm.xlane v3, v0;
	_ =	sdelay $0x1  }
0x2e0: {  	v4 =	vadd.s32 v1, v4;
	_ =	sdelay $0x3  }
0x2e1: {  	s18 =	simm.s32 $0x10200  }
0x2e2: {  	[tilespmem:s18], [sflag:$0x5] =	stream.indirect_vreg.gather [hbm4b:s1+s3], $0x80, v4, vm0, $0xb8;
	[tilespmem:$0x1C200] =	vst v63  }
0x2e3: {  	s14 =	simm.s32 $0x10A00;
	v3 =	vperm.xlane v3, v2  }
0x2e4: {  	[tilespmem:s14], [sflag:$0x5] =	stream.indirect_vreg.gather [hbm4b:s5+s3], $0x80, v4, vm0, $0xb8;
	[tilespmem:$0x1C200] =	vst v63  }
0x2e5: {  	v3 =	vadd.s32 v1, v3;
	s14 =	simm.s32 $0x11200  }
0x2e6: {  	[tilespmem:s14], [sflag:$0x5] =	stream.indirect_vreg.gather [hbm4b:s6+s3], $0x80, v4, vm0, $0xb8;
	[tilespmem:$0x1C200] =	vst v63  }
0x2e7: {  	s14 =	simm.s32 $0x11A00  }
0x2e8: {  	[tilespmem:s14], [sflag:$0x5] =	stream.indirect_vreg.gather [hbm4b:s7+s3], $0x80, v4, vm0, $0xb8;
	[tilespmem:$0x1C200] =	vst v63  }
0x2e9: {  	s14 =	simm.s32 $0x12200  }
0x2ea: {  	[tilespmem:s14], [sflag:$0x5] =	stream.indirect_vreg.gather [hbm4b:s1+s3], $0x80, v3, vm0, $0xb8;
	[tilespmem:$0x1C200] =	vst v63  }
0x2eb: {  	s14 =	simm.s32 $0x12A00  }
0x2ec: {  	[tilespmem:s14], [sflag:$0x5] =	stream.indirect_vreg.gather [hbm4b:s5+s3], $0x80, v3, vm0, $0xb8;
	[tilespmem:$0x1C200] =	vst v63  }
0x2ed: {  	s14 =	simm.s32 $0x13200  }
0x2ee: {  	[tilespmem:s14], [sflag:$0x5] =	stream.indirect_vreg.gather [hbm4b:s6+s3], $0x80, v3, vm0, $0xb8;
	[tilespmem:$0x1C200] =	vst v63  }
0x2ef: {  	s14 =	simm.s32 $0x13A00  }
0x2f0: {  	[tilespmem:s14], [sflag:$0x5] =	stream.indirect_vreg.gather [hbm4b:s7+s3], $0x80, v3, vm0, $0xb8;
	[tilespmem:$0x1C200] =	vst v63  }
0x2f1: {  	_ =	swait.ge [sflag:s20], $0x4000  }
0x2f2: {  	[sflag:s20] =	ssyncset.done $0x0  }
0x2f3: {  	s4 =	simm.s32 $0x200;
	s14 =	rddreg [dreg:$0x19];
	[sflag:s20] =	ssyncadd.s32 $0xFFFFC000  }
0x2f4: {  	[hbm4b:s14+s3] =	stream.linear.scatter [tilespmem:s4], [sflag:$0x8], $0x4000, $0x38;
	[tilespmem:$0x1C200] =	vst v63  }
0x2f5: {  	_ =	swait.ge [sflag:s13], $0x4000  }
0x2f6: {  	[sflag:s13] =	ssyncset.done $0x0  }
0x2f7: {  	[sflag:s13] =	ssyncadd.s32 $0xFFFFC000  }
0x2f8: {  	v3 =	vld [tilespmem:$0x1A0];
	_ =	sdelay $0x4  }
0x2f9: {  	v58 =	vshll.u32 v3, $0x3  }
0x2fa: {  	v3 =	vand.u32 $0x7, v3;
	v4 =	vand.u32 $0xFFFFFFC0, v58  }
0x2fb: {  	v3 =	vor.u32 v3, v4  }
0x2fc: {  	v4 =	vperm.xlane v3, v0;
	_ =	sdelay $0x1  }
0x2fd: {  	v4 =	vadd.s32 v1, v4;
	_ =	sdelay $0x3  }
0x2fe: {  	s15 =	simm.s32 $0x14200  }
0x2ff: {  	[tilespmem:s15], [sflag:$0x6] =	stream.indirect_vreg.gather [hbm4b:s1+s3], $0x80, v4, vm0, $0xb8;
	[tilespmem:$0x1C200] =	vst v63  }
0x300: {  	s14 =	simm.s32 $0x14A00;
	v3 =	vperm.xlane v3, v2  }
0x301: {  	[tilespmem:s14], [sflag:$0x6] =	stream.indirect_vreg.gather [hbm4b:s5+s3], $0x80, v4, vm0, $0xb8;
	[tilespmem:$0x1C200] =	vst v63  }
0x302: {  	s26 =	simm.s32 $0x15200;
	v3 =	vadd.s32 v1, v3  }
0x303: {  	[tilespmem:s26], [sflag:$0x6] =	stream.indirect_vreg.gather [hbm4b:s6+s3], $0x80, v4, vm0, $0xb8;
	[tilespmem:$0x1C200] =	vst v63  }
0x304: {  	s26 =	simm.s32 $0x15A00  }
0x305: {  	[tilespmem:s26], [sflag:$0x6] =	stream.indirect_vreg.gather [hbm4b:s7+s3], $0x80, v4, vm0, $0xb8;
	[tilespmem:$0x1C200] =	vst v63  }
0x306: {  	s26 =	simm.s32 $0x16200  }
0x307: {  	[tilespmem:s26], [sflag:$0x6] =	stream.indirect_vreg.gather [hbm4b:s1+s3], $0x80, v3, vm0, $0xb8;
	[tilespmem:$0x1C200] =	vst v63  }
0x308: {  	s26 =	simm.s32 $0x16A00  }
0x309: {  	[tilespmem:s26], [sflag:$0x6] =	stream.indirect_vreg.gather [hbm4b:s5+s3], $0x80, v3, vm0, $0xb8;
	[tilespmem:$0x1C200] =	vst v63  }
0x30a: {  	s26 =	simm.s32 $0x17200  }
0x30b: {  	[tilespmem:s26], [sflag:$0x6] =	stream.indirect_vreg.gather [hbm4b:s6+s3], $0x80, v3, vm0, $0xb8;
	[tilespmem:$0x1C200] =	vst v63  }
0x30c: {  	s26 =	simm.s32 $0x17A00  }
0x30d: {  	[tilespmem:s26], [sflag:$0x6] =	stream.indirect_vreg.gather [hbm4b:s7+s3], $0x80, v3, vm0, $0xb8;
	[tilespmem:$0x1C200] =	vst v63  }
0x30e: {  	_ =	swait.ge [sflag:s22], $0x4000  }
0x30f: {  	[sflag:s22] =	ssyncset.done $0x0  }
0x310: {  	s26 =	simm.s32 $0x4200;
	s14 =	rddreg [dreg:$0x1a];
	[sflag:s22] =	ssyncadd.s32 $0xFFFFC000  }
0x311: {  	[hbm4b:s14+s3] =	stream.linear.scatter [tilespmem:s26], [sflag:$0x9], $0x4000, $0x38;
	[tilespmem:$0x1C200] =	vst v63  }
0x312: {  	_ =	swait.ge [sflag:s8], $0x4000  }
0x313: {  	[sflag:s8] =	ssyncset.done $0x0  }
0x314: {  	[sflag:s8] =	ssyncadd.s32 $0xFFFFC000  }
0x315: {  	v3 =	vld [tilespmem:$0x1B0];
	_ =	sdelay $0x4  }
0x316: {  	v59 =	vshll.u32 v3, $0x3  }
0x317: {  	v3 =	vand.u32 $0x7, v3;
	v4 =	vand.u32 $0xFFFFFFC0, v59  }
0x318: {  	v3 =	vor.u32 v3, v4  }
0x319: {  	v4 =	vperm.xlane v3, v0;
	_ =	sdelay $0x1  }
0x31a: {  	v4 =	vadd.s32 v1, v4;
	_ =	sdelay $0x4  }
0x31b: {  	[tilespmem:s16], [sflag:$0x7] =	stream.indirect_vreg.gather [hbm4b:s1+s3], $0x80, v4, vm0, $0xb8;
	[tilespmem:$0x1C200] =	vst v63  }
0x31c: {  	s14 =	simm.s32 $0x18A00;
	v3 =	vperm.xlane v3, v2  }
0x31d: {  	[tilespmem:s14], [sflag:$0x7] =	stream.indirect_vreg.gather [hbm4b:s5+s3], $0x80, v4, vm0, $0xb8;
	[tilespmem:$0x1C200] =	vst v63  }
0x31e: {  	v3 =	vadd.s32 v1, v3;
	s14 =	simm.s32 $0x19200  }
0x31f: {  	[tilespmem:s14], [sflag:$0x7] =	stream.indirect_vreg.gather [hbm4b:s6+s3], $0x80, v4, vm0, $0xb8;
	[tilespmem:$0x1C200] =	vst v63  }
0x320: {  	s14 =	simm.s32 $0x19A00  }
0x321: {  	[tilespmem:s14], [sflag:$0x7] =	stream.indirect_vreg.gather [hbm4b:s7+s3], $0x80, v4, vm0, $0xb8;
	[tilespmem:$0x1C200] =	vst v63  }
0x322: {  	s14 =	simm.s32 $0x1A200  }
0x323: {  	[tilespmem:s14], [sflag:$0x7] =	stream.indirect_vreg.gather [hbm4b:s1+s3], $0x80, v3, vm0, $0xb8;
	[tilespmem:$0x1C200] =	vst v63  }
0x324: {  	s14 =	simm.s32 $0x1AA00  }
0x325: {  	[tilespmem:s14], [sflag:$0x7] =	stream.indirect_vreg.gather [hbm4b:s5+s3], $0x80, v3, vm0, $0xb8;
	[tilespmem:$0x1C200] =	vst v63  }
0x326: {  	s14 =	simm.s32 $0x1B200  }
0x327: {  	[tilespmem:s14], [sflag:$0x7] =	stream.indirect_vreg.gather [hbm4b:s6+s3], $0x80, v3, vm0, $0xb8;
	[tilespmem:$0x1C200] =	vst v63  }
0x328: {  	s14 =	simm.s32 $0x1BA00  }
0x329: {  	[tilespmem:s14], [sflag:$0x7] =	stream.indirect_vreg.gather [hbm4b:s7+s3], $0x80, v3, vm0, $0xb8;
	[tilespmem:$0x1C200] =	vst v63  }
0x32a: {  	_ =	swait.ge [sflag:s24], $0x4000  }
0x32b: {  	[sflag:s24] =	ssyncset.done $0x0  }
0x32c: {  	s10 =	simm.s32 $0x8200;
	s14 =	rddreg [dreg:$0x1b];
	[sflag:s24] =	ssyncadd.s32 $0xFFFFC000  }
0x32d: {  	[hbm4b:s14+s3] =	stream.linear.scatter [tilespmem:s10], [sflag:$0xA], $0x4000, $0x38;
	[tilespmem:$0x1C200] =	vst v63  }
0x32e: {  	_ =	swait.ge [sflag:s25], $0x4000  }
0x32f: {  	[sflag:s25] =	ssyncset.done $0x0  }
0x330: {  	[sflag:s25] =	ssyncadd.s32 $0xFFFFC000  }
0x331: {  	v3 =	vld [tilespmem:$0x1C0];
	_ =	sdelay $0x4  }
0x332: {  	v60 =	vshll.u32 v3, $0x3  }
0x333: {  	v3 =	vand.u32 $0x7, v3;
	v4 =	vand.u32 $0xFFFFFFC0, v60  }
0x334: {  	v3 =	vor.u32 v3, v4  }
0x335: {  	v4 =	vperm.xlane v3, v0;
	_ =	sdelay $0x1  }
0x336: {  	v4 =	vadd.s32 v1, v4;
	_ =	sdelay $0x4  }
0x337: {  	[tilespmem:s4], [sflag:$0x1] =	stream.indirect_vreg.gather [hbm4b:s1+s3], $0x80, v4, vm0, $0xb8;
	[tilespmem:$0x1C200] =	vst v63  }
0x338: {  	s14 =	simm.s32 $0xA00;
	v3 =	vperm.xlane v3, v2  }
0x339: {  	[tilespmem:s14], [sflag:$0x1] =	stream.indirect_vreg.gather [hbm4b:s5+s3], $0x80, v4, vm0, $0xb8;
	[tilespmem:$0x1C200] =	vst v63  }
0x33a: {  	v3 =	vadd.s32 v1, v3;
	s14 =	simm.s32 $0x1200  }
0x33b: {  	[tilespmem:s14], [sflag:$0x1] =	stream.indirect_vreg.gather [hbm4b:s6+s3], $0x80, v4, vm0, $0xb8;
	[tilespmem:$0x1C200] =	vst v63  }
0x33c: {  	s14 =	simm.s32 $0x1A00  }
0x33d: {  	[tilespmem:s14], [sflag:$0x1] =	stream.indirect_vreg.gather [hbm4b:s7+s3], $0x80, v4, vm0, $0xb8;
	[tilespmem:$0x1C200] =	vst v63  }
0x33e: {  	s14 =	simm.s32 $0x2200  }
0x33f: {  	[tilespmem:s14], [sflag:$0x1] =	stream.indirect_vreg.gather [hbm4b:s1+s3], $0x80, v3, vm0, $0xb8;
	[tilespmem:$0x1C200] =	vst v63  }
0x340: {  	_ = 	snop  }
0x341: {  	[tilespmem:s19], [sflag:$0x1] =	stream.indirect_vreg.gather [hbm4b:s5+s3], $0x80, v3, vm0, $0xb8;
	[tilespmem:$0x1C200] =	vst v63  }
0x342: {  	s19 =	simm.s32 $0x3200  }
0x343: {  	[tilespmem:s19], [sflag:$0x1] =	stream.indirect_vreg.gather [hbm4b:s6+s3], $0x80, v3, vm0, $0xb8;
	[tilespmem:$0x1C200] =	vst v63  }
0x344: {  	_ = 	snop  }
0x345: {  	[tilespmem:s17], [sflag:$0x1] =	stream.indirect_vreg.gather [hbm4b:s7+s3], $0x80, v3, vm0, $0xb8;
	[tilespmem:$0x1C200] =	vst v63  }
0x346: {  	_ =	swait.ge [sflag:s28], $0x4000  }
0x347: {  	[sflag:s28] =	ssyncset.done $0x0  }
0x348: {  	s17 =	simm.s32 $0xC200;
	s19 =	rddreg [dreg:$0x1c];
	[sflag:s28] =	ssyncadd.s32 $0xFFFFC000  }
0x349: {  	[hbm4b:s19+s3] =	stream.linear.scatter [tilespmem:s17], [sflag:$0xB], $0x4000, $0x38;
	[tilespmem:$0x1C200] =	vst v63  }
0x34a: {  	_ =	swait.ge [sflag:s29], $0x4000  }
0x34b: {  	[sflag:s29] =	ssyncset.done $0x0  }
0x34c: {  	[sflag:s29] =	ssyncadd.s32 $0xFFFFC000  }
0x34d: {  	v3 =	vld [tilespmem:$0x1D0];
	_ =	sdelay $0x4  }
0x34e: {  	v61 =	vshll.u32 v3, $0x3  }
0x34f: {  	v3 =	vand.u32 $0x7, v3;
	v4 =	vand.u32 $0xFFFFFFC0, v61  }
0x350: {  	v3 =	vor.u32 v3, v4  }
0x351: {  	v4 =	vperm.xlane v3, v0;
	_ =	sdelay $0x1  }
0x352: {  	v4 =	vadd.s32 v1, v4;
	_ =	sdelay $0x4  }
0x353: {  	[tilespmem:s26], [sflag:$0x2] =	stream.indirect_vreg.gather [hbm4b:s1+s3], $0x80, v4, vm0, $0xb8;
	[tilespmem:$0x1C200] =	vst v63  }
0x354: {  	v3 =	vperm.xlane v3, v2;
	s26 =	simm.s32 $0x4A00  }
0x355: {  	[tilespmem:s26], [sflag:$0x2] =	stream.indirect_vreg.gather [hbm4b:s5+s3], $0x80, v4, vm0, $0xb8;
	[tilespmem:$0x1C200] =	vst v63  }
0x356: {  	v3 =	vadd.s32 v1, v3;
	s26 =	simm.s32 $0x5200  }
0x357: {  	[tilespmem:s26], [sflag:$0x2] =	stream.indirect_vreg.gather [hbm4b:s6+s3], $0x80, v4, vm0, $0xb8;
	[tilespmem:$0x1C200] =	vst v63  }
0x358: {  	s26 =	simm.s32 $0x5A00  }
0x359: {  	[tilespmem:s26], [sflag:$0x2] =	stream.indirect_vreg.gather [hbm4b:s7+s3], $0x80, v4, vm0, $0xb8;
	[tilespmem:$0x1C200] =	vst v63  }
0x35a: {  	s26 =	simm.s32 $0x6200  }
0x35b: {  	[tilespmem:s26], [sflag:$0x2] =	stream.indirect_vreg.gather [hbm4b:s1+s3], $0x80, v3, vm0, $0xb8;
	[tilespmem:$0x1C200] =	vst v63  }
0x35c: {  	s26 =	simm.s32 $0x6A00  }
0x35d: {  	[tilespmem:s26], [sflag:$0x2] =	stream.indirect_vreg.gather [hbm4b:s5+s3], $0x80, v3, vm0, $0xb8;
	[tilespmem:$0x1C200] =	vst v63  }
0x35e: {  	_ = 	snop  }
0x35f: {  	[tilespmem:s21], [sflag:$0x2] =	stream.indirect_vreg.gather [hbm4b:s6+s3], $0x80, v3, vm0, $0xb8;
	[tilespmem:$0x1C200] =	vst v63  }
0x360: {  	s21 =	simm.s32 $0x7A00  }
0x361: {  	[tilespmem:s21], [sflag:$0x2] =	stream.indirect_vreg.gather [hbm4b:s7+s3], $0x80, v3, vm0, $0xb8;
	[tilespmem:$0x1C200] =	vst v63  }
0x362: {  	_ =	swait.ge [sflag:s2], $0x4000  }
0x363: {  	[sflag:s2] =	ssyncset.done $0x0  }
0x364: {  	s26 =	rddreg [dreg:$0x1d];
	[sflag:s2] =	ssyncadd.s32 $0xFFFFC000  }
0x365: {  	[hbm4b:s26+s3] =	stream.linear.scatter [tilespmem:s18], [sflag:$0xC], $0x4000, $0x38;
	[tilespmem:$0x1C200] =	vst v63  }
0x366: {  	_ =	swait.ge [sflag:s31], $0x4000  }
0x367: {  	[sflag:s31] =	ssyncset.done $0x0  }
0x368: {  	[sflag:s31] =	ssyncadd.s32 $0xFFFFC000  }
0x369: {  	v3 =	vld [tilespmem:$0x1E0];
	_ =	sdelay $0x4  }
0x36a: {  	v62 =	vshll.u32 v3, $0x3  }
0x36b: {  	v3 =	vand.u32 $0x7, v3;
	v4 =	vand.u32 $0xFFFFFFC0, v62  }
0x36c: {  	v3 =	vor.u32 v3, v4  }
0x36d: {  	v4 =	vperm.xlane v3, v0;
	_ =	sdelay $0x1  }
0x36e: {  	v4 =	vadd.s32 v1, v4;
	_ =	sdelay $0x4  }
0x36f: {  	[tilespmem:s10], [sflag:$0x3] =	stream.indirect_vreg.gather [hbm4b:s1+s3], $0x80, v4, vm0, $0xb8;
	[tilespmem:$0x1C200] =	vst v63  }
0x370: {  	s14 =	simm.s32 $0x8A00;
	v3 =	vperm.xlane v3, v2  }
0x371: {  	[tilespmem:s14], [sflag:$0x3] =	stream.indirect_vreg.gather [hbm4b:s5+s3], $0x80, v4, vm0, $0xb8;
	[tilespmem:$0x1C200] =	vst v63  }
0x372: {  	s18 =	simm.s32 $0x9200;
	v3 =	vadd.s32 v1, v3  }
0x373: {  	[tilespmem:s18], [sflag:$0x3] =	stream.indirect_vreg.gather [hbm4b:s6+s3], $0x80, v4, vm0, $0xb8;
	[tilespmem:$0x1C200] =	vst v63  }
0x374: {  	s21 =	simm.s32 $0x9A00  }
0x375: {  	[tilespmem:s21], [sflag:$0x3] =	stream.indirect_vreg.gather [hbm4b:s7+s3], $0x80, v4, vm0, $0xb8;
	[tilespmem:$0x1C200] =	vst v63  }
0x376: {  	s26 =	simm.s32 $0xA200  }
0x377: {  	[tilespmem:s26], [sflag:$0x3] =	stream.indirect_vreg.gather [hbm4b:s1+s3], $0x80, v3, vm0, $0xb8;
	[tilespmem:$0x1C200] =	vst v63  }
0x378: {  	_ = 	snop  }
0x379: {  	[tilespmem:s23], [sflag:$0x3] =	stream.indirect_vreg.gather [hbm4b:s5+s3], $0x80, v3, vm0, $0xb8;
	[tilespmem:$0x1C200] =	vst v63  }
0x37a: {  	_ = 	snop  }
0x37b: {  	[tilespmem:s30], [sflag:$0x3] =	stream.indirect_vreg.gather [hbm4b:s6+s3], $0x80, v3, vm0, $0xb8;
	[tilespmem:$0x1C200] =	vst v63  }
0x37c: {  	s30 =	simm.s32 $0xBA00  }
0x37d: {  	[tilespmem:s30], [sflag:$0x3] =	stream.indirect_vreg.gather [hbm4b:s7+s3], $0x80, v3, vm0, $0xb8;
	[tilespmem:$0x1C200] =	vst v63  }
0x37e: {  	_ =	swait.ge [sflag:s9], $0x4000  }
0x37f: {  	[sflag:s9] =	ssyncset.done $0x0  }
0x380: {  	s2 =	rddreg [dreg:$0x1e];
	[sflag:s9] =	ssyncadd.s32 $0xFFFFC000  }
0x381: {  	[hbm4b:s2+s3] =	stream.linear.scatter [tilespmem:s15], [sflag:$0xD], $0x4000, $0x38;
	[tilespmem:$0x1C200] =	vst v63  }
0x382: {  	_ =	swait.ge [sflag:s0], $0x4000  }
0x383: {  	[sflag:s0] =	ssyncset.done $0x0  }
0x384: {  	[sflag:s0] =	ssyncadd.s32 $0xFFFFC000  }
0x385: {  	v3 =	vld [tilespmem:$0x1F0];
	_ =	sdelay $0x4  }
0x386: {  	v63 =	vshll.u32 v3, $0x3  }
0x387: {  	v3 =	vand.u32 $0x7, v3;
	v4 =	vand.u32 $0xFFFFFFC0, v63  }
0x388: {  	v3 =	vor.u32 v3, v4  }
0x389: {  	v4 =	vperm.xlane v3, v0;
	_ =	sdelay $0x1  }
0x38a: {  	v4 =	vadd.s32 v1, v4;
	_ =	sdelay $0x4  }
0x38b: {  	[tilespmem:s17], [sflag:$0x4] =	stream.indirect_vreg.gather [hbm4b:s1+s3], $0x80, v4, vm0, $0xb8;
	[tilespmem:$0x1C200] =	vst v63  }
0x38c: {  	s18 =	simm.s32 $0xCA00;
	v3 =	vperm.xlane v3, v2  }
0x38d: {  	[tilespmem:s18], [sflag:$0x4] =	stream.indirect_vreg.gather [hbm4b:s5+s3], $0x80, v4, vm0, $0xb8;
	[tilespmem:$0x1C200] =	vst v63  }
0x38e: {  	s21 =	simm.s32 $0xD200;
	v3 =	vadd.s32 v1, v3  }
0x38f: {  	[tilespmem:s21], [sflag:$0x4] =	stream.indirect_vreg.gather [hbm4b:s6+s3], $0x80, v4, vm0, $0xb8;
	[tilespmem:$0x1C200] =	vst v63  }
0x390: {  	s23 =	simm.s32 $0xDA00  }
0x391: {  	[tilespmem:s23], [sflag:$0x4] =	stream.indirect_vreg.gather [hbm4b:s7+s3], $0x80, v4, vm0, $0xb8;
	[tilespmem:$0x1C200] =	vst v63  }
0x392: {  	s26 =	simm.s32 $0xE200  }
0x393: {  	[tilespmem:s26], [sflag:$0x4] =	stream.indirect_vreg.gather [hbm4b:s1+s3], $0x80, v3, vm0, $0xb8;
	[tilespmem:$0x1C200] =	vst v63  }
0x394: {  	s30 =	simm.s32 $0xEA00  }
0x395: {  	[tilespmem:s30], [sflag:$0x4] =	stream.indirect_vreg.gather [hbm4b:s5+s3], $0x80, v3, vm0, $0xb8;
	[tilespmem:$0x1C200] =	vst v63  }
0x396: {  	s14 =	simm.s32 $0xF200  }
0x397: {  	[tilespmem:s14], [sflag:$0x4] =	stream.indirect_vreg.gather [hbm4b:s6+s3], $0x80, v3, vm0, $0xb8;
	[tilespmem:$0x1C200] =	vst v63  }
0x398: {  	s15 =	simm.s32 $0xFA00  }
0x399: {  	[tilespmem:s15], [sflag:$0x4] =	stream.indirect_vreg.gather [hbm4b:s7+s3], $0x80, v3, vm0, $0xb8;
	[tilespmem:$0x1C200] =	vst v63  }
0x39a: {  	_ =	swait.ge [sflag:s11], $0x4000  }
0x39b: {  	[sflag:s11] =	ssyncset.done $0x0  }
0x39c: {  	s16 =	simm.s32 $0x18200;
	s17 =	rddreg [dreg:$0x1f];
	[sflag:s11] =	ssyncadd.s32 $0xFFFFC000  }
0x39d: {  	[hbm4b:s17+s3] =	stream.linear.scatter [tilespmem:s16], [sflag:$0xE], $0x4000, $0x38;
	[tilespmem:$0x1C200] =	vst v63  }
0x39e: {  	_ =	swait.ge [sflag:s20], $0x4000  }
0x39f: {  	s18 =	sld [smem:$0x7F9]  }
0x3a0: {  	[sflag:s20] =	ssyncset.done $0x0  }
0x3a1: {  	s4 =	simm.s32 $0x200;
	[sflag:s20] =	ssyncadd.s32 $0xFFFFC000  }
0x3a2: {  	[hbm4b:s18+s3] =	stream.linear.scatter [tilespmem:s4], [sflag:$0x8], $0x4000, $0x38;
	[tilespmem:$0x1C200] =	vst v63  }
0x3a3: {  	_ =	swait.ge [sflag:s22], $0x4000  }
0x3a4: {  	s21 =	sld [smem:$0x7FA]  }
0x3a5: {  	[sflag:s22] =	ssyncset.done $0x0  }
0x3a6: {  	s19 =	simm.s32 $0x4200;
	[sflag:s22] =	ssyncadd.s32 $0xFFFFC000  }
0x3a7: {  	[hbm4b:s21+s3] =	stream.linear.scatter [tilespmem:s19], [sflag:$0x9], $0x4000, $0x38;
	[tilespmem:$0x1C200] =	vst v63  }
0x3a8: {  	_ =	swait.ge [sflag:s24], $0x4000  }
0x3a9: {  	s23 =	sld [smem:$0x7FB]  }
0x3aa: {  	[sflag:s24] =	ssyncset.done $0x0  }
0x3ab: {  	[sflag:s24] =	ssyncadd.s32 $0xFFFFC000  }
0x3ac: {  	[hbm4b:s23+s3] =	stream.linear.scatter [tilespmem:s10], [sflag:$0xA], $0x4000, $0x38;
	[tilespmem:$0x1C200] =	vst v63  }
0x3ad: {  	_ =	swait.ge [sflag:s28], $0x4000  }
0x3ae: {  	s26 =	sld [smem:$0x7FD]  }
0x3af: {  	[sflag:s28] =	ssyncset.done $0x0  }
0x3b0: {  	s2 =	simm.s32 $0xC200;
	[sflag:s28] =	ssyncadd.s32 $0xFFFFC000  }
0x3b1: {  	[hbm4b:s26+s3] =	stream.linear.scatter [tilespmem:s2], [sflag:$0xB], $0x4000, $0x38;
	[tilespmem:$0x1C200] =	vst v63  }
0x3b2: {  	s30 =	sld [smem:$0x7F8];
	_ =	swait.ge [sflag:s12], $0x4000  }
0x3b3: {  	[sflag:s12] =	ssyncset.done $0x0  }
0x3b4: {  	[sflag:s12] =	ssyncadd.s32 $0xFFFFC000  }
0x3b5: {  	_ =	swait.ge [sflag:s13], $0x4000  }
0x3b6: {  	[sflag:s13] =	ssyncset.done $0x0  }
0x3b7: {  	[sflag:s13] =	ssyncadd.s32 $0xFFFFC000  }
0x3b8: {  	_ =	swait.ge [sflag:s8], $0x4000  }
0x3b9: {  	[sflag:s8] =	ssyncset.done $0x0  }
0x3ba: {  	[sflag:s8] =	ssyncadd.s32 $0xFFFFC000  }
0x3bb: {  	_ =	swait.ge [sflag:s25], $0x4000  }
0x3bc: {  	[sflag:s25] =	ssyncset.done $0x0  }
0x3bd: {  	[sflag:s25] =	ssyncadd.s32 $0xFFFFC000  }
0x3be: {  	_ =	swait.ge [sflag:s29], $0x4000  }
0x3bf: {  	[sflag:s29] =	ssyncset.done $0x0  }
0x3c0: {  	[sflag:s29] =	ssyncadd.s32 $0xFFFFC000  }
0x3c1: {  	p0 =	sne.s32 s30, $0x1;
	_ =	swait.ge [sflag:s31], $0x4000  }
.Ltmp0:
0x3c2: {  	[sflag:s31] =	ssyncset.done $0x0;
	(pc) =	sbr.rel @p0 .LBB2_1-.Ltmp0, $4  }
0x3c3: {  	[sflag:s31] =	ssyncadd.s32 $0xFFFFC000  }
0x3c4: {  	_ =	swait.ge [sflag:s0], $0x4000  }
0x3c5: {  	[sflag:s0] =	ssyncset.done $0x0  }
0x3c6: {  	s2 =	sadd.s32 $0xFFFFFFFF, s30;
	[sflag:s0] =	ssyncadd.s32 $0xFFFFC000  }
0x3c7: {  	_ =	sfence.sel $0x180000  }
0x3c8: {  	[bflag:$0x0] =	sbarrier.arrive $0xFFFF  }
0x3c9: {  	_ =	strace $0x90000047  }
0x3ca: {  	s0 =	stileid.u32;
	[bflag:$0x2] =	sbarrier.arrive $0xFFFF  }
0x3cb: {  	p0 =	sne.s32 s0, $0x0;
	s0 =	rddreg [dreg:$0x3]  }
0x3cc: {  	s0 =	sadd.s32 @!p0 $0x100000, s0  }
0x3cd: {  	[sflag:s0] =	ssyncadd.tile.s32 @!p0 $0x1;
	_ =	shalt  }
.Lfunc_end2:
_tile_overlayer_lowered:
.L_overlay_start_2:
0x3ce: {  	(tag) =	ssettag $0x2  }
0x3cf: {  	s0 =	rddreg [dreg:$0x0];
	s2 =	stileid.u32  }
0x3d0: {  	s1 =	rddreg [dreg:$0x1];
	p0 =	sne.s32 s2, $0x0  }
0x3d1: {  	s3 =	rddreg [dreg:$0x2];
	[bflag:$0x3] =	sbarrier.arrive $0xFFFF;
	s2 =	simm.s32 @!p0 $0x1C0F  }
0x3d2: {  	[timem:s3], [sflag:s2] =	dma.local @!p0 [hbm:s0], s1  }
0x3d3: {  	s0 =	simm.s32 @!p0 $0xF  }
0x3d4: {  	_ =	swait.ge @!p0 [sflag:s0], s1  }
0x3d5: {  	s1 =	ssub.s32 @!p0 $0x0, s1;
	[sflag:s0] =	ssyncset.done @!p0 $0x0  }
0x3d6: {  	[sflag:s0] =	ssyncadd.s32 @!p0 s1  }
0x3d7: {  	[bflag:$0x3] =	sbarrier.arrive $0xFFFF  }
0x3d8: {  	_ =	shalt  }

</sc_bundles>
